<compile_context>
chip_gen: v7x
topology: tpu7x:2x2x1
jax: 0.10.2.dev20260603
libtpu: 0.0.44.dev20260713+nightly
codegen_flags: <defaults>
</compile_context>

<pallas_src>
import functools
import jax
import jax.numpy as jnp
from jax import lax
from jax.experimental import pallas as pl
from jax.experimental.pallas import tpu as pltpu
from jax.experimental.pallas import tpu_sc as plsc

B_ROWS = 4096
B_COLS = 200
D = 64
SCALE = 8.0

NUM_CORES = 2
NUM_SUBCORES = 16
NW = NUM_CORES * NUM_SUBCORES
ROWS_PER_W = B_ROWS // NW
NBUF = 4
ROW_UNROLL = 4

_mesh = plsc.VectorSubcoreMesh(core_axis_name="c", subcore_axis_name="s")


@functools.partial(
    pl.kernel,
    mesh=_mesh,
    out_type=jax.ShapeDtypeStruct((B_ROWS, B_COLS, D), jnp.float32),
    scratch_types=[
        pltpu.VMEM((ROWS_PER_W, B_COLS), jnp.int32),
        *[pltpu.VMEM((B_COLS, D), jnp.float32) for _ in range(NBUF)],
        *[pltpu.SemaphoreType.DMA for _ in range(2 * NBUF)],
    ],
    compiler_params=pltpu.CompilerParams(use_tc_tiling_on_sc=False),
)
def _emb_lookup(idx_hbm, table_hbm, out_hbm, idx_v, *bufs_and_sems):
    rows = bufs_and_sems[:NBUF]
    gsem = bufs_and_sems[NBUF:2 * NBUF]
    wsem = bufs_and_sems[2 * NBUF:]
    wid = lax.axis_index("s") * NUM_CORES + lax.axis_index("c")
    row0 = wid * ROWS_PER_W

    pltpu.sync_copy(idx_hbm.at[pl.ds(row0, ROWS_PER_W), :], idx_v)

    def start_gather(r, b):
        pltpu.make_async_copy(table_hbm.at[idx_v.at[r]], rows[b], gsem[b]).start()

    def wait_gather(r, b):
        pltpu.make_async_copy(table_hbm.at[idx_v.at[r]], rows[b], gsem[b]).wait()

    def start_write(r, b):
        pltpu.make_async_copy(rows[b], out_hbm.at[row0 + r], wsem[b]).start()

    def wait_write(r, b):
        pltpu.make_async_copy(rows[b], out_hbm.at[row0 + r], wsem[b]).wait()

    def scale_buf(b):
        def scale_rows(r, carry):
            q0 = r * ROW_UNROLL
            for dq in range(ROW_UNROLL):
                for jj in range(D // 16):
                    sl = pl.ds(16 * jj, 16)
                    rows[b][q0 + dq, sl] = rows[b][q0 + dq, sl] * SCALE
            return carry

        lax.fori_loop(0, B_COLS // ROW_UNROLL, scale_rows, 0)

    for b in range(NBUF):
        start_gather(b, b)

    def body(g, carry):
        j0 = g * NBUF
        for b in range(NBUF):
            wait_gather(j0 + b, b)
            scale_buf(b)
            start_write(j0 + b, b)
        for b in range(NBUF):
            wait_write(j0 + b, b)
            start_gather(j0 + NBUF + b, b)
        return carry

    lax.fori_loop(0, ROWS_PER_W // NBUF - 1, body, 0)

    jlast = ROWS_PER_W - NBUF
    for b in range(NBUF):
        wait_gather(jlast + b, b)
        scale_buf(b)
        start_write(jlast + b, b)
    for b in range(NBUF):
        wait_write(jlast + b, b)


def kernel(x, table):
    return _emb_lookup(x.astype(jnp.int32), table)

# --- scband reference (transcript-rebuilt; emitter-appended) ---
"""Pipeline reference for scband-embedding-48490180772610 (READ-ONLY COPY).

The authoritative reference and input builder live on the scoring server;
editing this copy changes nothing except your own understanding.
"""

import jax, jax.numpy as jnp
import numpy as np
import math

VOCAB_SIZE = 1000000
EMBED_DIM = 64

def setup_inputs(seed: int = 0) -> dict:
    key = jax.random.key(seed)
    k1, k2 = jax.random.split(key)
    x = jax.random.randint(k1, (4096, 200), 0, VOCAB_SIZE, dtype=jnp.int64 if jax.config.jax_enable_x64 else jnp.int32)
    table = jax.random.normal(k2, (VOCAB_SIZE, EMBED_DIM), dtype=jnp.float32)
    return {"x": x, "table": table}

def reference(x, table):
    # Embedding lookup scaled by sqrt(embedding_dim), faithful to the torch module
    emb = jnp.take(table, x, axis=0)
    return emb * math.sqrt(EMBED_DIM)

if __name__ == "__main__":
    import jax
    _d = setup_inputs()
    print(jax.jit(kernel)(*tuple(_d.values())))

</pallas_src>

<mosaic_0001>
#map = affine_map<(d0, d1) -> (0, 0)>
#map1 = affine_map<(d0, d1) -> (0, 0, 0)>
module attributes {stable_mosaic.version = 14 : i64} {
  func.func @_emb_lookup(%arg0: i32, %arg1: i32, %arg2: memref<4096x200xi32, #tpu.memory_space<hbm>>, %arg3: memref<1000000x64xf32, #tpu.memory_space<hbm>>, %arg4: memref<4096x200x64xf32, #tpu.memory_space<hbm>>, %arg5: memref<128x200xi32, #tpu.memory_space<vmem>>, %arg6: memref<200x64xf32, #tpu.memory_space<vmem>>, %arg7: memref<200x64xf32, #tpu.memory_space<vmem>>, %arg8: memref<200x64xf32, #tpu.memory_space<vmem>>, %arg9: memref<200x64xf32, #tpu.memory_space<vmem>>, %arg10: memref<!tpu.dma_semaphore, #tpu.memory_space<semaphore_mem>>, %arg11: memref<!tpu.dma_semaphore, #tpu.memory_space<semaphore_mem>>, %arg12: memref<!tpu.dma_semaphore, #tpu.memory_space<semaphore_mem>>, %arg13: memref<!tpu.dma_semaphore, #tpu.memory_space<semaphore_mem>>, %arg14: memref<!tpu.dma_semaphore, #tpu.memory_space<semaphore_mem>>, %arg15: memref<!tpu.dma_semaphore, #tpu.memory_space<semaphore_mem>>, %arg16: memref<!tpu.dma_semaphore, #tpu.memory_space<semaphore_mem>>, %arg17: memref<!tpu.dma_semaphore, #tpu.memory_space<semaphore_mem>>) attributes {dimension_semantics = [#tpu.dimension_semantics<core_parallel>, #tpu.dimension_semantics<subcore_parallel>], iteration_bounds = array<i64: 2, 16>, scalar_prefetch = 0 : i64, scratch_operands = 13 : i64, tpu.core_type = #tpu.core_type<sc_vector_subcore>, window_params = [{transform_indices = #map}, {transform_indices = #map}, {transform_indices = #map1}]} {
    %mul3A = arith.constant 2 : i32
    %mul3A_0 = arith.muli %arg1, %mul3A : i32
    %add3A = arith.addi %mul3A_0, %arg0 : i32
    %mul3A_1 = arith.constant 128 : i32
    %mul3A_2 = arith.muli %add3A, %mul3A_1 : i32
    "tpu.region"() ({
      %run_scoped3A = tpu.sem_alloc : memref<!tpu.dma_semaphore, #tpu.memory_space<semaphore_mem>>
      %dma_start3A_166 = arith.constant 0 : i32
      %dma_start3A_167 = tpu.memref_slice %arg2[%mul3A_2, %dma_start3A_166] : memref<4096x200xi32, #tpu.memory_space<hbm>> -> memref<128x200xi32, #tpu.memory_space<hbm>>
      %dma_start3A_168 = arith.constant 0 : i32
      %dma_start3A_169 = tpu.memref_slice %arg2[%mul3A_2, %dma_start3A_168] : memref<4096x200xi32, #tpu.memory_space<hbm>> -> memref<128x200xi32, #tpu.memory_space<hbm>>
      tpu.enqueue_dma source(%dma_start3A_169 : memref<128x200xi32, #tpu.memory_space<hbm>>) target(%arg5 : memref<128x200xi32, #tpu.memory_space<vmem>>) target_semaphore(%run_scoped3A : memref<!tpu.dma_semaphore, #tpu.memory_space<semaphore_mem>>)
      %dma_wait3A_170 = arith.constant 0 : i32
      %dma_wait3A_171 = tpu.memref_slice %arg2[%mul3A_2, %dma_wait3A_170] : memref<4096x200xi32, #tpu.memory_space<hbm>> -> memref<128x200xi32, #tpu.memory_space<hbm>>
      %dma_wait3A_172 = arith.constant 0 : i32
      %dma_wait3A_173 = tpu.memref_slice %arg2[%mul3A_2, %dma_wait3A_172] : memref<4096x200xi32, #tpu.memory_space<hbm>> -> memref<128x200xi32, #tpu.memory_space<hbm>>
      tpu.wait_dma2 semaphore(%run_scoped3A : memref<!tpu.dma_semaphore, #tpu.memory_space<semaphore_mem>>) src(%dma_wait3A_173 : memref<128x200xi32, #tpu.memory_space<hbm>>) dst(%arg5 : memref<128x200xi32, #tpu.memory_space<vmem>>)
      tpu.yield
    }) : () -> ()
    %dma_start3A = arith.constant 0 : i32
    %dma_start3A_3 = arith.constant 0 : i32
    %dma_start3A_4 = tpu.memref_slice %arg5[%dma_start3A, %dma_start3A_3] : memref<128x200xi32, #tpu.memory_space<vmem>> -> memref<1x200xi32, #tpu.memory_space<vmem>>
    %dma_start3A_5 = tpu.memref_squeeze %dma_start3A_4 : memref<1x200xi32, #tpu.memory_space<vmem>> -> memref<200xi32, #tpu.memory_space<vmem>>
    %dma_start3A_6 = arith.constant 0 : i32
    %dma_start3A_7 = arith.constant 0 : i32
    %dma_start3A_8 = tpu.memref_slice %arg3[%dma_start3A_6, %dma_start3A_7] : memref<1000000x64xf32, #tpu.memory_space<hbm>> -> memref<1000000x64xf32, #tpu.memory_space<hbm>>
    tpu.enqueue_indirect_dma source(%dma_start3A_8 : memref<1000000x64xf32, #tpu.memory_space<hbm>>) target(%arg6 : memref<200x64xf32, #tpu.memory_space<vmem>>) offsets(%dma_start3A_5 : memref<200xi32, #tpu.memory_space<vmem>>) semaphore(%arg10 : memref<!tpu.dma_semaphore, #tpu.memory_space<semaphore_mem>>)
    %dma_start3A_9 = arith.constant 1 : i32
    %dma_start3A_10 = arith.constant 0 : i32
    %dma_start3A_11 = tpu.memref_slice %arg5[%dma_start3A_9, %dma_start3A_10] : memref<128x200xi32, #tpu.memory_space<vmem>> -> memref<1x200xi32, #tpu.memory_space<vmem>>
    %dma_start3A_12 = tpu.memref_squeeze %dma_start3A_11 : memref<1x200xi32, #tpu.memory_space<vmem>> -> memref<200xi32, #tpu.memory_space<vmem>>
    %dma_start3A_13 = arith.constant 0 : i32
    %dma_start3A_14 = arith.constant 0 : i32
    %dma_start3A_15 = tpu.memref_slice %arg3[%dma_start3A_13, %dma_start3A_14] : memref<1000000x64xf32, #tpu.memory_space<hbm>> -> memref<1000000x64xf32, #tpu.memory_space<hbm>>
    tpu.enqueue_indirect_dma source(%dma_start3A_15 : memref<1000000x64xf32, #tpu.memory_space<hbm>>) target(%arg7 : memref<200x64xf32, #tpu.memory_space<vmem>>) offsets(%dma_start3A_12 : memref<200xi32, #tpu.memory_space<vmem>>) semaphore(%arg11 : memref<!tpu.dma_semaphore, #tpu.memory_space<semaphore_mem>>)
    %dma_start3A_16 = arith.constant 2 : i32
    %dma_start3A_17 = arith.constant 0 : i32
    %dma_start3A_18 = tpu.memref_slice %arg5[%dma_start3A_16, %dma_start3A_17] : memref<128x200xi32, #tpu.memory_space<vmem>> -> memref<1x200xi32, #tpu.memory_space<vmem>>
    %dma_start3A_19 = tpu.memref_squeeze %dma_start3A_18 : memref<1x200xi32, #tpu.memory_space<vmem>> -> memref<200xi32, #tpu.memory_space<vmem>>
    %dma_start3A_20 = arith.constant 0 : i32
    %dma_start3A_21 = arith.constant 0 : i32
    %dma_start3A_22 = tpu.memref_slice %arg3[%dma_start3A_20, %dma_start3A_21] : memref<1000000x64xf32, #tpu.memory_space<hbm>> -> memref<1000000x64xf32, #tpu.memory_space<hbm>>
    tpu.enqueue_indirect_dma source(%dma_start3A_22 : memref<1000000x64xf32, #tpu.memory_space<hbm>>) target(%arg8 : memref<200x64xf32, #tpu.memory_space<vmem>>) offsets(%dma_start3A_19 : memref<200xi32, #tpu.memory_space<vmem>>) semaphore(%arg12 : memref<!tpu.dma_semaphore, #tpu.memory_space<semaphore_mem>>)
    %dma_start3A_23 = arith.constant 3 : i32
    %dma_start3A_24 = arith.constant 0 : i32
    %dma_start3A_25 = tpu.memref_slice %arg5[%dma_start3A_23, %dma_start3A_24] : memref<128x200xi32, #tpu.memory_space<vmem>> -> memref<1x200xi32, #tpu.memory_space<vmem>>
    %dma_start3A_26 = tpu.memref_squeeze %dma_start3A_25 : memref<1x200xi32, #tpu.memory_space<vmem>> -> memref<200xi32, #tpu.memory_space<vmem>>
    %dma_start3A_27 = arith.constant 0 : i32
    %dma_start3A_28 = arith.constant 0 : i32
    %dma_start3A_29 = tpu.memref_slice %arg3[%dma_start3A_27, %dma_start3A_28] : memref<1000000x64xf32, #tpu.memory_space<hbm>> -> memref<1000000x64xf32, #tpu.memory_space<hbm>>
    tpu.enqueue_indirect_dma source(%dma_start3A_29 : memref<1000000x64xf32, #tpu.memory_space<hbm>>) target(%arg9 : memref<200x64xf32, #tpu.memory_space<vmem>>) offsets(%dma_start3A_26 : memref<200xi32, #tpu.memory_space<vmem>>) semaphore(%arg13 : memref<!tpu.dma_semaphore, #tpu.memory_space<semaphore_mem>>)
    %scan3A = arith.constant 0 : i32
    %scan3A_30 = arith.constant 0 : i32
    %scan3A_31 = arith.constant 31 : i32
    %scan3A_32 = arith.addi %scan3A_30, %scan3A_31 : i32
    %scan3A_33 = arith.constant 1 : i32
    scf.for %scan3A_166 = %scan3A_30 to %scan3A_32 step %scan3A_33  : i32 {
      %mul3A_167 = arith.constant 4 : i32
      %mul3A_168 = arith.muli %scan3A_166, %mul3A_167 : i32
      %add3A_169 = arith.constant 0 : i32
      %add3A_170 = arith.addi %mul3A_168, %add3A_169 : i32
      %dma_wait3A_171 = arith.constant 0 : i32
      %dma_wait3A_172 = tpu.memref_slice %arg5[%add3A_170, %dma_wait3A_171] : memref<128x200xi32, #tpu.memory_space<vmem>> -> memref<1x200xi32, #tpu.memory_space<vmem>>
      %dma_wait3A_173 = tpu.memref_squeeze %dma_wait3A_172 : memref<1x200xi32, #tpu.memory_space<vmem>> -> memref<200xi32, #tpu.memory_space<vmem>>
      %dma_wait3A_174 = arith.constant 0 : i32
      %dma_wait3A_175 = arith.constant 0 : i32
      %dma_wait3A_176 = tpu.memref_slice %arg3[%dma_wait3A_174, %dma_wait3A_175] : memref<1000000x64xf32, #tpu.memory_space<hbm>> -> memref<1000000x64xf32, #tpu.memory_space<hbm>>
      tpu.wait_indirect_dma semaphore(%arg10 : memref<!tpu.dma_semaphore, #tpu.memory_space<semaphore_mem>>) src(%dma_wait3A_176 : memref<1000000x64xf32, #tpu.memory_space<hbm>>) dst(%arg6 : memref<200x64xf32, #tpu.memory_space<vmem>>)
      %scan3A_177 = arith.constant 0 : i32
      %scan3A_178 = arith.constant 0 : i32
      %scan3A_179 = arith.constant 50 : i32
      %scan3A_180 = arith.addi %scan3A_178, %scan3A_179 : i32
      %scan3A_181 = arith.constant 1 : i32
      scf.for %scan3A_353 = %scan3A_178 to %scan3A_180 step %scan3A_181  : i32 {
        %mul3A_354 = arith.constant 4 : i32
        %mul3A_355 = arith.muli %scan3A_353, %mul3A_354 : i32
        %add3A_356 = arith.constant 0 : i32
        %add3A_357 = arith.addi %mul3A_355, %add3A_356 : i32
        %get3A = arith.index_cast %add3A_357 : i32 to index
        %get3A_358 = arith.constant 0 : index
        %get3A_359 = tpu.vector_load %arg6[%get3A, %get3A_358] {strides = array<i32>} : memref<200x64xf32, #tpu.memory_space<vmem>>, vector<1x16xf32>,
        %get3A_360 = vector.shape_cast %get3A_359 : vector<1x16xf32> to vector<16xf32>
        %mul3A_361 = arith.constant 8.000000e+00 : f32
        %mul3A_362 = vector.broadcast %mul3A_361 : f32 to vector<16xf32>
        %mul3A_363 = arith.mulf %get3A_360, %mul3A_362 : vector<16xf32>
        %add3A_364 = arith.constant 0 : i32
        %add3A_365 = arith.addi %mul3A_355, %add3A_364 : i32
        %swap3A = arith.index_cast %add3A_365 : i32 to index
        %swap3A_366 = arith.constant 0 : index
        %swap3A_367 = tpu.vector_load %arg6[%swap3A, %swap3A_366] {strides = array<i32>} : memref<200x64xf32, #tpu.memory_space<vmem>>, vector<1x16xf32>,
        %swap3A_368 = vector.shape_cast %swap3A_367 : vector<1x16xf32> to vector<16xf32>
        %swap3A_369 = vector.shape_cast %mul3A_363 : vector<16xf32> to vector<1x16xf32>
        tpu.vector_store %arg6[%swap3A, %swap3A_366], %swap3A_369 {strides = array<i32>} : memref<200x64xf32, #tpu.memory_space<vmem>>, vector<1x16xf32>,
        %add3A_370 = arith.constant 0 : i32
        %add3A_371 = arith.addi %mul3A_355, %add3A_370 : i32
        %get3A_372 = arith.index_cast %add3A_371 : i32 to index
        %get3A_373 = arith.constant 16 : index
        %get3A_374 = tpu.vector_load %arg6[%get3A_372, %get3A_373] {strides = array<i32>} : memref<200x64xf32, #tpu.memory_space<vmem>>, vector<1x16xf32>,
        %get3A_375 = vector.shape_cast %get3A_374 : vector<1x16xf32> to vector<16xf32>
        %mul3A_376 = arith.constant 8.000000e+00 : f32
        %mul3A_377 = vector.broadcast %mul3A_376 : f32 to vector<16xf32>
        %mul3A_378 = arith.mulf %get3A_375, %mul3A_377 : vector<16xf32>
        %add3A_379 = arith.constant 0 : i32
        %add3A_380 = arith.addi %mul3A_355, %add3A_379 : i32
        %swap3A_381 = arith.index_cast %add3A_380 : i32 to index
        %swap3A_382 = arith.constant 16 : index
        %swap3A_383 = tpu.vector_load %arg6[%swap3A_381, %swap3A_382] {strides = array<i32>} : memref<200x64xf32, #tpu.memory_space<vmem>>, vector<1x16xf32>,
        %swap3A_384 = vector.shape_cast %swap3A_383 : vector<1x16xf32> to vector<16xf32>
        %swap3A_385 = vector.shape_cast %mul3A_378 : vector<16xf32> to vector<1x16xf32>
        tpu.vector_store %arg6[%swap3A_381, %swap3A_382], %swap3A_385 {strides = array<i32>} : memref<200x64xf32, #tpu.memory_space<vmem>>, vector<1x16xf32>,
        %add3A_386 = arith.constant 0 : i32
        %add3A_387 = arith.addi %mul3A_355, %add3A_386 : i32
        %get3A_388 = arith.index_cast %add3A_387 : i32 to index
        %get3A_389 = arith.constant 32 : index
        %get3A_390 = tpu.vector_load %arg6[%get3A_388, %get3A_389] {strides = array<i32>} : memref<200x64xf32, #tpu.memory_space<vmem>>, vector<1x16xf32>,
        %get3A_391 = vector.shape_cast %get3A_390 : vector<1x16xf32> to vector<16xf32>
        %mul3A_392 = arith.constant 8.000000e+00 : f32
        %mul3A_393 = vector.broadcast %mul3A_392 : f32 to vector<16xf32>
        %mul3A_394 = arith.mulf %get3A_391, %mul3A_393 : vector<16xf32>
        %add3A_395 = arith.constant 0 : i32
        %add3A_396 = arith.addi %mul3A_355, %add3A_395 : i32
        %swap3A_397 = arith.index_cast %add3A_396 : i32 to index
        %swap3A_398 = arith.constant 32 : index
        %swap3A_399 = tpu.vector_load %arg6[%swap3A_397, %swap3A_398] {strides = array<i32>} : memref<200x64xf32, #tpu.memory_space<vmem>>, vector<1x16xf32>,
        %swap3A_400 = vector.shape_cast %swap3A_399 : vector<1x16xf32> to vector<16xf32>
        %swap3A_401 = vector.shape_cast %mul3A_394 : vector<16xf32> to vector<1x16xf32>
        tpu.vector_store %arg6[%swap3A_397, %swap3A_398], %swap3A_401 {strides = array<i32>} : memref<200x64xf32, #tpu.memory_space<vmem>>, vector<1x16xf32>,
        %add3A_402 = arith.constant 0 : i32
        %add3A_403 = arith.addi %mul3A_355, %add3A_402 : i32
        %get3A_404 = arith.index_cast %add3A_403 : i32 to index
        %get3A_405 = arith.constant 48 : index
        %get3A_406 = tpu.vector_load %arg6[%get3A_404, %get3A_405] {strides = array<i32>} : memref<200x64xf32, #tpu.memory_space<vmem>>, vector<1x16xf32>,
        %get3A_407 = vector.shape_cast %get3A_406 : vector<1x16xf32> to vector<16xf32>
        %mul3A_408 = arith.constant 8.000000e+00 : f32
        %mul3A_409 = vector.broadcast %mul3A_408 : f32 to vector<16xf32>
        %mul3A_410 = arith.mulf %get3A_407, %mul3A_409 : vector<16xf32>
        %add3A_411 = arith.constant 0 : i32
        %add3A_412 = arith.addi %mul3A_355, %add3A_411 : i32
        %swap3A_413 = arith.index_cast %add3A_412 : i32 to index
        %swap3A_414 = arith.constant 48 : index
        %swap3A_415 = tpu.vector_load %arg6[%swap3A_413, %swap3A_414] {strides = array<i32>} : memref<200x64xf32, #tpu.memory_space<vmem>>, vector<1x16xf32>,
        %swap3A_416 = vector.shape_cast %swap3A_415 : vector<1x16xf32> to vector<16xf32>
        %swap3A_417 = vector.shape_cast %mul3A_410 : vector<16xf32> to vector<1x16xf32>
        tpu.vector_store %arg6[%swap3A_413, %swap3A_414], %swap3A_417 {strides = array<i32>} : memref<200x64xf32, #tpu.memory_space<vmem>>, vector<1x16xf32>,
        %add3A_418 = arith.constant 1 : i32
        %add3A_419 = arith.addi %mul3A_355, %add3A_418 : i32
        %get3A_420 = arith.index_cast %add3A_419 : i32 to index
        %get3A_421 = arith.constant 0 : index
        %get3A_422 = tpu.vector_load %arg6[%get3A_420, %get3A_421] {strides = array<i32>} : memref<200x64xf32, #tpu.memory_space<vmem>>, vector<1x16xf32>,
        %get3A_423 = vector.shape_cast %get3A_422 : vector<1x16xf32> to vector<16xf32>
        %mul3A_424 = arith.constant 8.000000e+00 : f32
        %mul3A_425 = vector.broadcast %mul3A_424 : f32 to vector<16xf32>
        %mul3A_426 = arith.mulf %get3A_423, %mul3A_425 : vector<16xf32>
        %add3A_427 = arith.constant 1 : i32
        %add3A_428 = arith.addi %mul3A_355, %add3A_427 : i32
        %swap3A_429 = arith.index_cast %add3A_428 : i32 to index
        %swap3A_430 = arith.constant 0 : index
        %swap3A_431 = tpu.vector_load %arg6[%swap3A_429, %swap3A_430] {strides = array<i32>} : memref<200x64xf32, #tpu.memory_space<vmem>>, vector<1x16xf32>,
        %swap3A_432 = vector.shape_cast %swap3A_431 : vector<1x16xf32> to vector<16xf32>
        %swap3A_433 = vector.shape_cast %mul3A_426 : vector<16xf32> to vector<1x16xf32>
        tpu.vector_store %arg6[%swap3A_429, %swap3A_430], %swap3A_433 {strides = array<i32>} : memref<200x64xf32, #tpu.memory_space<vmem>>, vector<1x16xf32>,
        %add3A_434 = arith.constant 1 : i32
        %add3A_435 = arith.addi %mul3A_355, %add3A_434 : i32
        %get3A_436 = arith.index_cast %add3A_435 : i32 to index
        %get3A_437 = arith.constant 16 : index
        %get3A_438 = tpu.vector_load %arg6[%get3A_436, %get3A_437] {strides = array<i32>} : memref<200x64xf32, #tpu.memory_space<vmem>>, vector<1x16xf32>,
        %get3A_439 = vector.shape_cast %get3A_438 : vector<1x16xf32> to vector<16xf32>
        %mul3A_440 = arith.constant 8.000000e+00 : f32
        %mul3A_441 = vector.broadcast %mul3A_440 : f32 to vector<16xf32>
        %mul3A_442 = arith.mulf %get3A_439, %mul3A_441 : vector<16xf32>
        %add3A_443 = arith.constant 1 : i32
        %add3A_444 = arith.addi %mul3A_355, %add3A_443 : i32
        %swap3A_445 = arith.index_cast %add3A_444 : i32 to index
        %swap3A_446 = arith.constant 16 : index
        %swap3A_447 = tpu.vector_load %arg6[%swap3A_445, %swap3A_446] {strides = array<i32>} : memref<200x64xf32, #tpu.memory_space<vmem>>, vector<1x16xf32>,
        %swap3A_448 = vector.shape_cast %swap3A_447 : vector<1x16xf32> to vector<16xf32>
        %swap3A_449 = vector.shape_cast %mul3A_442 : vector<16xf32> to vector<1x16xf32>
        tpu.vector_store %arg6[%swap3A_445, %swap3A_446], %swap3A_449 {strides = array<i32>} : memref<200x64xf32, #tpu.memory_space<vmem>>, vector<1x16xf32>,
        %add3A_450 = arith.constant 1 : i32
        %add3A_451 = arith.addi %mul3A_355, %add3A_450 : i32
        %get3A_452 = arith.index_cast %add3A_451 : i32 to index
        %get3A_453 = arith.constant 32 : index
        %get3A_454 = tpu.vector_load %arg6[%get3A_452, %get3A_453] {strides = array<i32>} : memref<200x64xf32, #tpu.memory_space<vmem>>, vector<1x16xf32>,
        %get3A_455 = vector.shape_cast %get3A_454 : vector<1x16xf32> to vector<16xf32>
        %mul3A_456 = arith.constant 8.000000e+00 : f32
        %mul3A_457 = vector.broadcast %mul3A_456 : f32 to vector<16xf32>
        %mul3A_458 = arith.mulf %get3A_455, %mul3A_457 : vector<16xf32>
        %add3A_459 = arith.constant 1 : i32
        %add3A_460 = arith.addi %mul3A_355, %add3A_459 : i32
        %swap3A_461 = arith.index_cast %add3A_460 : i32 to index
        %swap3A_462 = arith.constant 32 : index
        %swap3A_463 = tpu.vector_load %arg6[%swap3A_461, %swap3A_462] {strides = array<i32>} : memref<200x64xf32, #tpu.memory_space<vmem>>, vector<1x16xf32>,
        %swap3A_464 = vector.shape_cast %swap3A_463 : vector<1x16xf32> to vector<16xf32>
        %swap3A_465 = vector.shape_cast %mul3A_458 : vector<16xf32> to vector<1x16xf32>
        tpu.vector_store %arg6[%swap3A_461, %swap3A_462], %swap3A_465 {strides = array<i32>} : memref<200x64xf32, #tpu.memory_space<vmem>>, vector<1x16xf32>,
        %add3A_466 = arith.constant 1 : i32
        %add3A_467 = arith.addi %mul3A_355, %add3A_466 : i32
        %get3A_468 = arith.index_cast %add3A_467 : i32 to index
        %get3A_469 = arith.constant 48 : index
        %get3A_470 = tpu.vector_load %arg6[%get3A_468, %get3A_469] {strides = array<i32>} : memref<200x64xf32, #tpu.memory_space<vmem>>, vector<1x16xf32>,
        %get3A_471 = vector.shape_cast %get3A_470 : vector<1x16xf32> to vector<16xf32>
        %mul3A_472 = arith.constant 8.000000e+00 : f32
        %mul3A_473 = vector.broadcast %mul3A_472 : f32 to vector<16xf32>
        %mul3A_474 = arith.mulf %get3A_471, %mul3A_473 : vector<16xf32>
        %add3A_475 = arith.constant 1 : i32
        %add3A_476 = arith.addi %mul3A_355, %add3A_475 : i32
        %swap3A_477 = arith.index_cast %add3A_476 : i32 to index
        %swap3A_478 = arith.constant 48 : index
        %swap3A_479 = tpu.vector_load %arg6[%swap3A_477, %swap3A_478] {strides = array<i32>} : memref<200x64xf32, #tpu.memory_space<vmem>>, vector<1x16xf32>,
        %swap3A_480 = vector.shape_cast %swap3A_479 : vector<1x16xf32> to vector<16xf32>
        %swap3A_481 = vector.shape_cast %mul3A_474 : vector<16xf32> to vector<1x16xf32>
        tpu.vector_store %arg6[%swap3A_477, %swap3A_478], %swap3A_481 {strides = array<i32>} : memref<200x64xf32, #tpu.memory_space<vmem>>, vector<1x16xf32>,
        %add3A_482 = arith.constant 2 : i32
        %add3A_483 = arith.addi %mul3A_355, %add3A_482 : i32
        %get3A_484 = arith.index_cast %add3A_483 : i32 to index
        %get3A_485 = arith.constant 0 : index
        %get3A_486 = tpu.vector_load %arg6[%get3A_484, %get3A_485] {strides = array<i32>} : memref<200x64xf32, #tpu.memory_space<vmem>>, vector<1x16xf32>,
        %get3A_487 = vector.shape_cast %get3A_486 : vector<1x16xf32> to vector<16xf32>
        %mul3A_488 = arith.constant 8.000000e+00 : f32
        %mul3A_489 = vector.broadcast %mul3A_488 : f32 to vector<16xf32>
        %mul3A_490 = arith.mulf %get3A_487, %mul3A_489 : vector<16xf32>
        %add3A_491 = arith.constant 2 : i32
        %add3A_492 = arith.addi %mul3A_355, %add3A_491 : i32
        %swap3A_493 = arith.index_cast %add3A_492 : i32 to index
        %swap3A_494 = arith.constant 0 : index
        %swap3A_495 = tpu.vector_load %arg6[%swap3A_493, %swap3A_494] {strides = array<i32>} : memref<200x64xf32, #tpu.memory_space<vmem>>, vector<1x16xf32>,
        %swap3A_496 = vector.shape_cast %swap3A_495 : vector<1x16xf32> to vector<16xf32>
        %swap3A_497 = vector.shape_cast %mul3A_490 : vector<16xf32> to vector<1x16xf32>
        tpu.vector_store %arg6[%swap3A_493, %swap3A_494], %swap3A_497 {strides = array<i32>} : memref<200x64xf32, #tpu.memory_space<vmem>>, vector<1x16xf32>,
        %add3A_498 = arith.constant 2 : i32
        %add3A_499 = arith.addi %mul3A_355, %add3A_498 : i32
        %get3A_500 = arith.index_cast %add3A_499 : i32 to index
        %get3A_501 = arith.constant 16 : index
        %get3A_502 = tpu.vector_load %arg6[%get3A_500, %get3A_501] {strides = array<i32>} : memref<200x64xf32, #tpu.memory_space<vmem>>, vector<1x16xf32>,
        %get3A_503 = vector.shape_cast %get3A_502 : vector<1x16xf32> to vector<16xf32>
        %mul3A_504 = arith.constant 8.000000e+00 : f32
        %mul3A_505 = vector.broadcast %mul3A_504 : f32 to vector<16xf32>
        %mul3A_506 = arith.mulf %get3A_503, %mul3A_505 : vector<16xf32>
        %add3A_507 = arith.constant 2 : i32
        %add3A_508 = arith.addi %mul3A_355, %add3A_507 : i32
        %swap3A_509 = arith.index_cast %add3A_508 : i32 to index
        %swap3A_510 = arith.constant 16 : index
        %swap3A_511 = tpu.vector_load %arg6[%swap3A_509, %swap3A_510] {strides = array<i32>} : memref<200x64xf32, #tpu.memory_space<vmem>>, vector<1x16xf32>,
        %swap3A_512 = vector.shape_cast %swap3A_511 : vector<1x16xf32> to vector<16xf32>
        %swap3A_513 = vector.shape_cast %mul3A_506 : vector<16xf32> to vector<1x16xf32>
        tpu.vector_store %arg6[%swap3A_509, %swap3A_510], %swap3A_513 {strides = array<i32>} : memref<200x64xf32, #tpu.memory_space<vmem>>, vector<1x16xf32>,
        %add3A_514 = arith.constant 2 : i32
        %add3A_515 = arith.addi %mul3A_355, %add3A_514 : i32
        %get3A_516 = arith.index_cast %add3A_515 : i32 to index
        %get3A_517 = arith.constant 32 : index
        %get3A_518 = tpu.vector_load %arg6[%get3A_516, %get3A_517] {strides = array<i32>} : memref<200x64xf32, #tpu.memory_space<vmem>>, vector<1x16xf32>,
        %get3A_519 = vector.shape_cast %get3A_518 : vector<1x16xf32> to vector<16xf32>
        %mul3A_520 = arith.constant 8.000000e+00 : f32
        %mul3A_521 = vector.broadcast %mul3A_520 : f32 to vector<16xf32>
        %mul3A_522 = arith.mulf %get3A_519, %mul3A_521 : vector<16xf32>
        %add3A_523 = arith.constant 2 : i32
        %add3A_524 = arith.addi %mul3A_355, %add3A_523 : i32
        %swap3A_525 = arith.index_cast %add3A_524 : i32 to index
        %swap3A_526 = arith.constant 32 : index
        %swap3A_527 = tpu.vector_load %arg6[%swap3A_525, %swap3A_526] {strides = array<i32>} : memref<200x64xf32, #tpu.memory_space<vmem>>, vector<1x16xf32>,
        %swap3A_528 = vector.shape_cast %swap3A_527 : vector<1x16xf32> to vector<16xf32>
        %swap3A_529 = vector.shape_cast %mul3A_522 : vector<16xf32> to vector<1x16xf32>
        tpu.vector_store %arg6[%swap3A_525, %swap3A_526], %swap3A_529 {strides = array<i32>} : memref<200x64xf32, #tpu.memory_space<vmem>>, vector<1x16xf32>,
        %add3A_530 = arith.constant 2 : i32
        %add3A_531 = arith.addi %mul3A_355, %add3A_530 : i32
        %get3A_532 = arith.index_cast %add3A_531 : i32 to index
        %get3A_533 = arith.constant 48 : index
        %get3A_534 = tpu.vector_load %arg6[%get3A_532, %get3A_533] {strides = array<i32>} : memref<200x64xf32, #tpu.memory_space<vmem>>, vector<1x16xf32>,
        %get3A_535 = vector.shape_cast %get3A_534 : vector<1x16xf32> to vector<16xf32>
        %mul3A_536 = arith.constant 8.000000e+00 : f32
        %mul3A_537 = vector.broadcast %mul3A_536 : f32 to vector<16xf32>
        %mul3A_538 = arith.mulf %get3A_535, %mul3A_537 : vector<16xf32>
        %add3A_539 = arith.constant 2 : i32
        %add3A_540 = arith.addi %mul3A_355, %add3A_539 : i32
        %swap3A_541 = arith.index_cast %add3A_540 : i32 to index
        %swap3A_542 = arith.constant 48 : index
        %swap3A_543 = tpu.vector_load %arg6[%swap3A_541, %swap3A_542] {strides = array<i32>} : memref<200x64xf32, #tpu.memory_space<vmem>>, vector<1x16xf32>,
        %swap3A_544 = vector.shape_cast %swap3A_543 : vector<1x16xf32> to vector<16xf32>
        %swap3A_545 = vector.shape_cast %mul3A_538 : vector<16xf32> to vector<1x16xf32>
        tpu.vector_store %arg6[%swap3A_541, %swap3A_542], %swap3A_545 {strides = array<i32>} : memref<200x64xf32, #tpu.memory_space<vmem>>, vector<1x16xf32>,
        %add3A_546 = arith.constant 3 : i32
        %add3A_547 = arith.addi %mul3A_355, %add3A_546 : i32
        %get3A_548 = arith.index_cast %add3A_547 : i32 to index
        %get3A_549 = arith.constant 0 : index
        %get3A_550 = tpu.vector_load %arg6[%get3A_548, %get3A_549] {strides = array<i32>} : memref<200x64xf32, #tpu.memory_space<vmem>>, vector<1x16xf32>,
        %get3A_551 = vector.shape_cast %get3A_550 : vector<1x16xf32> to vector<16xf32>
        %mul3A_552 = arith.constant 8.000000e+00 : f32
        %mul3A_553 = vector.broadcast %mul3A_552 : f32 to vector<16xf32>
        %mul3A_554 = arith.mulf %get3A_551, %mul3A_553 : vector<16xf32>
        %add3A_555 = arith.constant 3 : i32
        %add3A_556 = arith.addi %mul3A_355, %add3A_555 : i32
        %swap3A_557 = arith.index_cast %add3A_556 : i32 to index
        %swap3A_558 = arith.constant 0 : index
        %swap3A_559 = tpu.vector_load %arg6[%swap3A_557, %swap3A_558] {strides = array<i32>} : memref<200x64xf32, #tpu.memory_space<vmem>>, vector<1x16xf32>,
        %swap3A_560 = vector.shape_cast %swap3A_559 : vector<1x16xf32> to vector<16xf32>
        %swap3A_561 = vector.shape_cast %mul3A_554 : vector<16xf32> to vector<1x16xf32>
        tpu.vector_store %arg6[%swap3A_557, %swap3A_558], %swap3A_561 {strides = array<i32>} : memref<200x64xf32, #tpu.memory_space<vmem>>, vector<1x16xf32>,
        %add3A_562 = arith.constant 3 : i32
        %add3A_563 = arith.addi %mul3A_355, %add3A_562 : i32
        %get3A_564 = arith.index_cast %add3A_563 : i32 to index
        %get3A_565 = arith.constant 16 : index
        %get3A_566 = tpu.vector_load %arg6[%get3A_564, %get3A_565] {strides = array<i32>} : memref<200x64xf32, #tpu.memory_space<vmem>>, vector<1x16xf32>,
        %get3A_567 = vector.shape_cast %get3A_566 : vector<1x16xf32> to vector<16xf32>
        %mul3A_568 = arith.constant 8.000000e+00 : f32
        %mul3A_569 = vector.broadcast %mul3A_568 : f32 to vector<16xf32>
        %mul3A_570 = arith.mulf %get3A_567, %mul3A_569 : vector<16xf32>
        %add3A_571 = arith.constant 3 : i32
        %add3A_572 = arith.addi %mul3A_355, %add3A_571 : i32
        %swap3A_573 = arith.index_cast %add3A_572 : i32 to index
        %swap3A_574 = arith.constant 16 : index
        %swap3A_575 = tpu.vector_load %arg6[%swap3A_573, %swap3A_574] {strides = array<i32>} : memref<200x64xf32, #tpu.memory_space<vmem>>, vector<1x16xf32>,
        %swap3A_576 = vector.shape_cast %swap3A_575 : vector<1x16xf32> to vector<16xf32>
        %swap3A_577 = vector.shape_cast %mul3A_570 : vector<16xf32> to vector<1x16xf32>
        tpu.vector_store %arg6[%swap3A_573, %swap3A_574], %swap3A_577 {strides = array<i32>} : memref<200x64xf32, #tpu.memory_space<vmem>>, vector<1x16xf32>,
        %add3A_578 = arith.constant 3 : i32
        %add3A_579 = arith.addi %mul3A_355, %add3A_578 : i32
        %get3A_580 = arith.index_cast %add3A_579 : i32 to index
        %get3A_581 = arith.constant 32 : index
        %get3A_582 = tpu.vector_load %arg6[%get3A_580, %get3A_581] {strides = array<i32>} : memref<200x64xf32, #tpu.memory_space<vmem>>, vector<1x16xf32>,
        %get3A_583 = vector.shape_cast %get3A_582 : vector<1x16xf32> to vector<16xf32>
        %mul3A_584 = arith.constant 8.000000e+00 : f32
        %mul3A_585 = vector.broadcast %mul3A_584 : f32 to vector<16xf32>
        %mul3A_586 = arith.mulf %get3A_583, %mul3A_585 : vector<16xf32>
        %add3A_587 = arith.constant 3 : i32
        %add3A_588 = arith.addi %mul3A_355, %add3A_587 : i32
        %swap3A_589 = arith.index_cast %add3A_588 : i32 to index
        %swap3A_590 = arith.constant 32 : index
        %swap3A_591 = tpu.vector_load %arg6[%swap3A_589, %swap3A_590] {strides = array<i32>} : memref<200x64xf32, #tpu.memory_space<vmem>>, vector<1x16xf32>,
        %swap3A_592 = vector.shape_cast %swap3A_591 : vector<1x16xf32> to vector<16xf32>
        %swap3A_593 = vector.shape_cast %mul3A_586 : vector<16xf32> to vector<1x16xf32>
        tpu.vector_store %arg6[%swap3A_589, %swap3A_590], %swap3A_593 {strides = array<i32>} : memref<200x64xf32, #tpu.memory_space<vmem>>, vector<1x16xf32>,
        %add3A_594 = arith.constant 3 : i32
        %add3A_595 = arith.addi %mul3A_355, %add3A_594 : i32
        %get3A_596 = arith.index_cast %add3A_595 : i32 to index
        %get3A_597 = arith.constant 48 : index
        %get3A_598 = tpu.vector_load %arg6[%get3A_596, %get3A_597] {strides = array<i32>} : memref<200x64xf32, #tpu.memory_space<vmem>>, vector<1x16xf32>,
        %get3A_599 = vector.shape_cast %get3A_598 : vector<1x16xf32> to vector<16xf32>
        %mul3A_600 = arith.constant 8.000000e+00 : f32
        %mul3A_601 = vector.broadcast %mul3A_600 : f32 to vector<16xf32>
        %mul3A_602 = arith.mulf %get3A_599, %mul3A_601 : vector<16xf32>
        %add3A_603 = arith.constant 3 : i32
        %add3A_604 = arith.addi %mul3A_355, %add3A_603 : i32
        %swap3A_605 = arith.index_cast %add3A_604 : i32 to index
        %swap3A_606 = arith.constant 48 : index
        %swap3A_607 = tpu.vector_load %arg6[%swap3A_605, %swap3A_606] {strides = array<i32>} : memref<200x64xf32, #tpu.memory_space<vmem>>, vector<1x16xf32>,
        %swap3A_608 = vector.shape_cast %swap3A_607 : vector<1x16xf32> to vector<16xf32>
        %swap3A_609 = vector.shape_cast %mul3A_602 : vector<16xf32> to vector<1x16xf32>
        tpu.vector_store %arg6[%swap3A_605, %swap3A_606], %swap3A_609 {strides = array<i32>} : memref<200x64xf32, #tpu.memory_space<vmem>>, vector<1x16xf32>,
      }
      %scan3A_182 = arith.constant 50 : i32
      %add3A_183 = arith.constant 0 : i32
      %add3A_184 = arith.addi %mul3A_168, %add3A_183 : i32
      %add3A_185 = arith.addi %mul3A_2, %add3A_184 : i32
      %dma_start3A_186 = arith.constant 0 : i32
      %dma_start3A_187 = arith.constant 0 : i32
      %dma_start3A_188 = tpu.memref_slice %arg4[%add3A_185, %dma_start3A_186, %dma_start3A_187] : memref<4096x200x64xf32, #tpu.memory_space<hbm>> -> memref<1x200x64xf32, #tpu.memory_space<hbm>>
      %dma_start3A_189 = tpu.memref_squeeze %dma_start3A_188 : memref<1x200x64xf32, #tpu.memory_space<hbm>> -> memref<200x64xf32, #tpu.memory_space<hbm>>
      %dma_start3A_190 = arith.constant 0 : i32
      %dma_start3A_191 = arith.constant 0 : i32
      %dma_start3A_192 = tpu.memref_slice %arg4[%add3A_185, %dma_start3A_190, %dma_start3A_191] : memref<4096x200x64xf32, #tpu.memory_space<hbm>> -> memref<1x200x64xf32, #tpu.memory_space<hbm>>
      %dma_start3A_193 = tpu.memref_squeeze %dma_start3A_192 : memref<1x200x64xf32, #tpu.memory_space<hbm>> -> memref<200x64xf32, #tpu.memory_space<hbm>>
      tpu.enqueue_dma source(%arg6 : memref<200x64xf32, #tpu.memory_space<vmem>>) target(%dma_start3A_193 : memref<200x64xf32, #tpu.memory_space<hbm>>) target_semaphore(%arg14 : memref<!tpu.dma_semaphore, #tpu.memory_space<semaphore_mem>>)
      %add3A_194 = arith.constant 1 : i32
      %add3A_195 = arith.addi %mul3A_168, %add3A_194 : i32
      %dma_wait3A_196 = arith.constant 0 : i32
      %dma_wait3A_197 = tpu.memref_slice %arg5[%add3A_195, %dma_wait3A_196] : memref<128x200xi32, #tpu.memory_space<vmem>> -> memref<1x200xi32, #tpu.memory_space<vmem>>
      %dma_wait3A_198 = tpu.memref_squeeze %dma_wait3A_197 : memref<1x200xi32, #tpu.memory_space<vmem>> -> memref<200xi32, #tpu.memory_space<vmem>>
      %dma_wait3A_199 = arith.constant 0 : i32
      %dma_wait3A_200 = arith.constant 0 : i32
      %dma_wait3A_201 = tpu.memref_slice %arg3[%dma_wait3A_199, %dma_wait3A_200] : memref<1000000x64xf32, #tpu.memory_space<hbm>> -> memref<1000000x64xf32, #tpu.memory_space<hbm>>
      tpu.wait_indirect_dma semaphore(%arg11 : memref<!tpu.dma_semaphore, #tpu.memory_space<semaphore_mem>>) src(%dma_wait3A_201 : memref<1000000x64xf32, #tpu.memory_space<hbm>>) dst(%arg7 : memref<200x64xf32, #tpu.memory_space<vmem>>)
      %scan3A_202 = arith.constant 0 : i32
      %scan3A_203 = arith.constant 0 : i32
      %scan3A_204 = arith.constant 50 : i32
      %scan3A_205 = arith.addi %scan3A_203, %scan3A_204 : i32
      %scan3A_206 = arith.constant 1 : i32
      scf.for %scan3A_353 = %scan3A_203 to %scan3A_205 step %scan3A_206  : i32 {
        %mul3A_354 = arith.constant 4 : i32
        %mul3A_355 = arith.muli %scan3A_353, %mul3A_354 : i32
        %add3A_356 = arith.constant 0 : i32
        %add3A_357 = arith.addi %mul3A_355, %add3A_356 : i32
        %get3A = arith.index_cast %add3A_357 : i32 to index
        %get3A_358 = arith.constant 0 : index
        %get3A_359 = tpu.vector_load %arg7[%get3A, %get3A_358] {strides = array<i32>} : memref<200x64xf32, #tpu.memory_space<vmem>>, vector<1x16xf32>,
        %get3A_360 = vector.shape_cast %get3A_359 : vector<1x16xf32> to vector<16xf32>
        %mul3A_361 = arith.constant 8.000000e+00 : f32
        %mul3A_362 = vector.broadcast %mul3A_361 : f32 to vector<16xf32>
        %mul3A_363 = arith.mulf %get3A_360, %mul3A_362 : vector<16xf32>
        %add3A_364 = arith.constant 0 : i32
        %add3A_365 = arith.addi %mul3A_355, %add3A_364 : i32
        %swap3A = arith.index_cast %add3A_365 : i32 to index
        %swap3A_366 = arith.constant 0 : index
        %swap3A_367 = tpu.vector_load %arg7[%swap3A, %swap3A_366] {strides = array<i32>} : memref<200x64xf32, #tpu.memory_space<vmem>>, vector<1x16xf32>,
        %swap3A_368 = vector.shape_cast %swap3A_367 : vector<1x16xf32> to vector<16xf32>
        %swap3A_369 = vector.shape_cast %mul3A_363 : vector<16xf32> to vector<1x16xf32>
        tpu.vector_store %arg7[%swap3A, %swap3A_366], %swap3A_369 {strides = array<i32>} : memref<200x64xf32, #tpu.memory_space<vmem>>, vector<1x16xf32>,
        %add3A_370 = arith.constant 0 : i32
        %add3A_371 = arith.addi %mul3A_355, %add3A_370 : i32
        %get3A_372 = arith.index_cast %add3A_371 : i32 to index
        %get3A_373 = arith.constant 16 : index
        %get3A_374 = tpu.vector_load %arg7[%get3A_372, %get3A_373] {strides = array<i32>} : memref<200x64xf32, #tpu.memory_space<vmem>>, vector<1x16xf32>,
        %get3A_375 = vector.shape_cast %get3A_374 : vector<1x16xf32> to vector<16xf32>
        %mul3A_376 = arith.constant 8.000000e+00 : f32
        %mul3A_377 = vector.broadcast %mul3A_376 : f32 to vector<16xf32>
        %mul3A_378 = arith.mulf %get3A_375, %mul3A_377 : vector<16xf32>
        %add3A_379 = arith.constant 0 : i32
        %add3A_380 = arith.addi %mul3A_355, %add3A_379 : i32
        %swap3A_381 = arith.index_cast %add3A_380 : i32 to index
        %swap3A_382 = arith.constant 16 : index
        %swap3A_383 = tpu.vector_load %arg7[%swap3A_381, %swap3A_382] {strides = array<i32>} : memref<200x64xf32, #tpu.memory_space<vmem>>, vector<1x16xf32>,
        %swap3A_384 = vector.shape_cast %swap3A_383 : vector<1x16xf32> to vector<16xf32>
        %swap3A_385 = vector.shape_cast %mul3A_378 : vector<16xf32> to vector<1x16xf32>
        tpu.vector_store %arg7[%swap3A_381, %swap3A_382], %swap3A_385 {strides = array<i32>} : memref<200x64xf32, #tpu.memory_space<vmem>>, vector<1x16xf32>,
        %add3A_386 = arith.constant 0 : i32
        %add3A_387 = arith.addi %mul3A_355, %add3A_386 : i32
        %get3A_388 = arith.index_cast %add3A_387 : i32 to index
        %get3A_389 = arith.constant 32 : index
        %get3A_390 = tpu.vector_load %arg7[%get3A_388, %get3A_389] {strides = array<i32>} : memref<200x64xf32, #tpu.memory_space<vmem>>, vector<1x16xf32>,
        %get3A_391 = vector.shape_cast %get3A_390 : vector<1x16xf32> to vector<16xf32>
        %mul3A_392 = arith.constant 8.000000e+00 : f32
        %mul3A_393 = vector.broadcast %mul3A_392 : f32 to vector<16xf32>
        %mul3A_394 = arith.mulf %get3A_391, %mul3A_393 : vector<16xf32>
        %add3A_395 = arith.constant 0 : i32
        %add3A_396 = arith.addi %mul3A_355, %add3A_395 : i32
        %swap3A_397 = arith.index_cast %add3A_396 : i32 to index
        %swap3A_398 = arith.constant 32 : index
        %swap3A_399 = tpu.vector_load %arg7[%swap3A_397, %swap3A_398] {strides = array<i32>} : memref<200x64xf32, #tpu.memory_space<vmem>>, vector<1x16xf32>,
        %swap3A_400 = vector.shape_cast %swap3A_399 : vector<1x16xf32> to vector<16xf32>
        %swap3A_401 = vector.shape_cast %mul3A_394 : vector<16xf32> to vector<1x16xf32>
        tpu.vector_store %arg7[%swap3A_397, %swap3A_398], %swap3A_401 {strides = array<i32>} : memref<200x64xf32, #tpu.memory_space<vmem>>, vector<1x16xf32>,
        %add3A_402 = arith.constant 0 : i32
        %add3A_403 = arith.addi %mul3A_355, %add3A_402 : i32
        %get3A_404 = arith.index_cast %add3A_403 : i32 to index
        %get3A_405 = arith.constant 48 : index
        %get3A_406 = tpu.vector_load %arg7[%get3A_404, %get3A_405] {strides = array<i32>} : memref<200x64xf32, #tpu.memory_space<vmem>>, vector<1x16xf32>,
        %get3A_407 = vector.shape_cast %get3A_406 : vector<1x16xf32> to vector<16xf32>
        %mul3A_408 = arith.constant 8.000000e+00 : f32
        %mul3A_409 = vector.broadcast %mul3A_408 : f32 to vector<16xf32>
        %mul3A_410 = arith.mulf %get3A_407, %mul3A_409 : vector<16xf32>
        %add3A_411 = arith.constant 0 : i32
        %add3A_412 = arith.addi %mul3A_355, %add3A_411 : i32
        %swap3A_413 = arith.index_cast %add3A_412 : i32 to index
        %swap3A_414 = arith.constant 48 : index
        %swap3A_415 = tpu.vector_load %arg7[%swap3A_413, %swap3A_414] {strides = array<i32>} : memref<200x64xf32, #tpu.memory_space<vmem>>, vector<1x16xf32>,
        %swap3A_416 = vector.shape_cast %swap3A_415 : vector<1x16xf32> to vector<16xf32>
        %swap3A_417 = vector.shape_cast %mul3A_410 : vector<16xf32> to vector<1x16xf32>
        tpu.vector_store %arg7[%swap3A_413, %swap3A_414], %swap3A_417 {strides = array<i32>} : memref<200x64xf32, #tpu.memory_space<vmem>>, vector<1x16xf32>,
        %add3A_418 = arith.constant 1 : i32
        %add3A_419 = arith.addi %mul3A_355, %add3A_418 : i32
        %get3A_420 = arith.index_cast %add3A_419 : i32 to index
        %get3A_421 = arith.constant 0 : index
        %get3A_422 = tpu.vector_load %arg7[%get3A_420, %get3A_421] {strides = array<i32>} : memref<200x64xf32, #tpu.memory_space<vmem>>, vector<1x16xf32>,
        %get3A_423 = vector.shape_cast %get3A_422 : vector<1x16xf32> to vector<16xf32>
        %mul3A_424 = arith.constant 8.000000e+00 : f32
        %mul3A_425 = vector.broadcast %mul3A_424 : f32 to vector<16xf32>
        %mul3A_426 = arith.mulf %get3A_423, %mul3A_425 : vector<16xf32>
        %add3A_427 = arith.constant 1 : i32
        %add3A_428 = arith.addi %mul3A_355, %add3A_427 : i32
        %swap3A_429 = arith.index_cast %add3A_428 : i32 to index
        %swap3A_430 = arith.constant 0 : index
        %swap3A_431 = tpu.vector_load %arg7[%swap3A_429, %swap3A_430] {strides = array<i32>} : memref<200x64xf32, #tpu.memory_space<vmem>>, vector<1x16xf32>,
        %swap3A_432 = vector.shape_cast %swap3A_431 : vector<1x16xf32> to vector<16xf32>
        %swap3A_433 = vector.shape_cast %mul3A_426 : vector<16xf32> to vector<1x16xf32>
        tpu.vector_store %arg7[%swap3A_429, %swap3A_430], %swap3A_433 {strides = array<i32>} : memref<200x64xf32, #tpu.memory_space<vmem>>, vector<1x16xf32>,
        %add3A_434 = arith.constant 1 : i32
        %add3A_435 = arith.addi %mul3A_355, %add3A_434 : i32
        %get3A_436 = arith.index_cast %add3A_435 : i32 to index
        %get3A_437 = arith.constant 16 : index
        %get3A_438 = tpu.vector_load %arg7[%get3A_436, %get3A_437] {strides = array<i32>} : memref<200x64xf32, #tpu.memory_space<vmem>>, vector<1x16xf32>,
        %get3A_439 = vector.shape_cast %get3A_438 : vector<1x16xf32> to vector<16xf32>
        %mul3A_440 = arith.constant 8.000000e+00 : f32
        %mul3A_441 = vector.broadcast %mul3A_440 : f32 to vector<16xf32>
        %mul3A_442 = arith.mulf %get3A_439, %mul3A_441 : vector<16xf32>
        %add3A_443 = arith.constant 1 : i32
        %add3A_444 = arith.addi %mul3A_355, %add3A_443 : i32
        %swap3A_445 = arith.index_cast %add3A_444 : i32 to index
        %swap3A_446 = arith.constant 16 : index
        %swap3A_447 = tpu.vector_load %arg7[%swap3A_445, %swap3A_446] {strides = array<i32>} : memref<200x64xf32, #tpu.memory_space<vmem>>, vector<1x16xf32>,
        %swap3A_448 = vector.shape_cast %swap3A_447 : vector<1x16xf32> to vector<16xf32>
        %swap3A_449 = vector.shape_cast %mul3A_442 : vector<16xf32> to vector<1x16xf32>
        tpu.vector_store %arg7[%swap3A_445, %swap3A_446], %swap3A_449 {strides = array<i32>} : memref<200x64xf32, #tpu.memory_space<vmem>>, vector<1x16xf32>,
        %add3A_450 = arith.constant 1 : i32
        %add3A_451 = arith.addi %mul3A_355, %add3A_450 : i32
        %get3A_452 = arith.index_cast %add3A_451 : i32 to index
        %get3A_453 = arith.constant 32 : index
        %get3A_454 = tpu.vector_load %arg7[%get3A_452, %get3A_453] {strides = array<i32>} : memref<200x64xf32, #tpu.memory_space<vmem>>, vector<1x16xf32>,
        %get3A_455 = vector.shape_cast %get3A_454 : vector<1x16xf32> to vector<16xf32>
        %mul3A_456 = arith.constant 8.000000e+00 : f32
        %mul3A_457 = vector.broadcast %mul3A_456 : f32 to vector<16xf32>
        %mul3A_458 = arith.mulf %get3A_455, %mul3A_457 : vector<16xf32>
        %add3A_459 = arith.constant 1 : i32
        %add3A_460 = arith.addi %mul3A_355, %add3A_459 : i32
        %swap3A_461 = arith.index_cast %add3A_460 : i32 to index
        %swap3A_462 = arith.constant 32 : index
        %swap3A_463 = tpu.vector_load %arg7[%swap3A_461, %swap3A_462] {strides = array<i32>} : memref<200x64xf32, #tpu.memory_space<vmem>>, vector<1x16xf32>,
        %swap3A_464 = vector.shape_cast %swap3A_463 : vector<1x16xf32> to vector<16xf32>
        %swap3A_465 = vector.shape_cast %mul3A_458 : vector<16xf32> to vector<1x16xf32>
        tpu.vector_store %arg7[%swap3A_461, %swap3A_462], %swap3A_465 {strides = array<i32>} : memref<200x64xf32, #tpu.memory_space<vmem>>, vector<1x16xf32>,
        %add3A_466 = arith.constant 1 : i32
        %add3A_467 = arith.addi %mul3A_355, %add3A_466 : i32
        %get3A_468 = arith.index_cast %add3A_467 : i32 to index
        %get3A_469 = arith.constant 48 : index
        %get3A_470 = tpu.vector_load %arg7[%get3A_468, %get3A_469] {strides = array<i32>} : memref<200x64xf32, #tpu.memory_space<vmem>>, vector<1x16xf32>,
        %get3A_471 = vector.shape_cast %get3A_470 : vector<1x16xf32> to vector<16xf32>
        %mul3A_472 = arith.constant 8.000000e+00 : f32
        %mul3A_473 = vector.broadcast %mul3A_472 : f32 to vector<16xf32>
        %mul3A_474 = arith.mulf %get3A_471, %mul3A_473 : vector<16xf32>
        %add3A_475 = arith.constant 1 : i32
        %add3A_476 = arith.addi %mul3A_355, %add3A_475 : i32
        %swap3A_477 = arith.index_cast %add3A_476 : i32 to index
        %swap3A_478 = arith.constant 48 : index
        %swap3A_479 = tpu.vector_load %arg7[%swap3A_477, %swap3A_478] {strides = array<i32>} : memref<200x64xf32, #tpu.memory_space<vmem>>, vector<1x16xf32>,
        %swap3A_480 = vector.shape_cast %swap3A_479 : vector<1x16xf32> to vector<16xf32>
        %swap3A_481 = vector.shape_cast %mul3A_474 : vector<16xf32> to vector<1x16xf32>
        tpu.vector_store %arg7[%swap3A_477, %swap3A_478], %swap3A_481 {strides = array<i32>} : memref<200x64xf32, #tpu.memory_space<vmem>>, vector<1x16xf32>,
        %add3A_482 = arith.constant 2 : i32
        %add3A_483 = arith.addi %mul3A_355, %add3A_482 : i32
        %get3A_484 = arith.index_cast %add3A_483 : i32 to index
        %get3A_485 = arith.constant 0 : index
        %get3A_486 = tpu.vector_load %arg7[%get3A_484, %get3A_485] {strides = array<i32>} : memref<200x64xf32, #tpu.memory_space<vmem>>, vector<1x16xf32>,
        %get3A_487 = vector.shape_cast %get3A_486 : vector<1x16xf32> to vector<16xf32>
        %mul3A_488 = arith.constant 8.000000e+00 : f32
        %mul3A_489 = vector.broadcast %mul3A_488 : f32 to vector<16xf32>
        %mul3A_490 = arith.mulf %get3A_487, %mul3A_489 : vector<16xf32>
        %add3A_491 = arith.constant 2 : i32
        %add3A_492 = arith.addi %mul3A_355, %add3A_491 : i32
        %swap3A_493 = arith.index_cast %add3A_492 : i32 to index
        %swap3A_494 = arith.constant 0 : index
        %swap3A_495 = tpu.vector_load %arg7[%swap3A_493, %swap3A_494] {strides = array<i32>} : memref<200x64xf32, #tpu.memory_space<vmem>>, vector<1x16xf32>,
        %swap3A_496 = vector.shape_cast %swap3A_495 : vector<1x16xf32> to vector<16xf32>
        %swap3A_497 = vector.shape_cast %mul3A_490 : vector<16xf32> to vector<1x16xf32>
        tpu.vector_store %arg7[%swap3A_493, %swap3A_494], %swap3A_497 {strides = array<i32>} : memref<200x64xf32, #tpu.memory_space<vmem>>, vector<1x16xf32>,
        %add3A_498 = arith.constant 2 : i32
        %add3A_499 = arith.addi %mul3A_355, %add3A_498 : i32
        %get3A_500 = arith.index_cast %add3A_499 : i32 to index
        %get3A_501 = arith.constant 16 : index
        %get3A_502 = tpu.vector_load %arg7[%get3A_500, %get3A_501] {strides = array<i32>} : memref<200x64xf32, #tpu.memory_space<vmem>>, vector<1x16xf32>,
        %get3A_503 = vector.shape_cast %get3A_502 : vector<1x16xf32> to vector<16xf32>
        %mul3A_504 = arith.constant 8.000000e+00 : f32
        %mul3A_505 = vector.broadcast %mul3A_504 : f32 to vector<16xf32>
        %mul3A_506 = arith.mulf %get3A_503, %mul3A_505 : vector<16xf32>
        %add3A_507 = arith.constant 2 : i32
        %add3A_508 = arith.addi %mul3A_355, %add3A_507 : i32
        %swap3A_509 = arith.index_cast %add3A_508 : i32 to index
        %swap3A_510 = arith.constant 16 : index
        %swap3A_511 = tpu.vector_load %arg7[%swap3A_509, %swap3A_510] {strides = array<i32>} : memref<200x64xf32, #tpu.memory_space<vmem>>, vector<1x16xf32>,
        %swap3A_512 = vector.shape_cast %swap3A_511 : vector<1x16xf32> to vector<16xf32>
        %swap3A_513 = vector.shape_cast %mul3A_506 : vector<16xf32> to vector<1x16xf32>
        tpu.vector_store %arg7[%swap3A_509, %swap3A_510], %swap3A_513 {strides = array<i32>} : memref<200x64xf32, #tpu.memory_space<vmem>>, vector<1x16xf32>,
        %add3A_514 = arith.constant 2 : i32
        %add3A_515 = arith.addi %mul3A_355, %add3A_514 : i32
        %get3A_516 = arith.index_cast %add3A_515 : i32 to index
        %get3A_517 = arith.constant 32 : index
        %get3A_518 = tpu.vector_load %arg7[%get3A_516, %get3A_517] {strides = array<i32>} : memref<200x64xf32, #tpu.memory_space<vmem>>, vector<1x16xf32>,
        %get3A_519 = vector.shape_cast %get3A_518 : vector<1x16xf32> to vector<16xf32>
        %mul3A_520 = arith.constant 8.000000e+00 : f32
        %mul3A_521 = vector.broadcast %mul3A_520 : f32 to vector<16xf32>
        %mul3A_522 = arith.mulf %get3A_519, %mul3A_521 : vector<16xf32>
        %add3A_523 = arith.constant 2 : i32
        %add3A_524 = arith.addi %mul3A_355, %add3A_523 : i32
        %swap3A_525 = arith.index_cast %add3A_524 : i32 to index
        %swap3A_526 = arith.constant 32 : index
        %swap3A_527 = tpu.vector_load %arg7[%swap3A_525, %swap3A_526] {strides = array<i32>} : memref<200x64xf32, #tpu.memory_space<vmem>>, vector<1x16xf32>,
        %swap3A_528 = vector.shape_cast %swap3A_527 : vector<1x16xf32> to vector<16xf32>
        %swap3A_529 = vector.shape_cast %mul3A_522 : vector<16xf32> to vector<1x16xf32>
        tpu.vector_store %arg7[%swap3A_525, %swap3A_526], %swap3A_529 {strides = array<i32>} : memref<200x64xf32, #tpu.memory_space<vmem>>, vector<1x16xf32>,
        %add3A_530 = arith.constant 2 : i32
        %add3A_531 = arith.addi %mul3A_355, %add3A_530 : i32
        %get3A_532 = arith.index_cast %add3A_531 : i32 to index
        %get3A_533 = arith.constant 48 : index
        %get3A_534 = tpu.vector_load %arg7[%get3A_532, %get3A_533] {strides = array<i32>} : memref<200x64xf32, #tpu.memory_space<vmem>>, vector<1x16xf32>,
        %get3A_535 = vector.shape_cast %get3A_534 : vector<1x16xf32> to vector<16xf32>
        %mul3A_536 = arith.constant 8.000000e+00 : f32
        %mul3A_537 = vector.broadcast %mul3A_536 : f32 to vector<16xf32>
        %mul3A_538 = arith.mulf %get3A_535, %mul3A_537 : vector<16xf32>
        %add3A_539 = arith.constant 2 : i32
        %add3A_540 = arith.addi %mul3A_355, %add3A_539 : i32
        %swap3A_541 = arith.index_cast %add3A_540 : i32 to index
        %swap3A_542 = arith.constant 48 : index
        %swap3A_543 = tpu.vector_load %arg7[%swap3A_541, %swap3A_542] {strides = array<i32>} : memref<200x64xf32, #tpu.memory_space<vmem>>, vector<1x16xf32>,
        %swap3A_544 = vector.shape_cast %swap3A_543 : vector<1x16xf32> to vector<16xf32>
        %swap3A_545 = vector.shape_cast %mul3A_538 : vector<16xf32> to vector<1x16xf32>
        tpu.vector_store %arg7[%swap3A_541, %swap3A_542], %swap3A_545 {strides = array<i32>} : memref<200x64xf32, #tpu.memory_space<vmem>>, vector<1x16xf32>,
        %add3A_546 = arith.constant 3 : i32
        %add3A_547 = arith.addi %mul3A_355, %add3A_546 : i32
        %get3A_548 = arith.index_cast %add3A_547 : i32 to index
        %get3A_549 = arith.constant 0 : index
        %get3A_550 = tpu.vector_load %arg7[%get3A_548, %get3A_549] {strides = array<i32>} : memref<200x64xf32, #tpu.memory_space<vmem>>, vector<1x16xf32>,
        %get3A_551 = vector.shape_cast %get3A_550 : vector<1x16xf32> to vector<16xf32>
        %mul3A_552 = arith.constant 8.000000e+00 : f32
        %mul3A_553 = vector.broadcast %mul3A_552 : f32 to vector<16xf32>
        %mul3A_554 = arith.mulf %get3A_551, %mul3A_553 : vector<16xf32>
        %add3A_555 = arith.constant 3 : i32
        %add3A_556 = arith.addi %mul3A_355, %add3A_555 : i32
        %swap3A_557 = arith.index_cast %add3A_556 : i32 to index
        %swap3A_558 = arith.constant 0 : index
        %swap3A_559 = tpu.vector_load %arg7[%swap3A_557, %swap3A_558] {strides = array<i32>} : memref<200x64xf32, #tpu.memory_space<vmem>>, vector<1x16xf32>,
        %swap3A_560 = vector.shape_cast %swap3A_559 : vector<1x16xf32> to vector<16xf32>
        %swap3A_561 = vector.shape_cast %mul3A_554 : vector<16xf32> to vector<1x16xf32>
        tpu.vector_store %arg7[%swap3A_557, %swap3A_558], %swap3A_561 {strides = array<i32>} : memref<200x64xf32, #tpu.memory_space<vmem>>, vector<1x16xf32>,
        %add3A_562 = arith.constant 3 : i32
        %add3A_563 = arith.addi %mul3A_355, %add3A_562 : i32
        %get3A_564 = arith.index_cast %add3A_563 : i32 to index
        %get3A_565 = arith.constant 16 : index
        %get3A_566 = tpu.vector_load %arg7[%get3A_564, %get3A_565] {strides = array<i32>} : memref<200x64xf32, #tpu.memory_space<vmem>>, vector<1x16xf32>,
        %get3A_567 = vector.shape_cast %get3A_566 : vector<1x16xf32> to vector<16xf32>
        %mul3A_568 = arith.constant 8.000000e+00 : f32
        %mul3A_569 = vector.broadcast %mul3A_568 : f32 to vector<16xf32>
        %mul3A_570 = arith.mulf %get3A_567, %mul3A_569 : vector<16xf32>
        %add3A_571 = arith.constant 3 : i32
        %add3A_572 = arith.addi %mul3A_355, %add3A_571 : i32
        %swap3A_573 = arith.index_cast %add3A_572 : i32 to index
        %swap3A_574 = arith.constant 16 : index
        %swap3A_575 = tpu.vector_load %arg7[%swap3A_573, %swap3A_574] {strides = array<i32>} : memref<200x64xf32, #tpu.memory_space<vmem>>, vector<1x16xf32>,
        %swap3A_576 = vector.shape_cast %swap3A_575 : vector<1x16xf32> to vector<16xf32>
        %swap3A_577 = vector.shape_cast %mul3A_570 : vector<16xf32> to vector<1x16xf32>
        tpu.vector_store %arg7[%swap3A_573, %swap3A_574], %swap3A_577 {strides = array<i32>} : memref<200x64xf32, #tpu.memory_space<vmem>>, vector<1x16xf32>,
        %add3A_578 = arith.constant 3 : i32
        %add3A_579 = arith.addi %mul3A_355, %add3A_578 : i32
        %get3A_580 = arith.index_cast %add3A_579 : i32 to index
        %get3A_581 = arith.constant 32 : index
        %get3A_582 = tpu.vector_load %arg7[%get3A_580, %get3A_581] {strides = array<i32>} : memref<200x64xf32, #tpu.memory_space<vmem>>, vector<1x16xf32>,
        %get3A_583 = vector.shape_cast %get3A_582 : vector<1x16xf32> to vector<16xf32>
        %mul3A_584 = arith.constant 8.000000e+00 : f32
        %mul3A_585 = vector.broadcast %mul3A_584 : f32 to vector<16xf32>
        %mul3A_586 = arith.mulf %get3A_583, %mul3A_585 : vector<16xf32>
        %add3A_587 = arith.constant 3 : i32
        %add3A_588 = arith.addi %mul3A_355, %add3A_587 : i32
        %swap3A_589 = arith.index_cast %add3A_588 : i32 to index
        %swap3A_590 = arith.constant 32 : index
        %swap3A_591 = tpu.vector_load %arg7[%swap3A_589, %swap3A_590] {strides = array<i32>} : memref<200x64xf32, #tpu.memory_space<vmem>>, vector<1x16xf32>,
        %swap3A_592 = vector.shape_cast %swap3A_591 : vector<1x16xf32> to vector<16xf32>
        %swap3A_593 = vector.shape_cast %mul3A_586 : vector<16xf32> to vector<1x16xf32>
        tpu.vector_store %arg7[%swap3A_589, %swap3A_590], %swap3A_593 {strides = array<i32>} : memref<200x64xf32, #tpu.memory_space<vmem>>, vector<1x16xf32>,
        %add3A_594 = arith.constant 3 : i32
        %add3A_595 = arith.addi %mul3A_355, %add3A_594 : i32
        %get3A_596 = arith.index_cast %add3A_595 : i32 to index
        %get3A_597 = arith.constant 48 : index
        %get3A_598 = tpu.vector_load %arg7[%get3A_596, %get3A_597] {strides = array<i32>} : memref<200x64xf32, #tpu.memory_space<vmem>>, vector<1x16xf32>,
        %get3A_599 = vector.shape_cast %get3A_598 : vector<1x16xf32> to vector<16xf32>
        %mul3A_600 = arith.constant 8.000000e+00 : f32
        %mul3A_601 = vector.broadcast %mul3A_600 : f32 to vector<16xf32>
        %mul3A_602 = arith.mulf %get3A_599, %mul3A_601 : vector<16xf32>
        %add3A_603 = arith.constant 3 : i32
        %add3A_604 = arith.addi %mul3A_355, %add3A_603 : i32
        %swap3A_605 = arith.index_cast %add3A_604 : i32 to index
        %swap3A_606 = arith.constant 48 : index
        %swap3A_607 = tpu.vector_load %arg7[%swap3A_605, %swap3A_606] {strides = array<i32>} : memref<200x64xf32, #tpu.memory_space<vmem>>, vector<1x16xf32>,
        %swap3A_608 = vector.shape_cast %swap3A_607 : vector<1x16xf32> to vector<16xf32>
        %swap3A_609 = vector.shape_cast %mul3A_602 : vector<16xf32> to vector<1x16xf32>
        tpu.vector_store %arg7[%swap3A_605, %swap3A_606], %swap3A_609 {strides = array<i32>} : memref<200x64xf32, #tpu.memory_space<vmem>>, vector<1x16xf32>,
      }
      %scan3A_207 = arith.constant 50 : i32
      %add3A_208 = arith.constant 1 : i32
      %add3A_209 = arith.addi %mul3A_168, %add3A_208 : i32
      %add3A_210 = arith.addi %mul3A_2, %add3A_209 : i32
      %dma_start3A_211 = arith.constant 0 : i32
      %dma_start3A_212 = arith.constant 0 : i32
      %dma_start3A_213 = tpu.memref_slice %arg4[%add3A_210, %dma_start3A_211, %dma_start3A_212] : memref<4096x200x64xf32, #tpu.memory_space<hbm>> -> memref<1x200x64xf32, #tpu.memory_space<hbm>>
      %dma_start3A_214 = tpu.memref_squeeze %dma_start3A_213 : memref<1x200x64xf32, #tpu.memory_space<hbm>> -> memref<200x64xf32, #tpu.memory_space<hbm>>
      %dma_start3A_215 = arith.constant 0 : i32
      %dma_start3A_216 = arith.constant 0 : i32
      %dma_start3A_217 = tpu.memref_slice %arg4[%add3A_210, %dma_start3A_215, %dma_start3A_216] : memref<4096x200x64xf32, #tpu.memory_space<hbm>> -> memref<1x200x64xf32, #tpu.memory_space<hbm>>
      %dma_start3A_218 = tpu.memref_squeeze %dma_start3A_217 : memref<1x200x64xf32, #tpu.memory_space<hbm>> -> memref<200x64xf32, #tpu.memory_space<hbm>>
      tpu.enqueue_dma source(%arg7 : memref<200x64xf32, #tpu.memory_space<vmem>>) target(%dma_start3A_218 : memref<200x64xf32, #tpu.memory_space<hbm>>) target_semaphore(%arg15 : memref<!tpu.dma_semaphore, #tpu.memory_space<semaphore_mem>>)
      %add3A_219 = arith.constant 2 : i32
      %add3A_220 = arith.addi %mul3A_168, %add3A_219 : i32
      %dma_wait3A_221 = arith.constant 0 : i32
      %dma_wait3A_222 = tpu.memref_slice %arg5[%add3A_220, %dma_wait3A_221] : memref<128x200xi32, #tpu.memory_space<vmem>> -> memref<1x200xi32, #tpu.memory_space<vmem>>
      %dma_wait3A_223 = tpu.memref_squeeze %dma_wait3A_222 : memref<1x200xi32, #tpu.memory_space<vmem>> -> memref<200xi32, #tpu.memory_space<vmem>>
      %dma_wait3A_224 = arith.constant 0 : i32
      %dma_wait3A_225 = arith.constant 0 : i32
      %dma_wait3A_226 = tpu.memref_slice %arg3[%dma_wait3A_224, %dma_wait3A_225] : memref<1000000x64xf32, #tpu.memory_space<hbm>> -> memref<1000000x64xf32, #tpu.memory_space<hbm>>
      tpu.wait_indirect_dma semaphore(%arg12 : memref<!tpu.dma_semaphore, #tpu.memory_space<semaphore_mem>>) src(%dma_wait3A_226 : memref<1000000x64xf32, #tpu.memory_space<hbm>>) dst(%arg8 : memref<200x64xf32, #tpu.memory_space<vmem>>)
      %scan3A_227 = arith.constant 0 : i32
      %scan3A_228 = arith.constant 0 : i32
      %scan3A_229 = arith.constant 50 : i32
      %scan3A_230 = arith.addi %scan3A_228, %scan3A_229 : i32
      %scan3A_231 = arith.constant 1 : i32
      scf.for %scan3A_353 = %scan3A_228 to %scan3A_230 step %scan3A_231  : i32 {
        %mul3A_354 = arith.constant 4 : i32
        %mul3A_355 = arith.muli %scan3A_353, %mul3A_354 : i32
        %add3A_356 = arith.constant 0 : i32
        %add3A_357 = arith.addi %mul3A_355, %add3A_356 : i32
        %get3A = arith.index_cast %add3A_357 : i32 to index
        %get3A_358 = arith.constant 0 : index
        %get3A_359 = tpu.vector_load %arg8[%get3A, %get3A_358] {strides = array<i32>} : memref<200x64xf32, #tpu.memory_space<vmem>>, vector<1x16xf32>,
        %get3A_360 = vector.shape_cast %get3A_359 : vector<1x16xf32> to vector<16xf32>
        %mul3A_361 = arith.constant 8.000000e+00 : f32
        %mul3A_362 = vector.broadcast %mul3A_361 : f32 to vector<16xf32>
        %mul3A_363 = arith.mulf %get3A_360, %mul3A_362 : vector<16xf32>
        %add3A_364 = arith.constant 0 : i32
        %add3A_365 = arith.addi %mul3A_355, %add3A_364 : i32
        %swap3A = arith.index_cast %add3A_365 : i32 to index
        %swap3A_366 = arith.constant 0 : index
        %swap3A_367 = tpu.vector_load %arg8[%swap3A, %swap3A_366] {strides = array<i32>} : memref<200x64xf32, #tpu.memory_space<vmem>>, vector<1x16xf32>,
        %swap3A_368 = vector.shape_cast %swap3A_367 : vector<1x16xf32> to vector<16xf32>
        %swap3A_369 = vector.shape_cast %mul3A_363 : vector<16xf32> to vector<1x16xf32>
        tpu.vector_store %arg8[%swap3A, %swap3A_366], %swap3A_369 {strides = array<i32>} : memref<200x64xf32, #tpu.memory_space<vmem>>, vector<1x16xf32>,
        %add3A_370 = arith.constant 0 : i32
        %add3A_371 = arith.addi %mul3A_355, %add3A_370 : i32
        %get3A_372 = arith.index_cast %add3A_371 : i32 to index
        %get3A_373 = arith.constant 16 : index
        %get3A_374 = tpu.vector_load %arg8[%get3A_372, %get3A_373] {strides = array<i32>} : memref<200x64xf32, #tpu.memory_space<vmem>>, vector<1x16xf32>,
        %get3A_375 = vector.shape_cast %get3A_374 : vector<1x16xf32> to vector<16xf32>
        %mul3A_376 = arith.constant 8.000000e+00 : f32
        %mul3A_377 = vector.broadcast %mul3A_376 : f32 to vector<16xf32>
        %mul3A_378 = arith.mulf %get3A_375, %mul3A_377 : vector<16xf32>
        %add3A_379 = arith.constant 0 : i32
        %add3A_380 = arith.addi %mul3A_355, %add3A_379 : i32
        %swap3A_381 = arith.index_cast %add3A_380 : i32 to index
        %swap3A_382 = arith.constant 16 : index
        %swap3A_383 = tpu.vector_load %arg8[%swap3A_381, %swap3A_382] {strides = array<i32>} : memref<200x64xf32, #tpu.memory_space<vmem>>, vector<1x16xf32>,
        %swap3A_384 = vector.shape_cast %swap3A_383 : vector<1x16xf32> to vector<16xf32>
        %swap3A_385 = vector.shape_cast %mul3A_378 : vector<16xf32> to vector<1x16xf32>
        tpu.vector_store %arg8[%swap3A_381, %swap3A_382], %swap3A_385 {strides = array<i32>} : memref<200x64xf32, #tpu.memory_space<vmem>>, vector<1x16xf32>,
        %add3A_386 = arith.constant 0 : i32
        %add3A_387 = arith.addi %mul3A_355, %add3A_386 : i32
        %get3A_388 = arith.index_cast %add3A_387 : i32 to index
        %get3A_389 = arith.constant 32 : index
        %get3A_390 = tpu.vector_load %arg8[%get3A_388, %get3A_389] {strides = array<i32>} : memref<200x64xf32, #tpu.memory_space<vmem>>, vector<1x16xf32>,
        %get3A_391 = vector.shape_cast %get3A_390 : vector<1x16xf32> to vector<16xf32>
        %mul3A_392 = arith.constant 8.000000e+00 : f32
        %mul3A_393 = vector.broadcast %mul3A_392 : f32 to vector<16xf32>
        %mul3A_394 = arith.mulf %get3A_391, %mul3A_393 : vector<16xf32>
        %add3A_395 = arith.constant 0 : i32
        %add3A_396 = arith.addi %mul3A_355, %add3A_395 : i32
        %swap3A_397 = arith.index_cast %add3A_396 : i32 to index
        %swap3A_398 = arith.constant 32 : index
        %swap3A_399 = tpu.vector_load %arg8[%swap3A_397, %swap3A_398] {strides = array<i32>} : memref<200x64xf32, #tpu.memory_space<vmem>>, vector<1x16xf32>,
        %swap3A_400 = vector.shape_cast %swap3A_399 : vector<1x16xf32> to vector<16xf32>
        %swap3A_401 = vector.shape_cast %mul3A_394 : vector<16xf32> to vector<1x16xf32>
        tpu.vector_store %arg8[%swap3A_397, %swap3A_398], %swap3A_401 {strides = array<i32>} : memref<200x64xf32, #tpu.memory_space<vmem>>, vector<1x16xf32>,
        %add3A_402 = arith.constant 0 : i32
        %add3A_403 = arith.addi %mul3A_355, %add3A_402 : i32
        %get3A_404 = arith.index_cast %add3A_403 : i32 to index
        %get3A_405 = arith.constant 48 : index
        %get3A_406 = tpu.vector_load %arg8[%get3A_404, %get3A_405] {strides = array<i32>} : memref<200x64xf32, #tpu.memory_space<vmem>>, vector<1x16xf32>,
        %get3A_407 = vector.shape_cast %get3A_406 : vector<1x16xf32> to vector<16xf32>
        %mul3A_408 = arith.constant 8.000000e+00 : f32
        %mul3A_409 = vector.broadcast %mul3A_408 : f32 to vector<16xf32>
        %mul3A_410 = arith.mulf %get3A_407, %mul3A_409 : vector<16xf32>
        %add3A_411 = arith.constant 0 : i32
        %add3A_412 = arith.addi %mul3A_355, %add3A_411 : i32
        %swap3A_413 = arith.index_cast %add3A_412 : i32 to index
        %swap3A_414 = arith.constant 48 : index
        %swap3A_415 = tpu.vector_load %arg8[%swap3A_413, %swap3A_414] {strides = array<i32>} : memref<200x64xf32, #tpu.memory_space<vmem>>, vector<1x16xf32>,
        %swap3A_416 = vector.shape_cast %swap3A_415 : vector<1x16xf32> to vector<16xf32>
        %swap3A_417 = vector.shape_cast %mul3A_410 : vector<16xf32> to vector<1x16xf32>
        tpu.vector_store %arg8[%swap3A_413, %swap3A_414], %swap3A_417 {strides = array<i32>} : memref<200x64xf32, #tpu.memory_space<vmem>>, vector<1x16xf32>,
        %add3A_418 = arith.constant 1 : i32
        %add3A_419 = arith.addi %mul3A_355, %add3A_418 : i32
        %get3A_420 = arith.index_cast %add3A_419 : i32 to index
        %get3A_421 = arith.constant 0 : index
        %get3A_422 = tpu.vector_load %arg8[%get3A_420, %get3A_421] {strides = array<i32>} : memref<200x64xf32, #tpu.memory_space<vmem>>, vector<1x16xf32>,
        %get3A_423 = vector.shape_cast %get3A_422 : vector<1x16xf32> to vector<16xf32>
        %mul3A_424 = arith.constant 8.000000e+00 : f32
        %mul3A_425 = vector.broadcast %mul3A_424 : f32 to vector<16xf32>
        %mul3A_426 = arith.mulf %get3A_423, %mul3A_425 : vector<16xf32>
        %add3A_427 = arith.constant 1 : i32
        %add3A_428 = arith.addi %mul3A_355, %add3A_427 : i32
        %swap3A_429 = arith.index_cast %add3A_428 : i32 to index
        %swap3A_430 = arith.constant 0 : index
        %swap3A_431 = tpu.vector_load %arg8[%swap3A_429, %swap3A_430] {strides = array<i32>} : memref<200x64xf32, #tpu.memory_space<vmem>>, vector<1x16xf32>,
        %swap3A_432 = vector.shape_cast %swap3A_431 : vector<1x16xf32> to vector<16xf32>
        %swap3A_433 = vector.shape_cast %mul3A_426 : vector<16xf32> to vector<1x16xf32>
        tpu.vector_store %arg8[%swap3A_429, %swap3A_430], %swap3A_433 {strides = array<i32>} : memref<200x64xf32, #tpu.memory_space<vmem>>, vector<1x16xf32>,
        %add3A_434 = arith.constant 1 : i32
        %add3A_435 = arith.addi %mul3A_355, %add3A_434 : i32
        %get3A_436 = arith.index_cast %add3A_435 : i32 to index
        %get3A_437 = arith.constant 16 : index
        %get3A_438 = tpu.vector_load %arg8[%get3A_436, %get3A_437] {strides = array<i32>} : memref<200x64xf32, #tpu.memory_space<vmem>>, vector<1x16xf32>,
        %get3A_439 = vector.shape_cast %get3A_438 : vector<1x16xf32> to vector<16xf32>
        %mul3A_440 = arith.constant 8.000000e+00 : f32
        %mul3A_441 = vector.broadcast %mul3A_440 : f32 to vector<16xf32>
        %mul3A_442 = arith.mulf %get3A_439, %mul3A_441 : vector<16xf32>
        %add3A_443 = arith.constant 1 : i32
        %add3A_444 = arith.addi %mul3A_355, %add3A_443 : i32
        %swap3A_445 = arith.index_cast %add3A_444 : i32 to index
        %swap3A_446 = arith.constant 16 : index
        %swap3A_447 = tpu.vector_load %arg8[%swap3A_445, %swap3A_446] {strides = array<i32>} : memref<200x64xf32, #tpu.memory_space<vmem>>, vector<1x16xf32>,
        %swap3A_448 = vector.shape_cast %swap3A_447 : vector<1x16xf32> to vector<16xf32>
        %swap3A_449 = vector.shape_cast %mul3A_442 : vector<16xf32> to vector<1x16xf32>
        tpu.vector_store %arg8[%swap3A_445, %swap3A_446], %swap3A_449 {strides = array<i32>} : memref<200x64xf32, #tpu.memory_space<vmem>>, vector<1x16xf32>,
        %add3A_450 = arith.constant 1 : i32
        %add3A_451 = arith.addi %mul3A_355, %add3A_450 : i32
        %get3A_452 = arith.index_cast %add3A_451 : i32 to index
        %get3A_453 = arith.constant 32 : index
        %get3A_454 = tpu.vector_load %arg8[%get3A_452, %get3A_453] {strides = array<i32>} : memref<200x64xf32, #tpu.memory_space<vmem>>, vector<1x16xf32>,
        %get3A_455 = vector.shape_cast %get3A_454 : vector<1x16xf32> to vector<16xf32>
        %mul3A_456 = arith.constant 8.000000e+00 : f32
        %mul3A_457 = vector.broadcast %mul3A_456 : f32 to vector<16xf32>
        %mul3A_458 = arith.mulf %get3A_455, %mul3A_457 : vector<16xf32>
        %add3A_459 = arith.constant 1 : i32
        %add3A_460 = arith.addi %mul3A_355, %add3A_459 : i32
        %swap3A_461 = arith.index_cast %add3A_460 : i32 to index
        %swap3A_462 = arith.constant 32 : index
        %swap3A_463 = tpu.vector_load %arg8[%swap3A_461, %swap3A_462] {strides = array<i32>} : memref<200x64xf32, #tpu.memory_space<vmem>>, vector<1x16xf32>,
        %swap3A_464 = vector.shape_cast %swap3A_463 : vector<1x16xf32> to vector<16xf32>
        %swap3A_465 = vector.shape_cast %mul3A_458 : vector<16xf32> to vector<1x16xf32>
        tpu.vector_store %arg8[%swap3A_461, %swap3A_462], %swap3A_465 {strides = array<i32>} : memref<200x64xf32, #tpu.memory_space<vmem>>, vector<1x16xf32>,
        %add3A_466 = arith.constant 1 : i32
        %add3A_467 = arith.addi %mul3A_355, %add3A_466 : i32
        %get3A_468 = arith.index_cast %add3A_467 : i32 to index
        %get3A_469 = arith.constant 48 : index
        %get3A_470 = tpu.vector_load %arg8[%get3A_468, %get3A_469] {strides = array<i32>} : memref<200x64xf32, #tpu.memory_space<vmem>>, vector<1x16xf32>,
        %get3A_471 = vector.shape_cast %get3A_470 : vector<1x16xf32> to vector<16xf32>
        %mul3A_472 = arith.constant 8.000000e+00 : f32
        %mul3A_473 = vector.broadcast %mul3A_472 : f32 to vector<16xf32>
        %mul3A_474 = arith.mulf %get3A_471, %mul3A_473 : vector<16xf32>
        %add3A_475 = arith.constant 1 : i32
        %add3A_476 = arith.addi %mul3A_355, %add3A_475 : i32
        %swap3A_477 = arith.index_cast %add3A_476 : i32 to index
        %swap3A_478 = arith.constant 48 : index
        %swap3A_479 = tpu.vector_load %arg8[%swap3A_477, %swap3A_478] {strides = array<i32>} : memref<200x64xf32, #tpu.memory_space<vmem>>, vector<1x16xf32>,
        %swap3A_480 = vector.shape_cast %swap3A_479 : vector<1x16xf32> to vector<16xf32>
        %swap3A_481 = vector.shape_cast %mul3A_474 : vector<16xf32> to vector<1x16xf32>
        tpu.vector_store %arg8[%swap3A_477, %swap3A_478], %swap3A_481 {strides = array<i32>} : memref<200x64xf32, #tpu.memory_space<vmem>>, vector<1x16xf32>,
        %add3A_482 = arith.constant 2 : i32
        %add3A_483 = arith.addi %mul3A_355, %add3A_482 : i32
        %get3A_484 = arith.index_cast %add3A_483 : i32 to index
        %get3A_485 = arith.constant 0 : index
        %get3A_486 = tpu.vector_load %arg8[%get3A_484, %get3A_485] {strides = array<i32>} : memref<200x64xf32, #tpu.memory_space<vmem>>, vector<1x16xf32>,
        %get3A_487 = vector.shape_cast %get3A_486 : vector<1x16xf32> to vector<16xf32>
        %mul3A_488 = arith.constant 8.000000e+00 : f32
        %mul3A_489 = vector.broadcast %mul3A_488 : f32 to vector<16xf32>
        %mul3A_490 = arith.mulf %get3A_487, %mul3A_489 : vector<16xf32>
        %add3A_491 = arith.constant 2 : i32
        %add3A_492 = arith.addi %mul3A_355, %add3A_491 : i32
        %swap3A_493 = arith.index_cast %add3A_492 : i32 to index
        %swap3A_494 = arith.constant 0 : index
        %swap3A_495 = tpu.vector_load %arg8[%swap3A_493, %swap3A_494] {strides = array<i32>} : memref<200x64xf32, #tpu.memory_space<vmem>>, vector<1x16xf32>,
        %swap3A_496 = vector.shape_cast %swap3A_495 : vector<1x16xf32> to vector<16xf32>
        %swap3A_497 = vector.shape_cast %mul3A_490 : vector<16xf32> to vector<1x16xf32>
        tpu.vector_store %arg8[%swap3A_493, %swap3A_494], %swap3A_497 {strides = array<i32>} : memref<200x64xf32, #tpu.memory_space<vmem>>, vector<1x16xf32>,
        %add3A_498 = arith.constant 2 : i32
        %add3A_499 = arith.addi %mul3A_355, %add3A_498 : i32
        %get3A_500 = arith.index_cast %add3A_499 : i32 to index
        %get3A_501 = arith.constant 16 : index
        %get3A_502 = tpu.vector_load %arg8[%get3A_500, %get3A_501] {strides = array<i32>} : memref<200x64xf32, #tpu.memory_space<vmem>>, vector<1x16xf32>,
        %get3A_503 = vector.shape_cast %get3A_502 : vector<1x16xf32> to vector<16xf32>
        %mul3A_504 = arith.constant 8.000000e+00 : f32
        %mul3A_505 = vector.broadcast %mul3A_504 : f32 to vector<16xf32>
        %mul3A_506 = arith.mulf %get3A_503, %mul3A_505 : vector<16xf32>
        %add3A_507 = arith.constant 2 : i32
        %add3A_508 = arith.addi %mul3A_355, %add3A_507 : i32
        %swap3A_509 = arith.index_cast %add3A_508 : i32 to index
        %swap3A_510 = arith.constant 16 : index
        %swap3A_511 = tpu.vector_load %arg8[%swap3A_509, %swap3A_510] {strides = array<i32>} : memref<200x64xf32, #tpu.memory_space<vmem>>, vector<1x16xf32>,
        %swap3A_512 = vector.shape_cast %swap3A_511 : vector<1x16xf32> to vector<16xf32>
        %swap3A_513 = vector.shape_cast %mul3A_506 : vector<16xf32> to vector<1x16xf32>
        tpu.vector_store %arg8[%swap3A_509, %swap3A_510], %swap3A_513 {strides = array<i32>} : memref<200x64xf32, #tpu.memory_space<vmem>>, vector<1x16xf32>,
        %add3A_514 = arith.constant 2 : i32
        %add3A_515 = arith.addi %mul3A_355, %add3A_514 : i32
        %get3A_516 = arith.index_cast %add3A_515 : i32 to index
        %get3A_517 = arith.constant 32 : index
        %get3A_518 = tpu.vector_load %arg8[%get3A_516, %get3A_517] {strides = array<i32>} : memref<200x64xf32, #tpu.memory_space<vmem>>, vector<1x16xf32>,
        %get3A_519 = vector.shape_cast %get3A_518 : vector<1x16xf32> to vector<16xf32>
        %mul3A_520 = arith.constant 8.000000e+00 : f32
        %mul3A_521 = vector.broadcast %mul3A_520 : f32 to vector<16xf32>
        %mul3A_522 = arith.mulf %get3A_519, %mul3A_521 : vector<16xf32>
        %add3A_523 = arith.constant 2 : i32
        %add3A_524 = arith.addi %mul3A_355, %add3A_523 : i32
        %swap3A_525 = arith.index_cast %add3A_524 : i32 to index
        %swap3A_526 = arith.constant 32 : index
        %swap3A_527 = tpu.vector_load %arg8[%swap3A_525, %swap3A_526] {strides = array<i32>} : memref<200x64xf32, #tpu.memory_space<vmem>>, vector<1x16xf32>,
        %swap3A_528 = vector.shape_cast %swap3A_527 : vector<1x16xf32> to vector<16xf32>
        %swap3A_529 = vector.shape_cast %mul3A_522 : vector<16xf32> to vector<1x16xf32>
        tpu.vector_store %arg8[%swap3A_525, %swap3A_526], %swap3A_529 {strides = array<i32>} : memref<200x64xf32, #tpu.memory_space<vmem>>, vector<1x16xf32>,
        %add3A_530 = arith.constant 2 : i32
        %add3A_531 = arith.addi %mul3A_355, %add3A_530 : i32
        %get3A_532 = arith.index_cast %add3A_531 : i32 to index
        %get3A_533 = arith.constant 48 : index
        %get3A_534 = tpu.vector_load %arg8[%get3A_532, %get3A_533] {strides = array<i32>} : memref<200x64xf32, #tpu.memory_space<vmem>>, vector<1x16xf32>,
        %get3A_535 = vector.shape_cast %get3A_534 : vector<1x16xf32> to vector<16xf32>
        %mul3A_536 = arith.constant 8.000000e+00 : f32
        %mul3A_537 = vector.broadcast %mul3A_536 : f32 to vector<16xf32>
        %mul3A_538 = arith.mulf %get3A_535, %mul3A_537 : vector<16xf32>
        %add3A_539 = arith.constant 2 : i32
        %add3A_540 = arith.addi %mul3A_355, %add3A_539 : i32
        %swap3A_541 = arith.index_cast %add3A_540 : i32 to index
        %swap3A_542 = arith.constant 48 : index
        %swap3A_543 = tpu.vector_load %arg8[%swap3A_541, %swap3A_542] {strides = array<i32>} : memref<200x64xf32, #tpu.memory_space<vmem>>, vector<1x16xf32>,
        %swap3A_544 = vector.shape_cast %swap3A_543 : vector<1x16xf32> to vector<16xf32>
        %swap3A_545 = vector.shape_cast %mul3A_538 : vector<16xf32> to vector<1x16xf32>
        tpu.vector_store %arg8[%swap3A_541, %swap3A_542], %swap3A_545 {strides = array<i32>} : memref<200x64xf32, #tpu.memory_space<vmem>>, vector<1x16xf32>,
        %add3A_546 = arith.constant 3 : i32
        %add3A_547 = arith.addi %mul3A_355, %add3A_546 : i32
        %get3A_548 = arith.index_cast %add3A_547 : i32 to index
        %get3A_549 = arith.constant 0 : index
        %get3A_550 = tpu.vector_load %arg8[%get3A_548, %get3A_549] {strides = array<i32>} : memref<200x64xf32, #tpu.memory_space<vmem>>, vector<1x16xf32>,
        %get3A_551 = vector.shape_cast %get3A_550 : vector<1x16xf32> to vector<16xf32>
        %mul3A_552 = arith.constant 8.000000e+00 : f32
        %mul3A_553 = vector.broadcast %mul3A_552 : f32 to vector<16xf32>
        %mul3A_554 = arith.mulf %get3A_551, %mul3A_553 : vector<16xf32>
        %add3A_555 = arith.constant 3 : i32
        %add3A_556 = arith.addi %mul3A_355, %add3A_555 : i32
        %swap3A_557 = arith.index_cast %add3A_556 : i32 to index
        %swap3A_558 = arith.constant 0 : index
        %swap3A_559 = tpu.vector_load %arg8[%swap3A_557, %swap3A_558] {strides = array<i32>} : memref<200x64xf32, #tpu.memory_space<vmem>>, vector<1x16xf32>,
        %swap3A_560 = vector.shape_cast %swap3A_559 : vector<1x16xf32> to vector<16xf32>
        %swap3A_561 = vector.shape_cast %mul3A_554 : vector<16xf32> to vector<1x16xf32>
        tpu.vector_store %arg8[%swap3A_557, %swap3A_558], %swap3A_561 {strides = array<i32>} : memref<200x64xf32, #tpu.memory_space<vmem>>, vector<1x16xf32>,
        %add3A_562 = arith.constant 3 : i32
        %add3A_563 = arith.addi %mul3A_355, %add3A_562 : i32
        %get3A_564 = arith.index_cast %add3A_563 : i32 to index
        %get3A_565 = arith.constant 16 : index
        %get3A_566 = tpu.vector_load %arg8[%get3A_564, %get3A_565] {strides = array<i32>} : memref<200x64xf32, #tpu.memory_space<vmem>>, vector<1x16xf32>,
        %get3A_567 = vector.shape_cast %get3A_566 : vector<1x16xf32> to vector<16xf32>
        %mul3A_568 = arith.constant 8.000000e+00 : f32
        %mul3A_569 = vector.broadcast %mul3A_568 : f32 to vector<16xf32>
        %mul3A_570 = arith.mulf %get3A_567, %mul3A_569 : vector<16xf32>
        %add3A_571 = arith.constant 3 : i32
        %add3A_572 = arith.addi %mul3A_355, %add3A_571 : i32
        %swap3A_573 = arith.index_cast %add3A_572 : i32 to index
        %swap3A_574 = arith.constant 16 : index
        %swap3A_575 = tpu.vector_load %arg8[%swap3A_573, %swap3A_574] {strides = array<i32>} : memref<200x64xf32, #tpu.memory_space<vmem>>, vector<1x16xf32>,
        %swap3A_576 = vector.shape_cast %swap3A_575 : vector<1x16xf32> to vector<16xf32>
        %swap3A_577 = vector.shape_cast %mul3A_570 : vector<16xf32> to vector<1x16xf32>
        tpu.vector_store %arg8[%swap3A_573, %swap3A_574], %swap3A_577 {strides = array<i32>} : memref<200x64xf32, #tpu.memory_space<vmem>>, vector<1x16xf32>,
        %add3A_578 = arith.constant 3 : i32
        %add3A_579 = arith.addi %mul3A_355, %add3A_578 : i32
        %get3A_580 = arith.index_cast %add3A_579 : i32 to index
        %get3A_581 = arith.constant 32 : index
        %get3A_582 = tpu.vector_load %arg8[%get3A_580, %get3A_581] {strides = array<i32>} : memref<200x64xf32, #tpu.memory_space<vmem>>, vector<1x16xf32>,
        %get3A_583 = vector.shape_cast %get3A_582 : vector<1x16xf32> to vector<16xf32>
        %mul3A_584 = arith.constant 8.000000e+00 : f32
        %mul3A_585 = vector.broadcast %mul3A_584 : f32 to vector<16xf32>
        %mul3A_586 = arith.mulf %get3A_583, %mul3A_585 : vector<16xf32>
        %add3A_587 = arith.constant 3 : i32
        %add3A_588 = arith.addi %mul3A_355, %add3A_587 : i32
        %swap3A_589 = arith.index_cast %add3A_588 : i32 to index
        %swap3A_590 = arith.constant 32 : index
        %swap3A_591 = tpu.vector_load %arg8[%swap3A_589, %swap3A_590] {strides = array<i32>} : memref<200x64xf32, #tpu.memory_space<vmem>>, vector<1x16xf32>,
        %swap3A_592 = vector.shape_cast %swap3A_591 : vector<1x16xf32> to vector<16xf32>
        %swap3A_593 = vector.shape_cast %mul3A_586 : vector<16xf32> to vector<1x16xf32>
        tpu.vector_store %arg8[%swap3A_589, %swap3A_590], %swap3A_593 {strides = array<i32>} : memref<200x64xf32, #tpu.memory_space<vmem>>, vector<1x16xf32>,
        %add3A_594 = arith.constant 3 : i32
        %add3A_595 = arith.addi %mul3A_355, %add3A_594 : i32
        %get3A_596 = arith.index_cast %add3A_595 : i32 to index
        %get3A_597 = arith.constant 48 : index
        %get3A_598 = tpu.vector_load %arg8[%get3A_596, %get3A_597] {strides = array<i32>} : memref<200x64xf32, #tpu.memory_space<vmem>>, vector<1x16xf32>,
        %get3A_599 = vector.shape_cast %get3A_598 : vector<1x16xf32> to vector<16xf32>
        %mul3A_600 = arith.constant 8.000000e+00 : f32
        %mul3A_601 = vector.broadcast %mul3A_600 : f32 to vector<16xf32>
        %mul3A_602 = arith.mulf %get3A_599, %mul3A_601 : vector<16xf32>
        %add3A_603 = arith.constant 3 : i32
        %add3A_604 = arith.addi %mul3A_355, %add3A_603 : i32
        %swap3A_605 = arith.index_cast %add3A_604 : i32 to index
        %swap3A_606 = arith.constant 48 : index
        %swap3A_607 = tpu.vector_load %arg8[%swap3A_605, %swap3A_606] {strides = array<i32>} : memref<200x64xf32, #tpu.memory_space<vmem>>, vector<1x16xf32>,
        %swap3A_608 = vector.shape_cast %swap3A_607 : vector<1x16xf32> to vector<16xf32>
        %swap3A_609 = vector.shape_cast %mul3A_602 : vector<16xf32> to vector<1x16xf32>
        tpu.vector_store %arg8[%swap3A_605, %swap3A_606], %swap3A_609 {strides = array<i32>} : memref<200x64xf32, #tpu.memory_space<vmem>>, vector<1x16xf32>,
      }
      %scan3A_232 = arith.constant 50 : i32
      %add3A_233 = arith.constant 2 : i32
      %add3A_234 = arith.addi %mul3A_168, %add3A_233 : i32
      %add3A_235 = arith.addi %mul3A_2, %add3A_234 : i32
      %dma_start3A_236 = arith.constant 0 : i32
      %dma_start3A_237 = arith.constant 0 : i32
      %dma_start3A_238 = tpu.memref_slice %arg4[%add3A_235, %dma_start3A_236, %dma_start3A_237] : memref<4096x200x64xf32, #tpu.memory_space<hbm>> -> memref<1x200x64xf32, #tpu.memory_space<hbm>>
      %dma_start3A_239 = tpu.memref_squeeze %dma_start3A_238 : memref<1x200x64xf32, #tpu.memory_space<hbm>> -> memref<200x64xf32, #tpu.memory_space<hbm>>
      %dma_start3A_240 = arith.constant 0 : i32
      %dma_start3A_241 = arith.constant 0 : i32
      %dma_start3A_242 = tpu.memref_slice %arg4[%add3A_235, %dma_start3A_240, %dma_start3A_241] : memref<4096x200x64xf32, #tpu.memory_space<hbm>> -> memref<1x200x64xf32, #tpu.memory_space<hbm>>
      %dma_start3A_243 = tpu.memref_squeeze %dma_start3A_242 : memref<1x200x64xf32, #tpu.memory_space<hbm>> -> memref<200x64xf32, #tpu.memory_space<hbm>>
      tpu.enqueue_dma source(%arg8 : memref<200x64xf32, #tpu.memory_space<vmem>>) target(%dma_start3A_243 : memref<200x64xf32, #tpu.memory_space<hbm>>) target_semaphore(%arg16 : memref<!tpu.dma_semaphore, #tpu.memory_space<semaphore_mem>>)
      %add3A_244 = arith.constant 3 : i32
      %add3A_245 = arith.addi %mul3A_168, %add3A_244 : i32
      %dma_wait3A_246 = arith.constant 0 : i32
      %dma_wait3A_247 = tpu.memref_slice %arg5[%add3A_245, %dma_wait3A_246] : memref<128x200xi32, #tpu.memory_space<vmem>> -> memref<1x200xi32, #tpu.memory_space<vmem>>
      %dma_wait3A_248 = tpu.memref_squeeze %dma_wait3A_247 : memref<1x200xi32, #tpu.memory_space<vmem>> -> memref<200xi32, #tpu.memory_space<vmem>>
      %dma_wait3A_249 = arith.constant 0 : i32
      %dma_wait3A_250 = arith.constant 0 : i32
      %dma_wait3A_251 = tpu.memref_slice %arg3[%dma_wait3A_249, %dma_wait3A_250] : memref<1000000x64xf32, #tpu.memory_space<hbm>> -> memref<1000000x64xf32, #tpu.memory_space<hbm>>
      tpu.wait_indirect_dma semaphore(%arg13 : memref<!tpu.dma_semaphore, #tpu.memory_space<semaphore_mem>>) src(%dma_wait3A_251 : memref<1000000x64xf32, #tpu.memory_space<hbm>>) dst(%arg9 : memref<200x64xf32, #tpu.memory_space<vmem>>)
      %scan3A_252 = arith.constant 0 : i32
      %scan3A_253 = arith.constant 0 : i32
      %scan3A_254 = arith.constant 50 : i32
      %scan3A_255 = arith.addi %scan3A_253, %scan3A_254 : i32
      %scan3A_256 = arith.constant 1 : i32
      scf.for %scan3A_353 = %scan3A_253 to %scan3A_255 step %scan3A_256  : i32 {
        %mul3A_354 = arith.constant 4 : i32
        %mul3A_355 = arith.muli %scan3A_353, %mul3A_354 : i32
        %add3A_356 = arith.constant 0 : i32
        %add3A_357 = arith.addi %mul3A_355, %add3A_356 : i32
        %get3A = arith.index_cast %add3A_357 : i32 to index
        %get3A_358 = arith.constant 0 : index
        %get3A_359 = tpu.vector_load %arg9[%get3A, %get3A_358] {strides = array<i32>} : memref<200x64xf32, #tpu.memory_space<vmem>>, vector<1x16xf32>,
        %get3A_360 = vector.shape_cast %get3A_359 : vector<1x16xf32> to vector<16xf32>
        %mul3A_361 = arith.constant 8.000000e+00 : f32
        %mul3A_362 = vector.broadcast %mul3A_361 : f32 to vector<16xf32>
        %mul3A_363 = arith.mulf %get3A_360, %mul3A_362 : vector<16xf32>
        %add3A_364 = arith.constant 0 : i32
        %add3A_365 = arith.addi %mul3A_355, %add3A_364 : i32
        %swap3A = arith.index_cast %add3A_365 : i32 to index
        %swap3A_366 = arith.constant 0 : index
        %swap3A_367 = tpu.vector_load %arg9[%swap3A, %swap3A_366] {strides = array<i32>} : memref<200x64xf32, #tpu.memory_space<vmem>>, vector<1x16xf32>,
        %swap3A_368 = vector.shape_cast %swap3A_367 : vector<1x16xf32> to vector<16xf32>
        %swap3A_369 = vector.shape_cast %mul3A_363 : vector<16xf32> to vector<1x16xf32>
        tpu.vector_store %arg9[%swap3A, %swap3A_366], %swap3A_369 {strides = array<i32>} : memref<200x64xf32, #tpu.memory_space<vmem>>, vector<1x16xf32>,
        %add3A_370 = arith.constant 0 : i32
        %add3A_371 = arith.addi %mul3A_355, %add3A_370 : i32
        %get3A_372 = arith.index_cast %add3A_371 : i32 to index
        %get3A_373 = arith.constant 16 : index
        %get3A_374 = tpu.vector_load %arg9[%get3A_372, %get3A_373] {strides = array<i32>} : memref<200x64xf32, #tpu.memory_space<vmem>>, vector<1x16xf32>,
        %get3A_375 = vector.shape_cast %get3A_374 : vector<1x16xf32> to vector<16xf32>
        %mul3A_376 = arith.constant 8.000000e+00 : f32
        %mul3A_377 = vector.broadcast %mul3A_376 : f32 to vector<16xf32>
        %mul3A_378 = arith.mulf %get3A_375, %mul3A_377 : vector<16xf32>
        %add3A_379 = arith.constant 0 : i32
        %add3A_380 = arith.addi %mul3A_355, %add3A_379 : i32
        %swap3A_381 = arith.index_cast %add3A_380 : i32 to index
        %swap3A_382 = arith.constant 16 : index
        %swap3A_383 = tpu.vector_load %arg9[%swap3A_381, %swap3A_382] {strides = array<i32>} : memref<200x64xf32, #tpu.memory_space<vmem>>, vector<1x16xf32>,
        %swap3A_384 = vector.shape_cast %swap3A_383 : vector<1x16xf32> to vector<16xf32>
        %swap3A_385 = vector.shape_cast %mul3A_378 : vector<16xf32> to vector<1x16xf32>
        tpu.vector_store %arg9[%swap3A_381, %swap3A_382], %swap3A_385 {strides = array<i32>} : memref<200x64xf32, #tpu.memory_space<vmem>>, vector<1x16xf32>,
        %add3A_386 = arith.constant 0 : i32
        %add3A_387 = arith.addi %mul3A_355, %add3A_386 : i32
        %get3A_388 = arith.index_cast %add3A_387 : i32 to index
        %get3A_389 = arith.constant 32 : index
        %get3A_390 = tpu.vector_load %arg9[%get3A_388, %get3A_389] {strides = array<i32>} : memref<200x64xf32, #tpu.memory_space<vmem>>, vector<1x16xf32>,
        %get3A_391 = vector.shape_cast %get3A_390 : vector<1x16xf32> to vector<16xf32>
        %mul3A_392 = arith.constant 8.000000e+00 : f32
        %mul3A_393 = vector.broadcast %mul3A_392 : f32 to vector<16xf32>
        %mul3A_394 = arith.mulf %get3A_391, %mul3A_393 : vector<16xf32>
        %add3A_395 = arith.constant 0 : i32
        %add3A_396 = arith.addi %mul3A_355, %add3A_395 : i32
        %swap3A_397 = arith.index_cast %add3A_396 : i32 to index
        %swap3A_398 = arith.constant 32 : index
        %swap3A_399 = tpu.vector_load %arg9[%swap3A_397, %swap3A_398] {strides = array<i32>} : memref<200x64xf32, #tpu.memory_space<vmem>>, vector<1x16xf32>,
        %swap3A_400 = vector.shape_cast %swap3A_399 : vector<1x16xf32> to vector<16xf32>
        %swap3A_401 = vector.shape_cast %mul3A_394 : vector<16xf32> to vector<1x16xf32>
        tpu.vector_store %arg9[%swap3A_397, %swap3A_398], %swap3A_401 {strides = array<i32>} : memref<200x64xf32, #tpu.memory_space<vmem>>, vector<1x16xf32>,
        %add3A_402 = arith.constant 0 : i32
        %add3A_403 = arith.addi %mul3A_355, %add3A_402 : i32
        %get3A_404 = arith.index_cast %add3A_403 : i32 to index
        %get3A_405 = arith.constant 48 : index
        %get3A_406 = tpu.vector_load %arg9[%get3A_404, %get3A_405] {strides = array<i32>} : memref<200x64xf32, #tpu.memory_space<vmem>>, vector<1x16xf32>,
        %get3A_407 = vector.shape_cast %get3A_406 : vector<1x16xf32> to vector<16xf32>
        %mul3A_408 = arith.constant 8.000000e+00 : f32
        %mul3A_409 = vector.broadcast %mul3A_408 : f32 to vector<16xf32>
        %mul3A_410 = arith.mulf %get3A_407, %mul3A_409 : vector<16xf32>
        %add3A_411 = arith.constant 0 : i32
        %add3A_412 = arith.addi %mul3A_355, %add3A_411 : i32
        %swap3A_413 = arith.index_cast %add3A_412 : i32 to index
        %swap3A_414 = arith.constant 48 : index
        %swap3A_415 = tpu.vector_load %arg9[%swap3A_413, %swap3A_414] {strides = array<i32>} : memref<200x64xf32, #tpu.memory_space<vmem>>, vector<1x16xf32>,
        %swap3A_416 = vector.shape_cast %swap3A_415 : vector<1x16xf32> to vector<16xf32>
        %swap3A_417 = vector.shape_cast %mul3A_410 : vector<16xf32> to vector<1x16xf32>
        tpu.vector_store %arg9[%swap3A_413, %swap3A_414], %swap3A_417 {strides = array<i32>} : memref<200x64xf32, #tpu.memory_space<vmem>>, vector<1x16xf32>,
        %add3A_418 = arith.constant 1 : i32
        %add3A_419 = arith.addi %mul3A_355, %add3A_418 : i32
        %get3A_420 = arith.index_cast %add3A_419 : i32 to index
        %get3A_421 = arith.constant 0 : index
        %get3A_422 = tpu.vector_load %arg9[%get3A_420, %get3A_421] {strides = array<i32>} : memref<200x64xf32, #tpu.memory_space<vmem>>, vector<1x16xf32>,
        %get3A_423 = vector.shape_cast %get3A_422 : vector<1x16xf32> to vector<16xf32>
        %mul3A_424 = arith.constant 8.000000e+00 : f32
        %mul3A_425 = vector.broadcast %mul3A_424 : f32 to vector<16xf32>
        %mul3A_426 = arith.mulf %get3A_423, %mul3A_425 : vector<16xf32>
        %add3A_427 = arith.constant 1 : i32
        %add3A_428 = arith.addi %mul3A_355, %add3A_427 : i32
        %swap3A_429 = arith.index_cast %add3A_428 : i32 to index
        %swap3A_430 = arith.constant 0 : index
        %swap3A_431 = tpu.vector_load %arg9[%swap3A_429, %swap3A_430] {strides = array<i32>} : memref<200x64xf32, #tpu.memory_space<vmem>>, vector<1x16xf32>,
        %swap3A_432 = vector.shape_cast %swap3A_431 : vector<1x16xf32> to vector<16xf32>
        %swap3A_433 = vector.shape_cast %mul3A_426 : vector<16xf32> to vector<1x16xf32>
        tpu.vector_store %arg9[%swap3A_429, %swap3A_430], %swap3A_433 {strides = array<i32>} : memref<200x64xf32, #tpu.memory_space<vmem>>, vector<1x16xf32>,
        %add3A_434 = arith.constant 1 : i32
        %add3A_435 = arith.addi %mul3A_355, %add3A_434 : i32
        %get3A_436 = arith.index_cast %add3A_435 : i32 to index
        %get3A_437 = arith.constant 16 : index
        %get3A_438 = tpu.vector_load %arg9[%get3A_436, %get3A_437] {strides = array<i32>} : memref<200x64xf32, #tpu.memory_space<vmem>>, vector<1x16xf32>,
        %get3A_439 = vector.shape_cast %get3A_438 : vector<1x16xf32> to vector<16xf32>
        %mul3A_440 = arith.constant 8.000000e+00 : f32
        %mul3A_441 = vector.broadcast %mul3A_440 : f32 to vector<16xf32>
        %mul3A_442 = arith.mulf %get3A_439, %mul3A_441 : vector<16xf32>
        %add3A_443 = arith.constant 1 : i32
        %add3A_444 = arith.addi %mul3A_355, %add3A_443 : i32
        %swap3A_445 = arith.index_cast %add3A_444 : i32 to index
        %swap3A_446 = arith.constant 16 : index
        %swap3A_447 = tpu.vector_load %arg9[%swap3A_445, %swap3A_446] {strides = array<i32>} : memref<200x64xf32, #tpu.memory_space<vmem>>, vector<1x16xf32>,
        %swap3A_448 = vector.shape_cast %swap3A_447 : vector<1x16xf32> to vector<16xf32>
        %swap3A_449 = vector.shape_cast %mul3A_442 : vector<16xf32> to vector<1x16xf32>
        tpu.vector_store %arg9[%swap3A_445, %swap3A_446], %swap3A_449 {strides = array<i32>} : memref<200x64xf32, #tpu.memory_space<vmem>>, vector<1x16xf32>,
        %add3A_450 = arith.constant 1 : i32
        %add3A_451 = arith.addi %mul3A_355, %add3A_450 : i32
        %get3A_452 = arith.index_cast %add3A_451 : i32 to index
        %get3A_453 = arith.constant 32 : index
        %get3A_454 = tpu.vector_load %arg9[%get3A_452, %get3A_453] {strides = array<i32>} : memref<200x64xf32, #tpu.memory_space<vmem>>, vector<1x16xf32>,
        %get3A_455 = vector.shape_cast %get3A_454 : vector<1x16xf32> to vector<16xf32>
        %mul3A_456 = arith.constant 8.000000e+00 : f32
        %mul3A_457 = vector.broadcast %mul3A_456 : f32 to vector<16xf32>
        %mul3A_458 = arith.mulf %get3A_455, %mul3A_457 : vector<16xf32>
        %add3A_459 = arith.constant 1 : i32
        %add3A_460 = arith.addi %mul3A_355, %add3A_459 : i32
        %swap3A_461 = arith.index_cast %add3A_460 : i32 to index
        %swap3A_462 = arith.constant 32 : index
        %swap3A_463 = tpu.vector_load %arg9[%swap3A_461, %swap3A_462] {strides = array<i32>} : memref<200x64xf32, #tpu.memory_space<vmem>>, vector<1x16xf32>,
        %swap3A_464 = vector.shape_cast %swap3A_463 : vector<1x16xf32> to vector<16xf32>
        %swap3A_465 = vector.shape_cast %mul3A_458 : vector<16xf32> to vector<1x16xf32>
        tpu.vector_store %arg9[%swap3A_461, %swap3A_462], %swap3A_465 {strides = array<i32>} : memref<200x64xf32, #tpu.memory_space<vmem>>, vector<1x16xf32>,
        %add3A_466 = arith.constant 1 : i32
        %add3A_467 = arith.addi %mul3A_355, %add3A_466 : i32
        %get3A_468 = arith.index_cast %add3A_467 : i32 to index
        %get3A_469 = arith.constant 48 : index
        %get3A_470 = tpu.vector_load %arg9[%get3A_468, %get3A_469] {strides = array<i32>} : memref<200x64xf32, #tpu.memory_space<vmem>>, vector<1x16xf32>,
        %get3A_471 = vector.shape_cast %get3A_470 : vector<1x16xf32> to vector<16xf32>
        %mul3A_472 = arith.constant 8.000000e+00 : f32
        %mul3A_473 = vector.broadcast %mul3A_472 : f32 to vector<16xf32>
        %mul3A_474 = arith.mulf %get3A_471, %mul3A_473 : vector<16xf32>
        %add3A_475 = arith.constant 1 : i32
        %add3A_476 = arith.addi %mul3A_355, %add3A_475 : i32
        %swap3A_477 = arith.index_cast %add3A_476 : i32 to index
        %swap3A_478 = arith.constant 48 : index
        %swap3A_479 = tpu.vector_load %arg9[%swap3A_477, %swap3A_478] {strides = array<i32>} : memref<200x64xf32, #tpu.memory_space<vmem>>, vector<1x16xf32>,
        %swap3A_480 = vector.shape_cast %swap3A_479 : vector<1x16xf32> to vector<16xf32>
        %swap3A_481 = vector.shape_cast %mul3A_474 : vector<16xf32> to vector<1x16xf32>
        tpu.vector_store %arg9[%swap3A_477, %swap3A_478], %swap3A_481 {strides = array<i32>} : memref<200x64xf32, #tpu.memory_space<vmem>>, vector<1x16xf32>,
        %add3A_482 = arith.constant 2 : i32
        %add3A_483 = arith.addi %mul3A_355, %add3A_482 : i32
        %get3A_484 = arith.index_cast %add3A_483 : i32 to index
        %get3A_485 = arith.constant 0 : index
        %get3A_486 = tpu.vector_load %arg9[%get3A_484, %get3A_485] {strides = array<i32>} : memref<200x64xf32, #tpu.memory_space<vmem>>, vector<1x16xf32>,
        %get3A_487 = vector.shape_cast %get3A_486 : vector<1x16xf32> to vector<16xf32>
        %mul3A_488 = arith.constant 8.000000e+00 : f32
        %mul3A_489 = vector.broadcast %mul3A_488 : f32 to vector<16xf32>
        %mul3A_490 = arith.mulf %get3A_487, %mul3A_489 : vector<16xf32>
        %add3A_491 = arith.constant 2 : i32
        %add3A_492 = arith.addi %mul3A_355, %add3A_491 : i32
        %swap3A_493 = arith.index_cast %add3A_492 : i32 to index
        %swap3A_494 = arith.constant 0 : index
        %swap3A_495 = tpu.vector_load %arg9[%swap3A_493, %swap3A_494] {strides = array<i32>} : memref<200x64xf32, #tpu.memory_space<vmem>>, vector<1x16xf32>,
        %swap3A_496 = vector.shape_cast %swap3A_495 : vector<1x16xf32> to vector<16xf32>
        %swap3A_497 = vector.shape_cast %mul3A_490 : vector<16xf32> to vector<1x16xf32>
        tpu.vector_store %arg9[%swap3A_493, %swap3A_494], %swap3A_497 {strides = array<i32>} : memref<200x64xf32, #tpu.memory_space<vmem>>, vector<1x16xf32>,
        %add3A_498 = arith.constant 2 : i32
        %add3A_499 = arith.addi %mul3A_355, %add3A_498 : i32
        %get3A_500 = arith.index_cast %add3A_499 : i32 to index
        %get3A_501 = arith.constant 16 : index
        %get3A_502 = tpu.vector_load %arg9[%get3A_500, %get3A_501] {strides = array<i32>} : memref<200x64xf32, #tpu.memory_space<vmem>>, vector<1x16xf32>,
        %get3A_503 = vector.shape_cast %get3A_502 : vector<1x16xf32> to vector<16xf32>
        %mul3A_504 = arith.constant 8.000000e+00 : f32
        %mul3A_505 = vector.broadcast %mul3A_504 : f32 to vector<16xf32>
        %mul3A_506 = arith.mulf %get3A_503, %mul3A_505 : vector<16xf32>
        %add3A_507 = arith.constant 2 : i32
        %add3A_508 = arith.addi %mul3A_355, %add3A_507 : i32
        %swap3A_509 = arith.index_cast %add3A_508 : i32 to index
        %swap3A_510 = arith.constant 16 : index
        %swap3A_511 = tpu.vector_load %arg9[%swap3A_509, %swap3A_510] {strides = array<i32>} : memref<200x64xf32, #tpu.memory_space<vmem>>, vector<1x16xf32>,
        %swap3A_512 = vector.shape_cast %swap3A_511 : vector<1x16xf32> to vector<16xf32>
        %swap3A_513 = vector.shape_cast %mul3A_506 : vector<16xf32> to vector<1x16xf32>
        tpu.vector_store %arg9[%swap3A_509, %swap3A_510], %swap3A_513 {strides = array<i32>} : memref<200x64xf32, #tpu.memory_space<vmem>>, vector<1x16xf32>,
        %add3A_514 = arith.constant 2 : i32
        %add3A_515 = arith.addi %mul3A_355, %add3A_514 : i32
        %get3A_516 = arith.index_cast %add3A_515 : i32 to index
        %get3A_517 = arith.constant 32 : index
        %get3A_518 = tpu.vector_load %arg9[%get3A_516, %get3A_517] {strides = array<i32>} : memref<200x64xf32, #tpu.memory_space<vmem>>, vector<1x16xf32>,
        %get3A_519 = vector.shape_cast %get3A_518 : vector<1x16xf32> to vector<16xf32>
        %mul3A_520 = arith.constant 8.000000e+00 : f32
        %mul3A_521 = vector.broadcast %mul3A_520 : f32 to vector<16xf32>
        %mul3A_522 = arith.mulf %get3A_519, %mul3A_521 : vector<16xf32>
        %add3A_523 = arith.constant 2 : i32
        %add3A_524 = arith.addi %mul3A_355, %add3A_523 : i32
        %swap3A_525 = arith.index_cast %add3A_524 : i32 to index
        %swap3A_526 = arith.constant 32 : index
        %swap3A_527 = tpu.vector_load %arg9[%swap3A_525, %swap3A_526] {strides = array<i32>} : memref<200x64xf32, #tpu.memory_space<vmem>>, vector<1x16xf32>,
        %swap3A_528 = vector.shape_cast %swap3A_527 : vector<1x16xf32> to vector<16xf32>
        %swap3A_529 = vector.shape_cast %mul3A_522 : vector<16xf32> to vector<1x16xf32>
        tpu.vector_store %arg9[%swap3A_525, %swap3A_526], %swap3A_529 {strides = array<i32>} : memref<200x64xf32, #tpu.memory_space<vmem>>, vector<1x16xf32>,
        %add3A_530 = arith.constant 2 : i32
        %add3A_531 = arith.addi %mul3A_355, %add3A_530 : i32
        %get3A_532 = arith.index_cast %add3A_531 : i32 to index
        %get3A_533 = arith.constant 48 : index
        %get3A_534 = tpu.vector_load %arg9[%get3A_532, %get3A_533] {strides = array<i32>} : memref<200x64xf32, #tpu.memory_space<vmem>>, vector<1x16xf32>,
        %get3A_535 = vector.shape_cast %get3A_534 : vector<1x16xf32> to vector<16xf32>
        %mul3A_536 = arith.constant 8.000000e+00 : f32
        %mul3A_537 = vector.broadcast %mul3A_536 : f32 to vector<16xf32>
        %mul3A_538 = arith.mulf %get3A_535, %mul3A_537 : vector<16xf32>
        %add3A_539 = arith.constant 2 : i32
        %add3A_540 = arith.addi %mul3A_355, %add3A_539 : i32
        %swap3A_541 = arith.index_cast %add3A_540 : i32 to index
        %swap3A_542 = arith.constant 48 : index
        %swap3A_543 = tpu.vector_load %arg9[%swap3A_541, %swap3A_542] {strides = array<i32>} : memref<200x64xf32, #tpu.memory_space<vmem>>, vector<1x16xf32>,
        %swap3A_544 = vector.shape_cast %swap3A_543 : vector<1x16xf32> to vector<16xf32>
        %swap3A_545 = vector.shape_cast %mul3A_538 : vector<16xf32> to vector<1x16xf32>
        tpu.vector_store %arg9[%swap3A_541, %swap3A_542], %swap3A_545 {strides = array<i32>} : memref<200x64xf32, #tpu.memory_space<vmem>>, vector<1x16xf32>,
        %add3A_546 = arith.constant 3 : i32
        %add3A_547 = arith.addi %mul3A_355, %add3A_546 : i32
        %get3A_548 = arith.index_cast %add3A_547 : i32 to index
        %get3A_549 = arith.constant 0 : index
        %get3A_550 = tpu.vector_load %arg9[%get3A_548, %get3A_549] {strides = array<i32>} : memref<200x64xf32, #tpu.memory_space<vmem>>, vector<1x16xf32>,
        %get3A_551 = vector.shape_cast %get3A_550 : vector<1x16xf32> to vector<16xf32>
        %mul3A_552 = arith.constant 8.000000e+00 : f32
        %mul3A_553 = vector.broadcast %mul3A_552 : f32 to vector<16xf32>
        %mul3A_554 = arith.mulf %get3A_551, %mul3A_553 : vector<16xf32>
        %add3A_555 = arith.constant 3 : i32
        %add3A_556 = arith.addi %mul3A_355, %add3A_555 : i32
        %swap3A_557 = arith.index_cast %add3A_556 : i32 to index
        %swap3A_558 = arith.constant 0 : index
        %swap3A_559 = tpu.vector_load %arg9[%swap3A_557, %swap3A_558] {strides = array<i32>} : memref<200x64xf32, #tpu.memory_space<vmem>>, vector<1x16xf32>,
        %swap3A_560 = vector.shape_cast %swap3A_559 : vector<1x16xf32> to vector<16xf32>
        %swap3A_561 = vector.shape_cast %mul3A_554 : vector<16xf32> to vector<1x16xf32>
        tpu.vector_store %arg9[%swap3A_557, %swap3A_558], %swap3A_561 {strides = array<i32>} : memref<200x64xf32, #tpu.memory_space<vmem>>, vector<1x16xf32>,
        %add3A_562 = arith.constant 3 : i32
        %add3A_563 = arith.addi %mul3A_355, %add3A_562 : i32
        %get3A_564 = arith.index_cast %add3A_563 : i32 to index
        %get3A_565 = arith.constant 16 : index
        %get3A_566 = tpu.vector_load %arg9[%get3A_564, %get3A_565] {strides = array<i32>} : memref<200x64xf32, #tpu.memory_space<vmem>>, vector<1x16xf32>,
        %get3A_567 = vector.shape_cast %get3A_566 : vector<1x16xf32> to vector<16xf32>
        %mul3A_568 = arith.constant 8.000000e+00 : f32
        %mul3A_569 = vector.broadcast %mul3A_568 : f32 to vector<16xf32>
        %mul3A_570 = arith.mulf %get3A_567, %mul3A_569 : vector<16xf32>
        %add3A_571 = arith.constant 3 : i32
        %add3A_572 = arith.addi %mul3A_355, %add3A_571 : i32
        %swap3A_573 = arith.index_cast %add3A_572 : i32 to index
        %swap3A_574 = arith.constant 16 : index
        %swap3A_575 = tpu.vector_load %arg9[%swap3A_573, %swap3A_574] {strides = array<i32>} : memref<200x64xf32, #tpu.memory_space<vmem>>, vector<1x16xf32>,
        %swap3A_576 = vector.shape_cast %swap3A_575 : vector<1x16xf32> to vector<16xf32>
        %swap3A_577 = vector.shape_cast %mul3A_570 : vector<16xf32> to vector<1x16xf32>
        tpu.vector_store %arg9[%swap3A_573, %swap3A_574], %swap3A_577 {strides = array<i32>} : memref<200x64xf32, #tpu.memory_space<vmem>>, vector<1x16xf32>,
        %add3A_578 = arith.constant 3 : i32
        %add3A_579 = arith.addi %mul3A_355, %add3A_578 : i32
        %get3A_580 = arith.index_cast %add3A_579 : i32 to index
        %get3A_581 = arith.constant 32 : index
        %get3A_582 = tpu.vector_load %arg9[%get3A_580, %get3A_581] {strides = array<i32>} : memref<200x64xf32, #tpu.memory_space<vmem>>, vector<1x16xf32>,
        %get3A_583 = vector.shape_cast %get3A_582 : vector<1x16xf32> to vector<16xf32>
        %mul3A_584 = arith.constant 8.000000e+00 : f32
        %mul3A_585 = vector.broadcast %mul3A_584 : f32 to vector<16xf32>
        %mul3A_586 = arith.mulf %get3A_583, %mul3A_585 : vector<16xf32>
        %add3A_587 = arith.constant 3 : i32
        %add3A_588 = arith.addi %mul3A_355, %add3A_587 : i32
        %swap3A_589 = arith.index_cast %add3A_588 : i32 to index
        %swap3A_590 = arith.constant 32 : index
        %swap3A_591 = tpu.vector_load %arg9[%swap3A_589, %swap3A_590] {strides = array<i32>} : memref<200x64xf32, #tpu.memory_space<vmem>>, vector<1x16xf32>,
        %swap3A_592 = vector.shape_cast %swap3A_591 : vector<1x16xf32> to vector<16xf32>
        %swap3A_593 = vector.shape_cast %mul3A_586 : vector<16xf32> to vector<1x16xf32>
        tpu.vector_store %arg9[%swap3A_589, %swap3A_590], %swap3A_593 {strides = array<i32>} : memref<200x64xf32, #tpu.memory_space<vmem>>, vector<1x16xf32>,
        %add3A_594 = arith.constant 3 : i32
        %add3A_595 = arith.addi %mul3A_355, %add3A_594 : i32
        %get3A_596 = arith.index_cast %add3A_595 : i32 to index
        %get3A_597 = arith.constant 48 : index
        %get3A_598 = tpu.vector_load %arg9[%get3A_596, %get3A_597] {strides = array<i32>} : memref<200x64xf32, #tpu.memory_space<vmem>>, vector<1x16xf32>,
        %get3A_599 = vector.shape_cast %get3A_598 : vector<1x16xf32> to vector<16xf32>
        %mul3A_600 = arith.constant 8.000000e+00 : f32
        %mul3A_601 = vector.broadcast %mul3A_600 : f32 to vector<16xf32>
        %mul3A_602 = arith.mulf %get3A_599, %mul3A_601 : vector<16xf32>
        %add3A_603 = arith.constant 3 : i32
        %add3A_604 = arith.addi %mul3A_355, %add3A_603 : i32
        %swap3A_605 = arith.index_cast %add3A_604 : i32 to index
        %swap3A_606 = arith.constant 48 : index
        %swap3A_607 = tpu.vector_load %arg9[%swap3A_605, %swap3A_606] {strides = array<i32>} : memref<200x64xf32, #tpu.memory_space<vmem>>, vector<1x16xf32>,
        %swap3A_608 = vector.shape_cast %swap3A_607 : vector<1x16xf32> to vector<16xf32>
        %swap3A_609 = vector.shape_cast %mul3A_602 : vector<16xf32> to vector<1x16xf32>
        tpu.vector_store %arg9[%swap3A_605, %swap3A_606], %swap3A_609 {strides = array<i32>} : memref<200x64xf32, #tpu.memory_space<vmem>>, vector<1x16xf32>,
      }
      %scan3A_257 = arith.constant 50 : i32
      %add3A_258 = arith.constant 3 : i32
      %add3A_259 = arith.addi %mul3A_168, %add3A_258 : i32
      %add3A_260 = arith.addi %mul3A_2, %add3A_259 : i32
      %dma_start3A_261 = arith.constant 0 : i32
      %dma_start3A_262 = arith.constant 0 : i32
      %dma_start3A_263 = tpu.memref_slice %arg4[%add3A_260, %dma_start3A_261, %dma_start3A_262] : memref<4096x200x64xf32, #tpu.memory_space<hbm>> -> memref<1x200x64xf32, #tpu.memory_space<hbm>>
      %dma_start3A_264 = tpu.memref_squeeze %dma_start3A_263 : memref<1x200x64xf32, #tpu.memory_space<hbm>> -> memref<200x64xf32, #tpu.memory_space<hbm>>
      %dma_start3A_265 = arith.constant 0 : i32
      %dma_start3A_266 = arith.constant 0 : i32
      %dma_start3A_267 = tpu.memref_slice %arg4[%add3A_260, %dma_start3A_265, %dma_start3A_266] : memref<4096x200x64xf32, #tpu.memory_space<hbm>> -> memref<1x200x64xf32, #tpu.memory_space<hbm>>
      %dma_start3A_268 = tpu.memref_squeeze %dma_start3A_267 : memref<1x200x64xf32, #tpu.memory_space<hbm>> -> memref<200x64xf32, #tpu.memory_space<hbm>>
      tpu.enqueue_dma source(%arg9 : memref<200x64xf32, #tpu.memory_space<vmem>>) target(%dma_start3A_268 : memref<200x64xf32, #tpu.memory_space<hbm>>) target_semaphore(%arg17 : memref<!tpu.dma_semaphore, #tpu.memory_space<semaphore_mem>>)
      %add3A_269 = arith.constant 0 : i32
      %add3A_270 = arith.addi %mul3A_168, %add3A_269 : i32
      %add3A_271 = arith.addi %mul3A_2, %add3A_270 : i32
      %dma_wait3A_272 = arith.constant 0 : i32
      %dma_wait3A_273 = arith.constant 0 : i32
      %dma_wait3A_274 = tpu.memref_slice %arg4[%add3A_271, %dma_wait3A_272, %dma_wait3A_273] : memref<4096x200x64xf32, #tpu.memory_space<hbm>> -> memref<1x200x64xf32, #tpu.memory_space<hbm>>
      %dma_wait3A_275 = tpu.memref_squeeze %dma_wait3A_274 : memref<1x200x64xf32, #tpu.memory_space<hbm>> -> memref<200x64xf32, #tpu.memory_space<hbm>>
      %dma_wait3A_276 = arith.constant 0 : i32
      %dma_wait3A_277 = arith.constant 0 : i32
      %dma_wait3A_278 = tpu.memref_slice %arg4[%add3A_271, %dma_wait3A_276, %dma_wait3A_277] : memref<4096x200x64xf32, #tpu.memory_space<hbm>> -> memref<1x200x64xf32, #tpu.memory_space<hbm>>
      %dma_wait3A_279 = tpu.memref_squeeze %dma_wait3A_278 : memref<1x200x64xf32, #tpu.memory_space<hbm>> -> memref<200x64xf32, #tpu.memory_space<hbm>>
      tpu.wait_dma2 semaphore(%arg14 : memref<!tpu.dma_semaphore, #tpu.memory_space<semaphore_mem>>) src(%arg6 : memref<200x64xf32, #tpu.memory_space<vmem>>) dst(%dma_wait3A_279 : memref<200x64xf32, #tpu.memory_space<hbm>>)
      %add3A_280 = arith.constant 4 : i32
      %add3A_281 = arith.addi %mul3A_168, %add3A_280 : i32
      %add3A_282 = arith.constant 0 : i32
      %add3A_283 = arith.addi %add3A_281, %add3A_282 : i32
      %dma_start3A_284 = arith.constant 0 : i32
      %dma_start3A_285 = tpu.memref_slice %arg5[%add3A_283, %dma_start3A_284] : memref<128x200xi32, #tpu.memory_space<vmem>> -> memref<1x200xi32, #tpu.memory_space<vmem>>
      %dma_start3A_286 = tpu.memref_squeeze %dma_start3A_285 : memref<1x200xi32, #tpu.memory_space<vmem>> -> memref<200xi32, #tpu.memory_space<vmem>>
      %dma_start3A_287 = arith.constant 0 : i32
      %dma_start3A_288 = arith.constant 0 : i32
      %dma_start3A_289 = tpu.memref_slice %arg3[%dma_start3A_287, %dma_start3A_288] : memref<1000000x64xf32, #tpu.memory_space<hbm>> -> memref<1000000x64xf32, #tpu.memory_space<hbm>>
      tpu.enqueue_indirect_dma source(%dma_start3A_289 : memref<1000000x64xf32, #tpu.memory_space<hbm>>) target(%arg6 : memref<200x64xf32, #tpu.memory_space<vmem>>) offsets(%dma_start3A_286 : memref<200xi32, #tpu.memory_space<vmem>>) semaphore(%arg10 : memref<!tpu.dma_semaphore, #tpu.memory_space<semaphore_mem>>)
      %add3A_290 = arith.constant 1 : i32
      %add3A_291 = arith.addi %mul3A_168, %add3A_290 : i32
      %add3A_292 = arith.addi %mul3A_2, %add3A_291 : i32
      %dma_wait3A_293 = arith.constant 0 : i32
      %dma_wait3A_294 = arith.constant 0 : i32
      %dma_wait3A_295 = tpu.memref_slice %arg4[%add3A_292, %dma_wait3A_293, %dma_wait3A_294] : memref<4096x200x64xf32, #tpu.memory_space<hbm>> -> memref<1x200x64xf32, #tpu.memory_space<hbm>>
      %dma_wait3A_296 = tpu.memref_squeeze %dma_wait3A_295 : memref<1x200x64xf32, #tpu.memory_space<hbm>> -> memref<200x64xf32, #tpu.memory_space<hbm>>
      %dma_wait3A_297 = arith.constant 0 : i32
      %dma_wait3A_298 = arith.constant 0 : i32
      %dma_wait3A_299 = tpu.memref_slice %arg4[%add3A_292, %dma_wait3A_297, %dma_wait3A_298] : memref<4096x200x64xf32, #tpu.memory_space<hbm>> -> memref<1x200x64xf32, #tpu.memory_space<hbm>>
      %dma_wait3A_300 = tpu.memref_squeeze %dma_wait3A_299 : memref<1x200x64xf32, #tpu.memory_space<hbm>> -> memref<200x64xf32, #tpu.memory_space<hbm>>
      tpu.wait_dma2 semaphore(%arg15 : memref<!tpu.dma_semaphore, #tpu.memory_space<semaphore_mem>>) src(%arg7 : memref<200x64xf32, #tpu.memory_space<vmem>>) dst(%dma_wait3A_300 : memref<200x64xf32, #tpu.memory_space<hbm>>)
      %add3A_301 = arith.constant 4 : i32
      %add3A_302 = arith.addi %mul3A_168, %add3A_301 : i32
      %add3A_303 = arith.constant 1 : i32
      %add3A_304 = arith.addi %add3A_302, %add3A_303 : i32
      %dma_start3A_305 = arith.constant 0 : i32
      %dma_start3A_306 = tpu.memref_slice %arg5[%add3A_304, %dma_start3A_305] : memref<128x200xi32, #tpu.memory_space<vmem>> -> memref<1x200xi32, #tpu.memory_space<vmem>>
      %dma_start3A_307 = tpu.memref_squeeze %dma_start3A_306 : memref<1x200xi32, #tpu.memory_space<vmem>> -> memref<200xi32, #tpu.memory_space<vmem>>
      %dma_start3A_308 = arith.constant 0 : i32
      %dma_start3A_309 = arith.constant 0 : i32
      %dma_start3A_310 = tpu.memref_slice %arg3[%dma_start3A_308, %dma_start3A_309] : memref<1000000x64xf32, #tpu.memory_space<hbm>> -> memref<1000000x64xf32, #tpu.memory_space<hbm>>
      tpu.enqueue_indirect_dma source(%dma_start3A_310 : memref<1000000x64xf32, #tpu.memory_space<hbm>>) target(%arg7 : memref<200x64xf32, #tpu.memory_space<vmem>>) offsets(%dma_start3A_307 : memref<200xi32, #tpu.memory_space<vmem>>) semaphore(%arg11 : memref<!tpu.dma_semaphore, #tpu.memory_space<semaphore_mem>>)
      %add3A_311 = arith.constant 2 : i32
      %add3A_312 = arith.addi %mul3A_168, %add3A_311 : i32
      %add3A_313 = arith.addi %mul3A_2, %add3A_312 : i32
      %dma_wait3A_314 = arith.constant 0 : i32
      %dma_wait3A_315 = arith.constant 0 : i32
      %dma_wait3A_316 = tpu.memref_slice %arg4[%add3A_313, %dma_wait3A_314, %dma_wait3A_315] : memref<4096x200x64xf32, #tpu.memory_space<hbm>> -> memref<1x200x64xf32, #tpu.memory_space<hbm>>
      %dma_wait3A_317 = tpu.memref_squeeze %dma_wait3A_316 : memref<1x200x64xf32, #tpu.memory_space<hbm>> -> memref<200x64xf32, #tpu.memory_space<hbm>>
      %dma_wait3A_318 = arith.constant 0 : i32
      %dma_wait3A_319 = arith.constant 0 : i32
      %dma_wait3A_320 = tpu.memref_slice %arg4[%add3A_313, %dma_wait3A_318, %dma_wait3A_319] : memref<4096x200x64xf32, #tpu.memory_space<hbm>> -> memref<1x200x64xf32, #tpu.memory_space<hbm>>
      %dma_wait3A_321 = tpu.memref_squeeze %dma_wait3A_320 : memref<1x200x64xf32, #tpu.memory_space<hbm>> -> memref<200x64xf32, #tpu.memory_space<hbm>>
      tpu.wait_dma2 semaphore(%arg16 : memref<!tpu.dma_semaphore, #tpu.memory_space<semaphore_mem>>) src(%arg8 : memref<200x64xf32, #tpu.memory_space<vmem>>) dst(%dma_wait3A_321 : memref<200x64xf32, #tpu.memory_space<hbm>>)
      %add3A_322 = arith.constant 4 : i32
      %add3A_323 = arith.addi %mul3A_168, %add3A_322 : i32
      %add3A_324 = arith.constant 2 : i32
      %add3A_325 = arith.addi %add3A_323, %add3A_324 : i32
      %dma_start3A_326 = arith.constant 0 : i32
      %dma_start3A_327 = tpu.memref_slice %arg5[%add3A_325, %dma_start3A_326] : memref<128x200xi32, #tpu.memory_space<vmem>> -> memref<1x200xi32, #tpu.memory_space<vmem>>
      %dma_start3A_328 = tpu.memref_squeeze %dma_start3A_327 : memref<1x200xi32, #tpu.memory_space<vmem>> -> memref<200xi32, #tpu.memory_space<vmem>>
      %dma_start3A_329 = arith.constant 0 : i32
      %dma_start3A_330 = arith.constant 0 : i32
      %dma_start3A_331 = tpu.memref_slice %arg3[%dma_start3A_329, %dma_start3A_330] : memref<1000000x64xf32, #tpu.memory_space<hbm>> -> memref<1000000x64xf32, #tpu.memory_space<hbm>>
      tpu.enqueue_indirect_dma source(%dma_start3A_331 : memref<1000000x64xf32, #tpu.memory_space<hbm>>) target(%arg8 : memref<200x64xf32, #tpu.memory_space<vmem>>) offsets(%dma_start3A_328 : memref<200xi32, #tpu.memory_space<vmem>>) semaphore(%arg12 : memref<!tpu.dma_semaphore, #tpu.memory_space<semaphore_mem>>)
      %add3A_332 = arith.constant 3 : i32
      %add3A_333 = arith.addi %mul3A_168, %add3A_332 : i32
      %add3A_334 = arith.addi %mul3A_2, %add3A_333 : i32
      %dma_wait3A_335 = arith.constant 0 : i32
      %dma_wait3A_336 = arith.constant 0 : i32
      %dma_wait3A_337 = tpu.memref_slice %arg4[%add3A_334, %dma_wait3A_335, %dma_wait3A_336] : memref<4096x200x64xf32, #tpu.memory_space<hbm>> -> memref<1x200x64xf32, #tpu.memory_space<hbm>>
      %dma_wait3A_338 = tpu.memref_squeeze %dma_wait3A_337 : memref<1x200x64xf32, #tpu.memory_space<hbm>> -> memref<200x64xf32, #tpu.memory_space<hbm>>
      %dma_wait3A_339 = arith.constant 0 : i32
      %dma_wait3A_340 = arith.constant 0 : i32
      %dma_wait3A_341 = tpu.memref_slice %arg4[%add3A_334, %dma_wait3A_339, %dma_wait3A_340] : memref<4096x200x64xf32, #tpu.memory_space<hbm>> -> memref<1x200x64xf32, #tpu.memory_space<hbm>>
      %dma_wait3A_342 = tpu.memref_squeeze %dma_wait3A_341 : memref<1x200x64xf32, #tpu.memory_space<hbm>> -> memref<200x64xf32, #tpu.memory_space<hbm>>
      tpu.wait_dma2 semaphore(%arg17 : memref<!tpu.dma_semaphore, #tpu.memory_space<semaphore_mem>>) src(%arg9 : memref<200x64xf32, #tpu.memory_space<vmem>>) dst(%dma_wait3A_342 : memref<200x64xf32, #tpu.memory_space<hbm>>)
      %add3A_343 = arith.constant 4 : i32
      %add3A_344 = arith.addi %mul3A_168, %add3A_343 : i32
      %add3A_345 = arith.constant 3 : i32
      %add3A_346 = arith.addi %add3A_344, %add3A_345 : i32
      %dma_start3A_347 = arith.constant 0 : i32
      %dma_start3A_348 = tpu.memref_slice %arg5[%add3A_346, %dma_start3A_347] : memref<128x200xi32, #tpu.memory_space<vmem>> -> memref<1x200xi32, #tpu.memory_space<vmem>>
      %dma_start3A_349 = tpu.memref_squeeze %dma_start3A_348 : memref<1x200xi32, #tpu.memory_space<vmem>> -> memref<200xi32, #tpu.memory_space<vmem>>
      %dma_start3A_350 = arith.constant 0 : i32
      %dma_start3A_351 = arith.constant 0 : i32
      %dma_start3A_352 = tpu.memref_slice %arg3[%dma_start3A_350, %dma_start3A_351] : memref<1000000x64xf32, #tpu.memory_space<hbm>> -> memref<1000000x64xf32, #tpu.memory_space<hbm>>
      tpu.enqueue_indirect_dma source(%dma_start3A_352 : memref<1000000x64xf32, #tpu.memory_space<hbm>>) target(%arg9 : memref<200x64xf32, #tpu.memory_space<vmem>>) offsets(%dma_start3A_349 : memref<200xi32, #tpu.memory_space<vmem>>) semaphore(%arg13 : memref<!tpu.dma_semaphore, #tpu.memory_space<semaphore_mem>>)
    }
    %scan3A_34 = arith.constant 31 : i32
    %dma_wait3A = arith.constant 124 : i32
    %dma_wait3A_35 = arith.constant 0 : i32
    %dma_wait3A_36 = tpu.memref_slice %arg5[%dma_wait3A, %dma_wait3A_35] : memref<128x200xi32, #tpu.memory_space<vmem>> -> memref<1x200xi32, #tpu.memory_space<vmem>>
    %dma_wait3A_37 = tpu.memref_squeeze %dma_wait3A_36 : memref<1x200xi32, #tpu.memory_space<vmem>> -> memref<200xi32, #tpu.memory_space<vmem>>
    %dma_wait3A_38 = arith.constant 0 : i32
    %dma_wait3A_39 = arith.constant 0 : i32
    %dma_wait3A_40 = tpu.memref_slice %arg3[%dma_wait3A_38, %dma_wait3A_39] : memref<1000000x64xf32, #tpu.memory_space<hbm>> -> memref<1000000x64xf32, #tpu.memory_space<hbm>>
    tpu.wait_indirect_dma semaphore(%arg10 : memref<!tpu.dma_semaphore, #tpu.memory_space<semaphore_mem>>) src(%dma_wait3A_40 : memref<1000000x64xf32, #tpu.memory_space<hbm>>) dst(%arg6 : memref<200x64xf32, #tpu.memory_space<vmem>>)
    %scan3A_41 = arith.constant 0 : i32
    %scan3A_42 = arith.constant 0 : i32
    %scan3A_43 = arith.constant 50 : i32
    %scan3A_44 = arith.addi %scan3A_42, %scan3A_43 : i32
    %scan3A_45 = arith.constant 1 : i32
    scf.for %scan3A_166 = %scan3A_42 to %scan3A_44 step %scan3A_45  : i32 {
      %mul3A_167 = arith.constant 4 : i32
      %mul3A_168 = arith.muli %scan3A_166, %mul3A_167 : i32
      %add3A_169 = arith.constant 0 : i32
      %add3A_170 = arith.addi %mul3A_168, %add3A_169 : i32
      %get3A = arith.index_cast %add3A_170 : i32 to index
      %get3A_171 = arith.constant 0 : index
      %get3A_172 = tpu.vector_load %arg6[%get3A, %get3A_171] {strides = array<i32>} : memref<200x64xf32, #tpu.memory_space<vmem>>, vector<1x16xf32>,
      %get3A_173 = vector.shape_cast %get3A_172 : vector<1x16xf32> to vector<16xf32>
      %mul3A_174 = arith.constant 8.000000e+00 : f32
      %mul3A_175 = vector.broadcast %mul3A_174 : f32 to vector<16xf32>
      %mul3A_176 = arith.mulf %get3A_173, %mul3A_175 : vector<16xf32>
      %add3A_177 = arith.constant 0 : i32
      %add3A_178 = arith.addi %mul3A_168, %add3A_177 : i32
      %swap3A = arith.index_cast %add3A_178 : i32 to index
      %swap3A_179 = arith.constant 0 : index
      %swap3A_180 = tpu.vector_load %arg6[%swap3A, %swap3A_179] {strides = array<i32>} : memref<200x64xf32, #tpu.memory_space<vmem>>, vector<1x16xf32>,
      %swap3A_181 = vector.shape_cast %swap3A_180 : vector<1x16xf32> to vector<16xf32>
      %swap3A_182 = vector.shape_cast %mul3A_176 : vector<16xf32> to vector<1x16xf32>
      tpu.vector_store %arg6[%swap3A, %swap3A_179], %swap3A_182 {strides = array<i32>} : memref<200x64xf32, #tpu.memory_space<vmem>>, vector<1x16xf32>,
      %add3A_183 = arith.constant 0 : i32
      %add3A_184 = arith.addi %mul3A_168, %add3A_183 : i32
      %get3A_185 = arith.index_cast %add3A_184 : i32 to index
      %get3A_186 = arith.constant 16 : index
      %get3A_187 = tpu.vector_load %arg6[%get3A_185, %get3A_186] {strides = array<i32>} : memref<200x64xf32, #tpu.memory_space<vmem>>, vector<1x16xf32>,
      %get3A_188 = vector.shape_cast %get3A_187 : vector<1x16xf32> to vector<16xf32>
      %mul3A_189 = arith.constant 8.000000e+00 : f32
      %mul3A_190 = vector.broadcast %mul3A_189 : f32 to vector<16xf32>
      %mul3A_191 = arith.mulf %get3A_188, %mul3A_190 : vector<16xf32>
      %add3A_192 = arith.constant 0 : i32
      %add3A_193 = arith.addi %mul3A_168, %add3A_192 : i32
      %swap3A_194 = arith.index_cast %add3A_193 : i32 to index
      %swap3A_195 = arith.constant 16 : index
      %swap3A_196 = tpu.vector_load %arg6[%swap3A_194, %swap3A_195] {strides = array<i32>} : memref<200x64xf32, #tpu.memory_space<vmem>>, vector<1x16xf32>,
      %swap3A_197 = vector.shape_cast %swap3A_196 : vector<1x16xf32> to vector<16xf32>
      %swap3A_198 = vector.shape_cast %mul3A_191 : vector<16xf32> to vector<1x16xf32>
      tpu.vector_store %arg6[%swap3A_194, %swap3A_195], %swap3A_198 {strides = array<i32>} : memref<200x64xf32, #tpu.memory_space<vmem>>, vector<1x16xf32>,
      %add3A_199 = arith.constant 0 : i32
      %add3A_200 = arith.addi %mul3A_168, %add3A_199 : i32
      %get3A_201 = arith.index_cast %add3A_200 : i32 to index
      %get3A_202 = arith.constant 32 : index
      %get3A_203 = tpu.vector_load %arg6[%get3A_201, %get3A_202] {strides = array<i32>} : memref<200x64xf32, #tpu.memory_space<vmem>>, vector<1x16xf32>,
      %get3A_204 = vector.shape_cast %get3A_203 : vector<1x16xf32> to vector<16xf32>
      %mul3A_205 = arith.constant 8.000000e+00 : f32
      %mul3A_206 = vector.broadcast %mul3A_205 : f32 to vector<16xf32>
      %mul3A_207 = arith.mulf %get3A_204, %mul3A_206 : vector<16xf32>
      %add3A_208 = arith.constant 0 : i32
      %add3A_209 = arith.addi %mul3A_168, %add3A_208 : i32
      %swap3A_210 = arith.index_cast %add3A_209 : i32 to index
      %swap3A_211 = arith.constant 32 : index
      %swap3A_212 = tpu.vector_load %arg6[%swap3A_210, %swap3A_211] {strides = array<i32>} : memref<200x64xf32, #tpu.memory_space<vmem>>, vector<1x16xf32>,
      %swap3A_213 = vector.shape_cast %swap3A_212 : vector<1x16xf32> to vector<16xf32>
      %swap3A_214 = vector.shape_cast %mul3A_207 : vector<16xf32> to vector<1x16xf32>
      tpu.vector_store %arg6[%swap3A_210, %swap3A_211], %swap3A_214 {strides = array<i32>} : memref<200x64xf32, #tpu.memory_space<vmem>>, vector<1x16xf32>,
      %add3A_215 = arith.constant 0 : i32
      %add3A_216 = arith.addi %mul3A_168, %add3A_215 : i32
      %get3A_217 = arith.index_cast %add3A_216 : i32 to index
      %get3A_218 = arith.constant 48 : index
      %get3A_219 = tpu.vector_load %arg6[%get3A_217, %get3A_218] {strides = array<i32>} : memref<200x64xf32, #tpu.memory_space<vmem>>, vector<1x16xf32>,
      %get3A_220 = vector.shape_cast %get3A_219 : vector<1x16xf32> to vector<16xf32>
      %mul3A_221 = arith.constant 8.000000e+00 : f32
      %mul3A_222 = vector.broadcast %mul3A_221 : f32 to vector<16xf32>
      %mul3A_223 = arith.mulf %get3A_220, %mul3A_222 : vector<16xf32>
      %add3A_224 = arith.constant 0 : i32
      %add3A_225 = arith.addi %mul3A_168, %add3A_224 : i32
      %swap3A_226 = arith.index_cast %add3A_225 : i32 to index
      %swap3A_227 = arith.constant 48 : index
      %swap3A_228 = tpu.vector_load %arg6[%swap3A_226, %swap3A_227] {strides = array<i32>} : memref<200x64xf32, #tpu.memory_space<vmem>>, vector<1x16xf32>,
      %swap3A_229 = vector.shape_cast %swap3A_228 : vector<1x16xf32> to vector<16xf32>
      %swap3A_230 = vector.shape_cast %mul3A_223 : vector<16xf32> to vector<1x16xf32>
      tpu.vector_store %arg6[%swap3A_226, %swap3A_227], %swap3A_230 {strides = array<i32>} : memref<200x64xf32, #tpu.memory_space<vmem>>, vector<1x16xf32>,
      %add3A_231 = arith.constant 1 : i32
      %add3A_232 = arith.addi %mul3A_168, %add3A_231 : i32
      %get3A_233 = arith.index_cast %add3A_232 : i32 to index
      %get3A_234 = arith.constant 0 : index
      %get3A_235 = tpu.vector_load %arg6[%get3A_233, %get3A_234] {strides = array<i32>} : memref<200x64xf32, #tpu.memory_space<vmem>>, vector<1x16xf32>,
      %get3A_236 = vector.shape_cast %get3A_235 : vector<1x16xf32> to vector<16xf32>
      %mul3A_237 = arith.constant 8.000000e+00 : f32
      %mul3A_238 = vector.broadcast %mul3A_237 : f32 to vector<16xf32>
      %mul3A_239 = arith.mulf %get3A_236, %mul3A_238 : vector<16xf32>
      %add3A_240 = arith.constant 1 : i32
      %add3A_241 = arith.addi %mul3A_168, %add3A_240 : i32
      %swap3A_242 = arith.index_cast %add3A_241 : i32 to index
      %swap3A_243 = arith.constant 0 : index
      %swap3A_244 = tpu.vector_load %arg6[%swap3A_242, %swap3A_243] {strides = array<i32>} : memref<200x64xf32, #tpu.memory_space<vmem>>, vector<1x16xf32>,
      %swap3A_245 = vector.shape_cast %swap3A_244 : vector<1x16xf32> to vector<16xf32>
      %swap3A_246 = vector.shape_cast %mul3A_239 : vector<16xf32> to vector<1x16xf32>
      tpu.vector_store %arg6[%swap3A_242, %swap3A_243], %swap3A_246 {strides = array<i32>} : memref<200x64xf32, #tpu.memory_space<vmem>>, vector<1x16xf32>,
      %add3A_247 = arith.constant 1 : i32
      %add3A_248 = arith.addi %mul3A_168, %add3A_247 : i32
      %get3A_249 = arith.index_cast %add3A_248 : i32 to index
      %get3A_250 = arith.constant 16 : index
      %get3A_251 = tpu.vector_load %arg6[%get3A_249, %get3A_250] {strides = array<i32>} : memref<200x64xf32, #tpu.memory_space<vmem>>, vector<1x16xf32>,
      %get3A_252 = vector.shape_cast %get3A_251 : vector<1x16xf32> to vector<16xf32>
      %mul3A_253 = arith.constant 8.000000e+00 : f32
      %mul3A_254 = vector.broadcast %mul3A_253 : f32 to vector<16xf32>
      %mul3A_255 = arith.mulf %get3A_252, %mul3A_254 : vector<16xf32>
      %add3A_256 = arith.constant 1 : i32
      %add3A_257 = arith.addi %mul3A_168, %add3A_256 : i32
      %swap3A_258 = arith.index_cast %add3A_257 : i32 to index
      %swap3A_259 = arith.constant 16 : index
      %swap3A_260 = tpu.vector_load %arg6[%swap3A_258, %swap3A_259] {strides = array<i32>} : memref<200x64xf32, #tpu.memory_space<vmem>>, vector<1x16xf32>,
      %swap3A_261 = vector.shape_cast %swap3A_260 : vector<1x16xf32> to vector<16xf32>
      %swap3A_262 = vector.shape_cast %mul3A_255 : vector<16xf32> to vector<1x16xf32>
      tpu.vector_store %arg6[%swap3A_258, %swap3A_259], %swap3A_262 {strides = array<i32>} : memref<200x64xf32, #tpu.memory_space<vmem>>, vector<1x16xf32>,
      %add3A_263 = arith.constant 1 : i32
      %add3A_264 = arith.addi %mul3A_168, %add3A_263 : i32
      %get3A_265 = arith.index_cast %add3A_264 : i32 to index
      %get3A_266 = arith.constant 32 : index
      %get3A_267 = tpu.vector_load %arg6[%get3A_265, %get3A_266] {strides = array<i32>} : memref<200x64xf32, #tpu.memory_space<vmem>>, vector<1x16xf32>,
      %get3A_268 = vector.shape_cast %get3A_267 : vector<1x16xf32> to vector<16xf32>
      %mul3A_269 = arith.constant 8.000000e+00 : f32
      %mul3A_270 = vector.broadcast %mul3A_269 : f32 to vector<16xf32>
      %mul3A_271 = arith.mulf %get3A_268, %mul3A_270 : vector<16xf32>
      %add3A_272 = arith.constant 1 : i32
      %add3A_273 = arith.addi %mul3A_168, %add3A_272 : i32
      %swap3A_274 = arith.index_cast %add3A_273 : i32 to index
      %swap3A_275 = arith.constant 32 : index
      %swap3A_276 = tpu.vector_load %arg6[%swap3A_274, %swap3A_275] {strides = array<i32>} : memref<200x64xf32, #tpu.memory_space<vmem>>, vector<1x16xf32>,
      %swap3A_277 = vector.shape_cast %swap3A_276 : vector<1x16xf32> to vector<16xf32>
      %swap3A_278 = vector.shape_cast %mul3A_271 : vector<16xf32> to vector<1x16xf32>
      tpu.vector_store %arg6[%swap3A_274, %swap3A_275], %swap3A_278 {strides = array<i32>} : memref<200x64xf32, #tpu.memory_space<vmem>>, vector<1x16xf32>,
      %add3A_279 = arith.constant 1 : i32
      %add3A_280 = arith.addi %mul3A_168, %add3A_279 : i32
      %get3A_281 = arith.index_cast %add3A_280 : i32 to index
      %get3A_282 = arith.constant 48 : index
      %get3A_283 = tpu.vector_load %arg6[%get3A_281, %get3A_282] {strides = array<i32>} : memref<200x64xf32, #tpu.memory_space<vmem>>, vector<1x16xf32>,
      %get3A_284 = vector.shape_cast %get3A_283 : vector<1x16xf32> to vector<16xf32>
      %mul3A_285 = arith.constant 8.000000e+00 : f32
      %mul3A_286 = vector.broadcast %mul3A_285 : f32 to vector<16xf32>
      %mul3A_287 = arith.mulf %get3A_284, %mul3A_286 : vector<16xf32>
      %add3A_288 = arith.constant 1 : i32
      %add3A_289 = arith.addi %mul3A_168, %add3A_288 : i32
      %swap3A_290 = arith.index_cast %add3A_289 : i32 to index
      %swap3A_291 = arith.constant 48 : index
      %swap3A_292 = tpu.vector_load %arg6[%swap3A_290, %swap3A_291] {strides = array<i32>} : memref<200x64xf32, #tpu.memory_space<vmem>>, vector<1x16xf32>,
      %swap3A_293 = vector.shape_cast %swap3A_292 : vector<1x16xf32> to vector<16xf32>
      %swap3A_294 = vector.shape_cast %mul3A_287 : vector<16xf32> to vector<1x16xf32>
      tpu.vector_store %arg6[%swap3A_290, %swap3A_291], %swap3A_294 {strides = array<i32>} : memref<200x64xf32, #tpu.memory_space<vmem>>, vector<1x16xf32>,
      %add3A_295 = arith.constant 2 : i32
      %add3A_296 = arith.addi %mul3A_168, %add3A_295 : i32
      %get3A_297 = arith.index_cast %add3A_296 : i32 to index
      %get3A_298 = arith.constant 0 : index
      %get3A_299 = tpu.vector_load %arg6[%get3A_297, %get3A_298] {strides = array<i32>} : memref<200x64xf32, #tpu.memory_space<vmem>>, vector<1x16xf32>,
      %get3A_300 = vector.shape_cast %get3A_299 : vector<1x16xf32> to vector<16xf32>
      %mul3A_301 = arith.constant 8.000000e+00 : f32
      %mul3A_302 = vector.broadcast %mul3A_301 : f32 to vector<16xf32>
      %mul3A_303 = arith.mulf %get3A_300, %mul3A_302 : vector<16xf32>
      %add3A_304 = arith.constant 2 : i32
      %add3A_305 = arith.addi %mul3A_168, %add3A_304 : i32
      %swap3A_306 = arith.index_cast %add3A_305 : i32 to index
      %swap3A_307 = arith.constant 0 : index
      %swap3A_308 = tpu.vector_load %arg6[%swap3A_306, %swap3A_307] {strides = array<i32>} : memref<200x64xf32, #tpu.memory_space<vmem>>, vector<1x16xf32>,
      %swap3A_309 = vector.shape_cast %swap3A_308 : vector<1x16xf32> to vector<16xf32>
      %swap3A_310 = vector.shape_cast %mul3A_303 : vector<16xf32> to vector<1x16xf32>
      tpu.vector_store %arg6[%swap3A_306, %swap3A_307], %swap3A_310 {strides = array<i32>} : memref<200x64xf32, #tpu.memory_space<vmem>>, vector<1x16xf32>,
      %add3A_311 = arith.constant 2 : i32
      %add3A_312 = arith.addi %mul3A_168, %add3A_311 : i32
      %get3A_313 = arith.index_cast %add3A_312 : i32 to index
      %get3A_314 = arith.constant 16 : index
      %get3A_315 = tpu.vector_load %arg6[%get3A_313, %get3A_314] {strides = array<i32>} : memref<200x64xf32, #tpu.memory_space<vmem>>, vector<1x16xf32>,
      %get3A_316 = vector.shape_cast %get3A_315 : vector<1x16xf32> to vector<16xf32>
      %mul3A_317 = arith.constant 8.000000e+00 : f32
      %mul3A_318 = vector.broadcast %mul3A_317 : f32 to vector<16xf32>
      %mul3A_319 = arith.mulf %get3A_316, %mul3A_318 : vector<16xf32>
      %add3A_320 = arith.constant 2 : i32
      %add3A_321 = arith.addi %mul3A_168, %add3A_320 : i32
      %swap3A_322 = arith.index_cast %add3A_321 : i32 to index
      %swap3A_323 = arith.constant 16 : index
      %swap3A_324 = tpu.vector_load %arg6[%swap3A_322, %swap3A_323] {strides = array<i32>} : memref<200x64xf32, #tpu.memory_space<vmem>>, vector<1x16xf32>,
      %swap3A_325 = vector.shape_cast %swap3A_324 : vector<1x16xf32> to vector<16xf32>
      %swap3A_326 = vector.shape_cast %mul3A_319 : vector<16xf32> to vector<1x16xf32>
      tpu.vector_store %arg6[%swap3A_322, %swap3A_323], %swap3A_326 {strides = array<i32>} : memref<200x64xf32, #tpu.memory_space<vmem>>, vector<1x16xf32>,
      %add3A_327 = arith.constant 2 : i32
      %add3A_328 = arith.addi %mul3A_168, %add3A_327 : i32
      %get3A_329 = arith.index_cast %add3A_328 : i32 to index
      %get3A_330 = arith.constant 32 : index
      %get3A_331 = tpu.vector_load %arg6[%get3A_329, %get3A_330] {strides = array<i32>} : memref<200x64xf32, #tpu.memory_space<vmem>>, vector<1x16xf32>,
      %get3A_332 = vector.shape_cast %get3A_331 : vector<1x16xf32> to vector<16xf32>
      %mul3A_333 = arith.constant 8.000000e+00 : f32
      %mul3A_334 = vector.broadcast %mul3A_333 : f32 to vector<16xf32>
      %mul3A_335 = arith.mulf %get3A_332, %mul3A_334 : vector<16xf32>
      %add3A_336 = arith.constant 2 : i32
      %add3A_337 = arith.addi %mul3A_168, %add3A_336 : i32
      %swap3A_338 = arith.index_cast %add3A_337 : i32 to index
      %swap3A_339 = arith.constant 32 : index
      %swap3A_340 = tpu.vector_load %arg6[%swap3A_338, %swap3A_339] {strides = array<i32>} : memref<200x64xf32, #tpu.memory_space<vmem>>, vector<1x16xf32>,
      %swap3A_341 = vector.shape_cast %swap3A_340 : vector<1x16xf32> to vector<16xf32>
      %swap3A_342 = vector.shape_cast %mul3A_335 : vector<16xf32> to vector<1x16xf32>
      tpu.vector_store %arg6[%swap3A_338, %swap3A_339], %swap3A_342 {strides = array<i32>} : memref<200x64xf32, #tpu.memory_space<vmem>>, vector<1x16xf32>,
      %add3A_343 = arith.constant 2 : i32
      %add3A_344 = arith.addi %mul3A_168, %add3A_343 : i32
      %get3A_345 = arith.index_cast %add3A_344 : i32 to index
      %get3A_346 = arith.constant 48 : index
      %get3A_347 = tpu.vector_load %arg6[%get3A_345, %get3A_346] {strides = array<i32>} : memref<200x64xf32, #tpu.memory_space<vmem>>, vector<1x16xf32>,
      %get3A_348 = vector.shape_cast %get3A_347 : vector<1x16xf32> to vector<16xf32>
      %mul3A_349 = arith.constant 8.000000e+00 : f32
      %mul3A_350 = vector.broadcast %mul3A_349 : f32 to vector<16xf32>
      %mul3A_351 = arith.mulf %get3A_348, %mul3A_350 : vector<16xf32>
      %add3A_352 = arith.constant 2 : i32
      %add3A_353 = arith.addi %mul3A_168, %add3A_352 : i32
      %swap3A_354 = arith.index_cast %add3A_353 : i32 to index
      %swap3A_355 = arith.constant 48 : index
      %swap3A_356 = tpu.vector_load %arg6[%swap3A_354, %swap3A_355] {strides = array<i32>} : memref<200x64xf32, #tpu.memory_space<vmem>>, vector<1x16xf32>,
      %swap3A_357 = vector.shape_cast %swap3A_356 : vector<1x16xf32> to vector<16xf32>
      %swap3A_358 = vector.shape_cast %mul3A_351 : vector<16xf32> to vector<1x16xf32>
      tpu.vector_store %arg6[%swap3A_354, %swap3A_355], %swap3A_358 {strides = array<i32>} : memref<200x64xf32, #tpu.memory_space<vmem>>, vector<1x16xf32>,
      %add3A_359 = arith.constant 3 : i32
      %add3A_360 = arith.addi %mul3A_168, %add3A_359 : i32
      %get3A_361 = arith.index_cast %add3A_360 : i32 to index
      %get3A_362 = arith.constant 0 : index
      %get3A_363 = tpu.vector_load %arg6[%get3A_361, %get3A_362] {strides = array<i32>} : memref<200x64xf32, #tpu.memory_space<vmem>>, vector<1x16xf32>,
      %get3A_364 = vector.shape_cast %get3A_363 : vector<1x16xf32> to vector<16xf32>
      %mul3A_365 = arith.constant 8.000000e+00 : f32
      %mul3A_366 = vector.broadcast %mul3A_365 : f32 to vector<16xf32>
      %mul3A_367 = arith.mulf %get3A_364, %mul3A_366 : vector<16xf32>
      %add3A_368 = arith.constant 3 : i32
      %add3A_369 = arith.addi %mul3A_168, %add3A_368 : i32
      %swap3A_370 = arith.index_cast %add3A_369 : i32 to index
      %swap3A_371 = arith.constant 0 : index
      %swap3A_372 = tpu.vector_load %arg6[%swap3A_370, %swap3A_371] {strides = array<i32>} : memref<200x64xf32, #tpu.memory_space<vmem>>, vector<1x16xf32>,
      %swap3A_373 = vector.shape_cast %swap3A_372 : vector<1x16xf32> to vector<16xf32>
      %swap3A_374 = vector.shape_cast %mul3A_367 : vector<16xf32> to vector<1x16xf32>
      tpu.vector_store %arg6[%swap3A_370, %swap3A_371], %swap3A_374 {strides = array<i32>} : memref<200x64xf32, #tpu.memory_space<vmem>>, vector<1x16xf32>,
      %add3A_375 = arith.constant 3 : i32
      %add3A_376 = arith.addi %mul3A_168, %add3A_375 : i32
      %get3A_377 = arith.index_cast %add3A_376 : i32 to index
      %get3A_378 = arith.constant 16 : index
      %get3A_379 = tpu.vector_load %arg6[%get3A_377, %get3A_378] {strides = array<i32>} : memref<200x64xf32, #tpu.memory_space<vmem>>, vector<1x16xf32>,
      %get3A_380 = vector.shape_cast %get3A_379 : vector<1x16xf32> to vector<16xf32>
      %mul3A_381 = arith.constant 8.000000e+00 : f32
      %mul3A_382 = vector.broadcast %mul3A_381 : f32 to vector<16xf32>
      %mul3A_383 = arith.mulf %get3A_380, %mul3A_382 : vector<16xf32>
      %add3A_384 = arith.constant 3 : i32
      %add3A_385 = arith.addi %mul3A_168, %add3A_384 : i32
      %swap3A_386 = arith.index_cast %add3A_385 : i32 to index
      %swap3A_387 = arith.constant 16 : index
      %swap3A_388 = tpu.vector_load %arg6[%swap3A_386, %swap3A_387] {strides = array<i32>} : memref<200x64xf32, #tpu.memory_space<vmem>>, vector<1x16xf32>,
      %swap3A_389 = vector.shape_cast %swap3A_388 : vector<1x16xf32> to vector<16xf32>
      %swap3A_390 = vector.shape_cast %mul3A_383 : vector<16xf32> to vector<1x16xf32>
      tpu.vector_store %arg6[%swap3A_386, %swap3A_387], %swap3A_390 {strides = array<i32>} : memref<200x64xf32, #tpu.memory_space<vmem>>, vector<1x16xf32>,
      %add3A_391 = arith.constant 3 : i32
      %add3A_392 = arith.addi %mul3A_168, %add3A_391 : i32
      %get3A_393 = arith.index_cast %add3A_392 : i32 to index
      %get3A_394 = arith.constant 32 : index
      %get3A_395 = tpu.vector_load %arg6[%get3A_393, %get3A_394] {strides = array<i32>} : memref<200x64xf32, #tpu.memory_space<vmem>>, vector<1x16xf32>,
      %get3A_396 = vector.shape_cast %get3A_395 : vector<1x16xf32> to vector<16xf32>
      %mul3A_397 = arith.constant 8.000000e+00 : f32
      %mul3A_398 = vector.broadcast %mul3A_397 : f32 to vector<16xf32>
      %mul3A_399 = arith.mulf %get3A_396, %mul3A_398 : vector<16xf32>
      %add3A_400 = arith.constant 3 : i32
      %add3A_401 = arith.addi %mul3A_168, %add3A_400 : i32
      %swap3A_402 = arith.index_cast %add3A_401 : i32 to index
      %swap3A_403 = arith.constant 32 : index
      %swap3A_404 = tpu.vector_load %arg6[%swap3A_402, %swap3A_403] {strides = array<i32>} : memref<200x64xf32, #tpu.memory_space<vmem>>, vector<1x16xf32>,
      %swap3A_405 = vector.shape_cast %swap3A_404 : vector<1x16xf32> to vector<16xf32>
      %swap3A_406 = vector.shape_cast %mul3A_399 : vector<16xf32> to vector<1x16xf32>
      tpu.vector_store %arg6[%swap3A_402, %swap3A_403], %swap3A_406 {strides = array<i32>} : memref<200x64xf32, #tpu.memory_space<vmem>>, vector<1x16xf32>,
      %add3A_407 = arith.constant 3 : i32
      %add3A_408 = arith.addi %mul3A_168, %add3A_407 : i32
      %get3A_409 = arith.index_cast %add3A_408 : i32 to index
      %get3A_410 = arith.constant 48 : index
      %get3A_411 = tpu.vector_load %arg6[%get3A_409, %get3A_410] {strides = array<i32>} : memref<200x64xf32, #tpu.memory_space<vmem>>, vector<1x16xf32>,
      %get3A_412 = vector.shape_cast %get3A_411 : vector<1x16xf32> to vector<16xf32>
      %mul3A_413 = arith.constant 8.000000e+00 : f32
      %mul3A_414 = vector.broadcast %mul3A_413 : f32 to vector<16xf32>
      %mul3A_415 = arith.mulf %get3A_412, %mul3A_414 : vector<16xf32>
      %add3A_416 = arith.constant 3 : i32
      %add3A_417 = arith.addi %mul3A_168, %add3A_416 : i32
      %swap3A_418 = arith.index_cast %add3A_417 : i32 to index
      %swap3A_419 = arith.constant 48 : index
      %swap3A_420 = tpu.vector_load %arg6[%swap3A_418, %swap3A_419] {strides = array<i32>} : memref<200x64xf32, #tpu.memory_space<vmem>>, vector<1x16xf32>,
      %swap3A_421 = vector.shape_cast %swap3A_420 : vector<1x16xf32> to vector<16xf32>
      %swap3A_422 = vector.shape_cast %mul3A_415 : vector<16xf32> to vector<1x16xf32>
      tpu.vector_store %arg6[%swap3A_418, %swap3A_419], %swap3A_422 {strides = array<i32>} : memref<200x64xf32, #tpu.memory_space<vmem>>, vector<1x16xf32>,
    }
    %scan3A_46 = arith.constant 50 : i32
    %add3A_47 = arith.constant 124 : i32
    %add3A_48 = arith.addi %mul3A_2, %add3A_47 : i32
    %dma_start3A_49 = arith.constant 0 : i32
    %dma_start3A_50 = arith.constant 0 : i32
    %dma_start3A_51 = tpu.memref_slice %arg4[%add3A_48, %dma_start3A_49, %dma_start3A_50] : memref<4096x200x64xf32, #tpu.memory_space<hbm>> -> memref<1x200x64xf32, #tpu.memory_space<hbm>>
    %dma_start3A_52 = tpu.memref_squeeze %dma_start3A_51 : memref<1x200x64xf32, #tpu.memory_space<hbm>> -> memref<200x64xf32, #tpu.memory_space<hbm>>
    %dma_start3A_53 = arith.constant 0 : i32
    %dma_start3A_54 = arith.constant 0 : i32
    %dma_start3A_55 = tpu.memref_slice %arg4[%add3A_48, %dma_start3A_53, %dma_start3A_54] : memref<4096x200x64xf32, #tpu.memory_space<hbm>> -> memref<1x200x64xf32, #tpu.memory_space<hbm>>
    %dma_start3A_56 = tpu.memref_squeeze %dma_start3A_55 : memref<1x200x64xf32, #tpu.memory_space<hbm>> -> memref<200x64xf32, #tpu.memory_space<hbm>>
    tpu.enqueue_dma source(%arg6 : memref<200x64xf32, #tpu.memory_space<vmem>>) target(%dma_start3A_56 : memref<200x64xf32, #tpu.memory_space<hbm>>) target_semaphore(%arg14 : memref<!tpu.dma_semaphore, #tpu.memory_space<semaphore_mem>>)
    %dma_wait3A_57 = arith.constant 125 : i32
    %dma_wait3A_58 = arith.constant 0 : i32
    %dma_wait3A_59 = tpu.memref_slice %arg5[%dma_wait3A_57, %dma_wait3A_58] : memref<128x200xi32, #tpu.memory_space<vmem>> -> memref<1x200xi32, #tpu.memory_space<vmem>>
    %dma_wait3A_60 = tpu.memref_squeeze %dma_wait3A_59 : memref<1x200xi32, #tpu.memory_space<vmem>> -> memref<200xi32, #tpu.memory_space<vmem>>
    %dma_wait3A_61 = arith.constant 0 : i32
    %dma_wait3A_62 = arith.constant 0 : i32
    %dma_wait3A_63 = tpu.memref_slice %arg3[%dma_wait3A_61, %dma_wait3A_62] : memref<1000000x64xf32, #tpu.memory_space<hbm>> -> memref<1000000x64xf32, #tpu.memory_space<hbm>>
    tpu.wait_indirect_dma semaphore(%arg11 : memref<!tpu.dma_semaphore, #tpu.memory_space<semaphore_mem>>) src(%dma_wait3A_63 : memref<1000000x64xf32, #tpu.memory_space<hbm>>) dst(%arg7 : memref<200x64xf32, #tpu.memory_space<vmem>>)
    %scan3A_64 = arith.constant 0 : i32
    %scan3A_65 = arith.constant 0 : i32
    %scan3A_66 = arith.constant 50 : i32
    %scan3A_67 = arith.addi %scan3A_65, %scan3A_66 : i32
    %scan3A_68 = arith.constant 1 : i32
    scf.for %scan3A_166 = %scan3A_65 to %scan3A_67 step %scan3A_68  : i32 {
      %mul3A_167 = arith.constant 4 : i32
      %mul3A_168 = arith.muli %scan3A_166, %mul3A_167 : i32
      %add3A_169 = arith.constant 0 : i32
      %add3A_170 = arith.addi %mul3A_168, %add3A_169 : i32
      %get3A = arith.index_cast %add3A_170 : i32 to index
      %get3A_171 = arith.constant 0 : index
      %get3A_172 = tpu.vector_load %arg7[%get3A, %get3A_171] {strides = array<i32>} : memref<200x64xf32, #tpu.memory_space<vmem>>, vector<1x16xf32>,
      %get3A_173 = vector.shape_cast %get3A_172 : vector<1x16xf32> to vector<16xf32>
      %mul3A_174 = arith.constant 8.000000e+00 : f32
      %mul3A_175 = vector.broadcast %mul3A_174 : f32 to vector<16xf32>
      %mul3A_176 = arith.mulf %get3A_173, %mul3A_175 : vector<16xf32>
      %add3A_177 = arith.constant 0 : i32
      %add3A_178 = arith.addi %mul3A_168, %add3A_177 : i32
      %swap3A = arith.index_cast %add3A_178 : i32 to index
      %swap3A_179 = arith.constant 0 : index
      %swap3A_180 = tpu.vector_load %arg7[%swap3A, %swap3A_179] {strides = array<i32>} : memref<200x64xf32, #tpu.memory_space<vmem>>, vector<1x16xf32>,
      %swap3A_181 = vector.shape_cast %swap3A_180 : vector<1x16xf32> to vector<16xf32>
      %swap3A_182 = vector.shape_cast %mul3A_176 : vector<16xf32> to vector<1x16xf32>
      tpu.vector_store %arg7[%swap3A, %swap3A_179], %swap3A_182 {strides = array<i32>} : memref<200x64xf32, #tpu.memory_space<vmem>>, vector<1x16xf32>,
      %add3A_183 = arith.constant 0 : i32
      %add3A_184 = arith.addi %mul3A_168, %add3A_183 : i32
      %get3A_185 = arith.index_cast %add3A_184 : i32 to index
      %get3A_186 = arith.constant 16 : index
      %get3A_187 = tpu.vector_load %arg7[%get3A_185, %get3A_186] {strides = array<i32>} : memref<200x64xf32, #tpu.memory_space<vmem>>, vector<1x16xf32>,
      %get3A_188 = vector.shape_cast %get3A_187 : vector<1x16xf32> to vector<16xf32>
      %mul3A_189 = arith.constant 8.000000e+00 : f32
      %mul3A_190 = vector.broadcast %mul3A_189 : f32 to vector<16xf32>
      %mul3A_191 = arith.mulf %get3A_188, %mul3A_190 : vector<16xf32>
      %add3A_192 = arith.constant 0 : i32
      %add3A_193 = arith.addi %mul3A_168, %add3A_192 : i32
      %swap3A_194 = arith.index_cast %add3A_193 : i32 to index
      %swap3A_195 = arith.constant 16 : index
      %swap3A_196 = tpu.vector_load %arg7[%swap3A_194, %swap3A_195] {strides = array<i32>} : memref<200x64xf32, #tpu.memory_space<vmem>>, vector<1x16xf32>,
      %swap3A_197 = vector.shape_cast %swap3A_196 : vector<1x16xf32> to vector<16xf32>
      %swap3A_198 = vector.shape_cast %mul3A_191 : vector<16xf32> to vector<1x16xf32>
      tpu.vector_store %arg7[%swap3A_194, %swap3A_195], %swap3A_198 {strides = array<i32>} : memref<200x64xf32, #tpu.memory_space<vmem>>, vector<1x16xf32>,
      %add3A_199 = arith.constant 0 : i32
      %add3A_200 = arith.addi %mul3A_168, %add3A_199 : i32
      %get3A_201 = arith.index_cast %add3A_200 : i32 to index
      %get3A_202 = arith.constant 32 : index
      %get3A_203 = tpu.vector_load %arg7[%get3A_201, %get3A_202] {strides = array<i32>} : memref<200x64xf32, #tpu.memory_space<vmem>>, vector<1x16xf32>,
      %get3A_204 = vector.shape_cast %get3A_203 : vector<1x16xf32> to vector<16xf32>
      %mul3A_205 = arith.constant 8.000000e+00 : f32
      %mul3A_206 = vector.broadcast %mul3A_205 : f32 to vector<16xf32>
      %mul3A_207 = arith.mulf %get3A_204, %mul3A_206 : vector<16xf32>
      %add3A_208 = arith.constant 0 : i32
      %add3A_209 = arith.addi %mul3A_168, %add3A_208 : i32
      %swap3A_210 = arith.index_cast %add3A_209 : i32 to index
      %swap3A_211 = arith.constant 32 : index
      %swap3A_212 = tpu.vector_load %arg7[%swap3A_210, %swap3A_211] {strides = array<i32>} : memref<200x64xf32, #tpu.memory_space<vmem>>, vector<1x16xf32>,
      %swap3A_213 = vector.shape_cast %swap3A_212 : vector<1x16xf32> to vector<16xf32>
      %swap3A_214 = vector.shape_cast %mul3A_207 : vector<16xf32> to vector<1x16xf32>
      tpu.vector_store %arg7[%swap3A_210, %swap3A_211], %swap3A_214 {strides = array<i32>} : memref<200x64xf32, #tpu.memory_space<vmem>>, vector<1x16xf32>,
      %add3A_215 = arith.constant 0 : i32
      %add3A_216 = arith.addi %mul3A_168, %add3A_215 : i32
      %get3A_217 = arith.index_cast %add3A_216 : i32 to index
      %get3A_218 = arith.constant 48 : index
      %get3A_219 = tpu.vector_load %arg7[%get3A_217, %get3A_218] {strides = array<i32>} : memref<200x64xf32, #tpu.memory_space<vmem>>, vector<1x16xf32>,
      %get3A_220 = vector.shape_cast %get3A_219 : vector<1x16xf32> to vector<16xf32>
      %mul3A_221 = arith.constant 8.000000e+00 : f32
      %mul3A_222 = vector.broadcast %mul3A_221 : f32 to vector<16xf32>
      %mul3A_223 = arith.mulf %get3A_220, %mul3A_222 : vector<16xf32>
      %add3A_224 = arith.constant 0 : i32
      %add3A_225 = arith.addi %mul3A_168, %add3A_224 : i32
      %swap3A_226 = arith.index_cast %add3A_225 : i32 to index
      %swap3A_227 = arith.constant 48 : index
      %swap3A_228 = tpu.vector_load %arg7[%swap3A_226, %swap3A_227] {strides = array<i32>} : memref<200x64xf32, #tpu.memory_space<vmem>>, vector<1x16xf32>,
      %swap3A_229 = vector.shape_cast %swap3A_228 : vector<1x16xf32> to vector<16xf32>
      %swap3A_230 = vector.shape_cast %mul3A_223 : vector<16xf32> to vector<1x16xf32>
      tpu.vector_store %arg7[%swap3A_226, %swap3A_227], %swap3A_230 {strides = array<i32>} : memref<200x64xf32, #tpu.memory_space<vmem>>, vector<1x16xf32>,
      %add3A_231 = arith.constant 1 : i32
      %add3A_232 = arith.addi %mul3A_168, %add3A_231 : i32
      %get3A_233 = arith.index_cast %add3A_232 : i32 to index
      %get3A_234 = arith.constant 0 : index
      %get3A_235 = tpu.vector_load %arg7[%get3A_233, %get3A_234] {strides = array<i32>} : memref<200x64xf32, #tpu.memory_space<vmem>>, vector<1x16xf32>,
      %get3A_236 = vector.shape_cast %get3A_235 : vector<1x16xf32> to vector<16xf32>
      %mul3A_237 = arith.constant 8.000000e+00 : f32
      %mul3A_238 = vector.broadcast %mul3A_237 : f32 to vector<16xf32>
      %mul3A_239 = arith.mulf %get3A_236, %mul3A_238 : vector<16xf32>
      %add3A_240 = arith.constant 1 : i32
      %add3A_241 = arith.addi %mul3A_168, %add3A_240 : i32
      %swap3A_242 = arith.index_cast %add3A_241 : i32 to index
      %swap3A_243 = arith.constant 0 : index
      %swap3A_244 = tpu.vector_load %arg7[%swap3A_242, %swap3A_243] {strides = array<i32>} : memref<200x64xf32, #tpu.memory_space<vmem>>, vector<1x16xf32>,
      %swap3A_245 = vector.shape_cast %swap3A_244 : vector<1x16xf32> to vector<16xf32>
      %swap3A_246 = vector.shape_cast %mul3A_239 : vector<16xf32> to vector<1x16xf32>
      tpu.vector_store %arg7[%swap3A_242, %swap3A_243], %swap3A_246 {strides = array<i32>} : memref<200x64xf32, #tpu.memory_space<vmem>>, vector<1x16xf32>,
      %add3A_247 = arith.constant 1 : i32
      %add3A_248 = arith.addi %mul3A_168, %add3A_247 : i32
      %get3A_249 = arith.index_cast %add3A_248 : i32 to index
      %get3A_250 = arith.constant 16 : index
      %get3A_251 = tpu.vector_load %arg7[%get3A_249, %get3A_250] {strides = array<i32>} : memref<200x64xf32, #tpu.memory_space<vmem>>, vector<1x16xf32>,
      %get3A_252 = vector.shape_cast %get3A_251 : vector<1x16xf32> to vector<16xf32>
      %mul3A_253 = arith.constant 8.000000e+00 : f32
      %mul3A_254 = vector.broadcast %mul3A_253 : f32 to vector<16xf32>
      %mul3A_255 = arith.mulf %get3A_252, %mul3A_254 : vector<16xf32>
      %add3A_256 = arith.constant 1 : i32
      %add3A_257 = arith.addi %mul3A_168, %add3A_256 : i32
      %swap3A_258 = arith.index_cast %add3A_257 : i32 to index
      %swap3A_259 = arith.constant 16 : index
      %swap3A_260 = tpu.vector_load %arg7[%swap3A_258, %swap3A_259] {strides = array<i32>} : memref<200x64xf32, #tpu.memory_space<vmem>>, vector<1x16xf32>,
      %swap3A_261 = vector.shape_cast %swap3A_260 : vector<1x16xf32> to vector<16xf32>
      %swap3A_262 = vector.shape_cast %mul3A_255 : vector<16xf32> to vector<1x16xf32>
      tpu.vector_store %arg7[%swap3A_258, %swap3A_259], %swap3A_262 {strides = array<i32>} : memref<200x64xf32, #tpu.memory_space<vmem>>, vector<1x16xf32>,
      %add3A_263 = arith.constant 1 : i32
      %add3A_264 = arith.addi %mul3A_168, %add3A_263 : i32
      %get3A_265 = arith.index_cast %add3A_264 : i32 to index
      %get3A_266 = arith.constant 32 : index
      %get3A_267 = tpu.vector_load %arg7[%get3A_265, %get3A_266] {strides = array<i32>} : memref<200x64xf32, #tpu.memory_space<vmem>>, vector<1x16xf32>,
      %get3A_268 = vector.shape_cast %get3A_267 : vector<1x16xf32> to vector<16xf32>
      %mul3A_269 = arith.constant 8.000000e+00 : f32
      %mul3A_270 = vector.broadcast %mul3A_269 : f32 to vector<16xf32>
      %mul3A_271 = arith.mulf %get3A_268, %mul3A_270 : vector<16xf32>
      %add3A_272 = arith.constant 1 : i32
      %add3A_273 = arith.addi %mul3A_168, %add3A_272 : i32
      %swap3A_274 = arith.index_cast %add3A_273 : i32 to index
      %swap3A_275 = arith.constant 32 : index
      %swap3A_276 = tpu.vector_load %arg7[%swap3A_274, %swap3A_275] {strides = array<i32>} : memref<200x64xf32, #tpu.memory_space<vmem>>, vector<1x16xf32>,
      %swap3A_277 = vector.shape_cast %swap3A_276 : vector<1x16xf32> to vector<16xf32>
      %swap3A_278 = vector.shape_cast %mul3A_271 : vector<16xf32> to vector<1x16xf32>
      tpu.vector_store %arg7[%swap3A_274, %swap3A_275], %swap3A_278 {strides = array<i32>} : memref<200x64xf32, #tpu.memory_space<vmem>>, vector<1x16xf32>,
      %add3A_279 = arith.constant 1 : i32
      %add3A_280 = arith.addi %mul3A_168, %add3A_279 : i32
      %get3A_281 = arith.index_cast %add3A_280 : i32 to index
      %get3A_282 = arith.constant 48 : index
      %get3A_283 = tpu.vector_load %arg7[%get3A_281, %get3A_282] {strides = array<i32>} : memref<200x64xf32, #tpu.memory_space<vmem>>, vector<1x16xf32>,
      %get3A_284 = vector.shape_cast %get3A_283 : vector<1x16xf32> to vector<16xf32>
      %mul3A_285 = arith.constant 8.000000e+00 : f32
      %mul3A_286 = vector.broadcast %mul3A_285 : f32 to vector<16xf32>
      %mul3A_287 = arith.mulf %get3A_284, %mul3A_286 : vector<16xf32>
      %add3A_288 = arith.constant 1 : i32
      %add3A_289 = arith.addi %mul3A_168, %add3A_288 : i32
      %swap3A_290 = arith.index_cast %add3A_289 : i32 to index
      %swap3A_291 = arith.constant 48 : index
      %swap3A_292 = tpu.vector_load %arg7[%swap3A_290, %swap3A_291] {strides = array<i32>} : memref<200x64xf32, #tpu.memory_space<vmem>>, vector<1x16xf32>,
      %swap3A_293 = vector.shape_cast %swap3A_292 : vector<1x16xf32> to vector<16xf32>
      %swap3A_294 = vector.shape_cast %mul3A_287 : vector<16xf32> to vector<1x16xf32>
      tpu.vector_store %arg7[%swap3A_290, %swap3A_291], %swap3A_294 {strides = array<i32>} : memref<200x64xf32, #tpu.memory_space<vmem>>, vector<1x16xf32>,
      %add3A_295 = arith.constant 2 : i32
      %add3A_296 = arith.addi %mul3A_168, %add3A_295 : i32
      %get3A_297 = arith.index_cast %add3A_296 : i32 to index
      %get3A_298 = arith.constant 0 : index
      %get3A_299 = tpu.vector_load %arg7[%get3A_297, %get3A_298] {strides = array<i32>} : memref<200x64xf32, #tpu.memory_space<vmem>>, vector<1x16xf32>,
      %get3A_300 = vector.shape_cast %get3A_299 : vector<1x16xf32> to vector<16xf32>
      %mul3A_301 = arith.constant 8.000000e+00 : f32
      %mul3A_302 = vector.broadcast %mul3A_301 : f32 to vector<16xf32>
      %mul3A_303 = arith.mulf %get3A_300, %mul3A_302 : vector<16xf32>
      %add3A_304 = arith.constant 2 : i32
      %add3A_305 = arith.addi %mul3A_168, %add3A_304 : i32
      %swap3A_306 = arith.index_cast %add3A_305 : i32 to index
      %swap3A_307 = arith.constant 0 : index
      %swap3A_308 = tpu.vector_load %arg7[%swap3A_306, %swap3A_307] {strides = array<i32>} : memref<200x64xf32, #tpu.memory_space<vmem>>, vector<1x16xf32>,
      %swap3A_309 = vector.shape_cast %swap3A_308 : vector<1x16xf32> to vector<16xf32>
      %swap3A_310 = vector.shape_cast %mul3A_303 : vector<16xf32> to vector<1x16xf32>
      tpu.vector_store %arg7[%swap3A_306, %swap3A_307], %swap3A_310 {strides = array<i32>} : memref<200x64xf32, #tpu.memory_space<vmem>>, vector<1x16xf32>,
      %add3A_311 = arith.constant 2 : i32
      %add3A_312 = arith.addi %mul3A_168, %add3A_311 : i32
      %get3A_313 = arith.index_cast %add3A_312 : i32 to index
      %get3A_314 = arith.constant 16 : index
      %get3A_315 = tpu.vector_load %arg7[%get3A_313, %get3A_314] {strides = array<i32>} : memref<200x64xf32, #tpu.memory_space<vmem>>, vector<1x16xf32>,
      %get3A_316 = vector.shape_cast %get3A_315 : vector<1x16xf32> to vector<16xf32>
      %mul3A_317 = arith.constant 8.000000e+00 : f32
      %mul3A_318 = vector.broadcast %mul3A_317 : f32 to vector<16xf32>
      %mul3A_319 = arith.mulf %get3A_316, %mul3A_318 : vector<16xf32>
      %add3A_320 = arith.constant 2 : i32
      %add3A_321 = arith.addi %mul3A_168, %add3A_320 : i32
      %swap3A_322 = arith.index_cast %add3A_321 : i32 to index
      %swap3A_323 = arith.constant 16 : index
      %swap3A_324 = tpu.vector_load %arg7[%swap3A_322, %swap3A_323] {strides = array<i32>} : memref<200x64xf32, #tpu.memory_space<vmem>>, vector<1x16xf32>,
      %swap3A_325 = vector.shape_cast %swap3A_324 : vector<1x16xf32> to vector<16xf32>
      %swap3A_326 = vector.shape_cast %mul3A_319 : vector<16xf32> to vector<1x16xf32>
      tpu.vector_store %arg7[%swap3A_322, %swap3A_323], %swap3A_326 {strides = array<i32>} : memref<200x64xf32, #tpu.memory_space<vmem>>, vector<1x16xf32>,
      %add3A_327 = arith.constant 2 : i32
      %add3A_328 = arith.addi %mul3A_168, %add3A_327 : i32
      %get3A_329 = arith.index_cast %add3A_328 : i32 to index
      %get3A_330 = arith.constant 32 : index
      %get3A_331 = tpu.vector_load %arg7[%get3A_329, %get3A_330] {strides = array<i32>} : memref<200x64xf32, #tpu.memory_space<vmem>>, vector<1x16xf32>,
      %get3A_332 = vector.shape_cast %get3A_331 : vector<1x16xf32> to vector<16xf32>
      %mul3A_333 = arith.constant 8.000000e+00 : f32
      %mul3A_334 = vector.broadcast %mul3A_333 : f32 to vector<16xf32>
      %mul3A_335 = arith.mulf %get3A_332, %mul3A_334 : vector<16xf32>
      %add3A_336 = arith.constant 2 : i32
      %add3A_337 = arith.addi %mul3A_168, %add3A_336 : i32
      %swap3A_338 = arith.index_cast %add3A_337 : i32 to index
      %swap3A_339 = arith.constant 32 : index
      %swap3A_340 = tpu.vector_load %arg7[%swap3A_338, %swap3A_339] {strides = array<i32>} : memref<200x64xf32, #tpu.memory_space<vmem>>, vector<1x16xf32>,
      %swap3A_341 = vector.shape_cast %swap3A_340 : vector<1x16xf32> to vector<16xf32>
      %swap3A_342 = vector.shape_cast %mul3A_335 : vector<16xf32> to vector<1x16xf32>
      tpu.vector_store %arg7[%swap3A_338, %swap3A_339], %swap3A_342 {strides = array<i32>} : memref<200x64xf32, #tpu.memory_space<vmem>>, vector<1x16xf32>,
      %add3A_343 = arith.constant 2 : i32
      %add3A_344 = arith.addi %mul3A_168, %add3A_343 : i32
      %get3A_345 = arith.index_cast %add3A_344 : i32 to index
      %get3A_346 = arith.constant 48 : index
      %get3A_347 = tpu.vector_load %arg7[%get3A_345, %get3A_346] {strides = array<i32>} : memref<200x64xf32, #tpu.memory_space<vmem>>, vector<1x16xf32>,
      %get3A_348 = vector.shape_cast %get3A_347 : vector<1x16xf32> to vector<16xf32>
      %mul3A_349 = arith.constant 8.000000e+00 : f32
      %mul3A_350 = vector.broadcast %mul3A_349 : f32 to vector<16xf32>
      %mul3A_351 = arith.mulf %get3A_348, %mul3A_350 : vector<16xf32>
      %add3A_352 = arith.constant 2 : i32
      %add3A_353 = arith.addi %mul3A_168, %add3A_352 : i32
      %swap3A_354 = arith.index_cast %add3A_353 : i32 to index
      %swap3A_355 = arith.constant 48 : index
      %swap3A_356 = tpu.vector_load %arg7[%swap3A_354, %swap3A_355] {strides = array<i32>} : memref<200x64xf32, #tpu.memory_space<vmem>>, vector<1x16xf32>,
      %swap3A_357 = vector.shape_cast %swap3A_356 : vector<1x16xf32> to vector<16xf32>
      %swap3A_358 = vector.shape_cast %mul3A_351 : vector<16xf32> to vector<1x16xf32>
      tpu.vector_store %arg7[%swap3A_354, %swap3A_355], %swap3A_358 {strides = array<i32>} : memref<200x64xf32, #tpu.memory_space<vmem>>, vector<1x16xf32>,
      %add3A_359 = arith.constant 3 : i32
      %add3A_360 = arith.addi %mul3A_168, %add3A_359 : i32
      %get3A_361 = arith.index_cast %add3A_360 : i32 to index
      %get3A_362 = arith.constant 0 : index
      %get3A_363 = tpu.vector_load %arg7[%get3A_361, %get3A_362] {strides = array<i32>} : memref<200x64xf32, #tpu.memory_space<vmem>>, vector<1x16xf32>,
      %get3A_364 = vector.shape_cast %get3A_363 : vector<1x16xf32> to vector<16xf32>
      %mul3A_365 = arith.constant 8.000000e+00 : f32
      %mul3A_366 = vector.broadcast %mul3A_365 : f32 to vector<16xf32>
      %mul3A_367 = arith.mulf %get3A_364, %mul3A_366 : vector<16xf32>
      %add3A_368 = arith.constant 3 : i32
      %add3A_369 = arith.addi %mul3A_168, %add3A_368 : i32
      %swap3A_370 = arith.index_cast %add3A_369 : i32 to index
      %swap3A_371 = arith.constant 0 : index
      %swap3A_372 = tpu.vector_load %arg7[%swap3A_370, %swap3A_371] {strides = array<i32>} : memref<200x64xf32, #tpu.memory_space<vmem>>, vector<1x16xf32>,
      %swap3A_373 = vector.shape_cast %swap3A_372 : vector<1x16xf32> to vector<16xf32>
      %swap3A_374 = vector.shape_cast %mul3A_367 : vector<16xf32> to vector<1x16xf32>
      tpu.vector_store %arg7[%swap3A_370, %swap3A_371], %swap3A_374 {strides = array<i32>} : memref<200x64xf32, #tpu.memory_space<vmem>>, vector<1x16xf32>,
      %add3A_375 = arith.constant 3 : i32
      %add3A_376 = arith.addi %mul3A_168, %add3A_375 : i32
      %get3A_377 = arith.index_cast %add3A_376 : i32 to index
      %get3A_378 = arith.constant 16 : index
      %get3A_379 = tpu.vector_load %arg7[%get3A_377, %get3A_378] {strides = array<i32>} : memref<200x64xf32, #tpu.memory_space<vmem>>, vector<1x16xf32>,
      %get3A_380 = vector.shape_cast %get3A_379 : vector<1x16xf32> to vector<16xf32>
      %mul3A_381 = arith.constant 8.000000e+00 : f32
      %mul3A_382 = vector.broadcast %mul3A_381 : f32 to vector<16xf32>
      %mul3A_383 = arith.mulf %get3A_380, %mul3A_382 : vector<16xf32>
      %add3A_384 = arith.constant 3 : i32
      %add3A_385 = arith.addi %mul3A_168, %add3A_384 : i32
      %swap3A_386 = arith.index_cast %add3A_385 : i32 to index
      %swap3A_387 = arith.constant 16 : index
      %swap3A_388 = tpu.vector_load %arg7[%swap3A_386, %swap3A_387] {strides = array<i32>} : memref<200x64xf32, #tpu.memory_space<vmem>>, vector<1x16xf32>,
      %swap3A_389 = vector.shape_cast %swap3A_388 : vector<1x16xf32> to vector<16xf32>
      %swap3A_390 = vector.shape_cast %mul3A_383 : vector<16xf32> to vector<1x16xf32>
      tpu.vector_store %arg7[%swap3A_386, %swap3A_387], %swap3A_390 {strides = array<i32>} : memref<200x64xf32, #tpu.memory_space<vmem>>, vector<1x16xf32>,
      %add3A_391 = arith.constant 3 : i32
      %add3A_392 = arith.addi %mul3A_168, %add3A_391 : i32
      %get3A_393 = arith.index_cast %add3A_392 : i32 to index
      %get3A_394 = arith.constant 32 : index
      %get3A_395 = tpu.vector_load %arg7[%get3A_393, %get3A_394] {strides = array<i32>} : memref<200x64xf32, #tpu.memory_space<vmem>>, vector<1x16xf32>,
      %get3A_396 = vector.shape_cast %get3A_395 : vector<1x16xf32> to vector<16xf32>
      %mul3A_397 = arith.constant 8.000000e+00 : f32
      %mul3A_398 = vector.broadcast %mul3A_397 : f32 to vector<16xf32>
      %mul3A_399 = arith.mulf %get3A_396, %mul3A_398 : vector<16xf32>
      %add3A_400 = arith.constant 3 : i32
      %add3A_401 = arith.addi %mul3A_168, %add3A_400 : i32
      %swap3A_402 = arith.index_cast %add3A_401 : i32 to index
      %swap3A_403 = arith.constant 32 : index
      %swap3A_404 = tpu.vector_load %arg7[%swap3A_402, %swap3A_403] {strides = array<i32>} : memref<200x64xf32, #tpu.memory_space<vmem>>, vector<1x16xf32>,
      %swap3A_405 = vector.shape_cast %swap3A_404 : vector<1x16xf32> to vector<16xf32>
      %swap3A_406 = vector.shape_cast %mul3A_399 : vector<16xf32> to vector<1x16xf32>
      tpu.vector_store %arg7[%swap3A_402, %swap3A_403], %swap3A_406 {strides = array<i32>} : memref<200x64xf32, #tpu.memory_space<vmem>>, vector<1x16xf32>,
      %add3A_407 = arith.constant 3 : i32
      %add3A_408 = arith.addi %mul3A_168, %add3A_407 : i32
      %get3A_409 = arith.index_cast %add3A_408 : i32 to index
      %get3A_410 = arith.constant 48 : index
      %get3A_411 = tpu.vector_load %arg7[%get3A_409, %get3A_410] {strides = array<i32>} : memref<200x64xf32, #tpu.memory_space<vmem>>, vector<1x16xf32>,
      %get3A_412 = vector.shape_cast %get3A_411 : vector<1x16xf32> to vector<16xf32>
      %mul3A_413 = arith.constant 8.000000e+00 : f32
      %mul3A_414 = vector.broadcast %mul3A_413 : f32 to vector<16xf32>
      %mul3A_415 = arith.mulf %get3A_412, %mul3A_414 : vector<16xf32>
      %add3A_416 = arith.constant 3 : i32
      %add3A_417 = arith.addi %mul3A_168, %add3A_416 : i32
      %swap3A_418 = arith.index_cast %add3A_417 : i32 to index
      %swap3A_419 = arith.constant 48 : index
      %swap3A_420 = tpu.vector_load %arg7[%swap3A_418, %swap3A_419] {strides = array<i32>} : memref<200x64xf32, #tpu.memory_space<vmem>>, vector<1x16xf32>,
      %swap3A_421 = vector.shape_cast %swap3A_420 : vector<1x16xf32> to vector<16xf32>
      %swap3A_422 = vector.shape_cast %mul3A_415 : vector<16xf32> to vector<1x16xf32>
      tpu.vector_store %arg7[%swap3A_418, %swap3A_419], %swap3A_422 {strides = array<i32>} : memref<200x64xf32, #tpu.memory_space<vmem>>, vector<1x16xf32>,
    }
    %scan3A_69 = arith.constant 50 : i32
    %add3A_70 = arith.constant 125 : i32
    %add3A_71 = arith.addi %mul3A_2, %add3A_70 : i32
    %dma_start3A_72 = arith.constant 0 : i32
    %dma_start3A_73 = arith.constant 0 : i32
    %dma_start3A_74 = tpu.memref_slice %arg4[%add3A_71, %dma_start3A_72, %dma_start3A_73] : memref<4096x200x64xf32, #tpu.memory_space<hbm>> -> memref<1x200x64xf32, #tpu.memory_space<hbm>>
    %dma_start3A_75 = tpu.memref_squeeze %dma_start3A_74 : memref<1x200x64xf32, #tpu.memory_space<hbm>> -> memref<200x64xf32, #tpu.memory_space<hbm>>
    %dma_start3A_76 = arith.constant 0 : i32
    %dma_start3A_77 = arith.constant 0 : i32
    %dma_start3A_78 = tpu.memref_slice %arg4[%add3A_71, %dma_start3A_76, %dma_start3A_77] : memref<4096x200x64xf32, #tpu.memory_space<hbm>> -> memref<1x200x64xf32, #tpu.memory_space<hbm>>
    %dma_start3A_79 = tpu.memref_squeeze %dma_start3A_78 : memref<1x200x64xf32, #tpu.memory_space<hbm>> -> memref<200x64xf32, #tpu.memory_space<hbm>>
    tpu.enqueue_dma source(%arg7 : memref<200x64xf32, #tpu.memory_space<vmem>>) target(%dma_start3A_79 : memref<200x64xf32, #tpu.memory_space<hbm>>) target_semaphore(%arg15 : memref<!tpu.dma_semaphore, #tpu.memory_space<semaphore_mem>>)
    %dma_wait3A_80 = arith.constant 126 : i32
    %dma_wait3A_81 = arith.constant 0 : i32
    %dma_wait3A_82 = tpu.memref_slice %arg5[%dma_wait3A_80, %dma_wait3A_81] : memref<128x200xi32, #tpu.memory_space<vmem>> -> memref<1x200xi32, #tpu.memory_space<vmem>>
    %dma_wait3A_83 = tpu.memref_squeeze %dma_wait3A_82 : memref<1x200xi32, #tpu.memory_space<vmem>> -> memref<200xi32, #tpu.memory_space<vmem>>
    %dma_wait3A_84 = arith.constant 0 : i32
    %dma_wait3A_85 = arith.constant 0 : i32
    %dma_wait3A_86 = tpu.memref_slice %arg3[%dma_wait3A_84, %dma_wait3A_85] : memref<1000000x64xf32, #tpu.memory_space<hbm>> -> memref<1000000x64xf32, #tpu.memory_space<hbm>>
    tpu.wait_indirect_dma semaphore(%arg12 : memref<!tpu.dma_semaphore, #tpu.memory_space<semaphore_mem>>) src(%dma_wait3A_86 : memref<1000000x64xf32, #tpu.memory_space<hbm>>) dst(%arg8 : memref<200x64xf32, #tpu.memory_space<vmem>>)
    %scan3A_87 = arith.constant 0 : i32
    %scan3A_88 = arith.constant 0 : i32
    %scan3A_89 = arith.constant 50 : i32
    %scan3A_90 = arith.addi %scan3A_88, %scan3A_89 : i32
    %scan3A_91 = arith.constant 1 : i32
    scf.for %scan3A_166 = %scan3A_88 to %scan3A_90 step %scan3A_91  : i32 {
      %mul3A_167 = arith.constant 4 : i32
      %mul3A_168 = arith.muli %scan3A_166, %mul3A_167 : i32
      %add3A_169 = arith.constant 0 : i32
      %add3A_170 = arith.addi %mul3A_168, %add3A_169 : i32
      %get3A = arith.index_cast %add3A_170 : i32 to index
      %get3A_171 = arith.constant 0 : index
      %get3A_172 = tpu.vector_load %arg8[%get3A, %get3A_171] {strides = array<i32>} : memref<200x64xf32, #tpu.memory_space<vmem>>, vector<1x16xf32>,
      %get3A_173 = vector.shape_cast %get3A_172 : vector<1x16xf32> to vector<16xf32>
      %mul3A_174 = arith.constant 8.000000e+00 : f32
      %mul3A_175 = vector.broadcast %mul3A_174 : f32 to vector<16xf32>
      %mul3A_176 = arith.mulf %get3A_173, %mul3A_175 : vector<16xf32>
      %add3A_177 = arith.constant 0 : i32
      %add3A_178 = arith.addi %mul3A_168, %add3A_177 : i32
      %swap3A = arith.index_cast %add3A_178 : i32 to index
      %swap3A_179 = arith.constant 0 : index
      %swap3A_180 = tpu.vector_load %arg8[%swap3A, %swap3A_179] {strides = array<i32>} : memref<200x64xf32, #tpu.memory_space<vmem>>, vector<1x16xf32>,
      %swap3A_181 = vector.shape_cast %swap3A_180 : vector<1x16xf32> to vector<16xf32>
      %swap3A_182 = vector.shape_cast %mul3A_176 : vector<16xf32> to vector<1x16xf32>
      tpu.vector_store %arg8[%swap3A, %swap3A_179], %swap3A_182 {strides = array<i32>} : memref<200x64xf32, #tpu.memory_space<vmem>>, vector<1x16xf32>,
      %add3A_183 = arith.constant 0 : i32
      %add3A_184 = arith.addi %mul3A_168, %add3A_183 : i32
      %get3A_185 = arith.index_cast %add3A_184 : i32 to index
      %get3A_186 = arith.constant 16 : index
      %get3A_187 = tpu.vector_load %arg8[%get3A_185, %get3A_186] {strides = array<i32>} : memref<200x64xf32, #tpu.memory_space<vmem>>, vector<1x16xf32>,
      %get3A_188 = vector.shape_cast %get3A_187 : vector<1x16xf32> to vector<16xf32>
      %mul3A_189 = arith.constant 8.000000e+00 : f32
      %mul3A_190 = vector.broadcast %mul3A_189 : f32 to vector<16xf32>
      %mul3A_191 = arith.mulf %get3A_188, %mul3A_190 : vector<16xf32>
      %add3A_192 = arith.constant 0 : i32
      %add3A_193 = arith.addi %mul3A_168, %add3A_192 : i32
      %swap3A_194 = arith.index_cast %add3A_193 : i32 to index
      %swap3A_195 = arith.constant 16 : index
      %swap3A_196 = tpu.vector_load %arg8[%swap3A_194, %swap3A_195] {strides = array<i32>} : memref<200x64xf32, #tpu.memory_space<vmem>>, vector<1x16xf32>,
      %swap3A_197 = vector.shape_cast %swap3A_196 : vector<1x16xf32> to vector<16xf32>
      %swap3A_198 = vector.shape_cast %mul3A_191 : vector<16xf32> to vector<1x16xf32>
      tpu.vector_store %arg8[%swap3A_194, %swap3A_195], %swap3A_198 {strides = array<i32>} : memref<200x64xf32, #tpu.memory_space<vmem>>, vector<1x16xf32>,
      %add3A_199 = arith.constant 0 : i32
      %add3A_200 = arith.addi %mul3A_168, %add3A_199 : i32
      %get3A_201 = arith.index_cast %add3A_200 : i32 to index
      %get3A_202 = arith.constant 32 : index
      %get3A_203 = tpu.vector_load %arg8[%get3A_201, %get3A_202] {strides = array<i32>} : memref<200x64xf32, #tpu.memory_space<vmem>>, vector<1x16xf32>,
      %get3A_204 = vector.shape_cast %get3A_203 : vector<1x16xf32> to vector<16xf32>
      %mul3A_205 = arith.constant 8.000000e+00 : f32
      %mul3A_206 = vector.broadcast %mul3A_205 : f32 to vector<16xf32>
      %mul3A_207 = arith.mulf %get3A_204, %mul3A_206 : vector<16xf32>
      %add3A_208 = arith.constant 0 : i32
      %add3A_209 = arith.addi %mul3A_168, %add3A_208 : i32
      %swap3A_210 = arith.index_cast %add3A_209 : i32 to index
      %swap3A_211 = arith.constant 32 : index
      %swap3A_212 = tpu.vector_load %arg8[%swap3A_210, %swap3A_211] {strides = array<i32>} : memref<200x64xf32, #tpu.memory_space<vmem>>, vector<1x16xf32>,
      %swap3A_213 = vector.shape_cast %swap3A_212 : vector<1x16xf32> to vector<16xf32>
      %swap3A_214 = vector.shape_cast %mul3A_207 : vector<16xf32> to vector<1x16xf32>
      tpu.vector_store %arg8[%swap3A_210, %swap3A_211], %swap3A_214 {strides = array<i32>} : memref<200x64xf32, #tpu.memory_space<vmem>>, vector<1x16xf32>,
      %add3A_215 = arith.constant 0 : i32
      %add3A_216 = arith.addi %mul3A_168, %add3A_215 : i32
      %get3A_217 = arith.index_cast %add3A_216 : i32 to index
      %get3A_218 = arith.constant 48 : index
      %get3A_219 = tpu.vector_load %arg8[%get3A_217, %get3A_218] {strides = array<i32>} : memref<200x64xf32, #tpu.memory_space<vmem>>, vector<1x16xf32>,
      %get3A_220 = vector.shape_cast %get3A_219 : vector<1x16xf32> to vector<16xf32>
      %mul3A_221 = arith.constant 8.000000e+00 : f32
      %mul3A_222 = vector.broadcast %mul3A_221 : f32 to vector<16xf32>
      %mul3A_223 = arith.mulf %get3A_220, %mul3A_222 : vector<16xf32>
      %add3A_224 = arith.constant 0 : i32
      %add3A_225 = arith.addi %mul3A_168, %add3A_224 : i32
      %swap3A_226 = arith.index_cast %add3A_225 : i32 to index
      %swap3A_227 = arith.constant 48 : index
      %swap3A_228 = tpu.vector_load %arg8[%swap3A_226, %swap3A_227] {strides = array<i32>} : memref<200x64xf32, #tpu.memory_space<vmem>>, vector<1x16xf32>,
      %swap3A_229 = vector.shape_cast %swap3A_228 : vector<1x16xf32> to vector<16xf32>
      %swap3A_230 = vector.shape_cast %mul3A_223 : vector<16xf32> to vector<1x16xf32>
      tpu.vector_store %arg8[%swap3A_226, %swap3A_227], %swap3A_230 {strides = array<i32>} : memref<200x64xf32, #tpu.memory_space<vmem>>, vector<1x16xf32>,
      %add3A_231 = arith.constant 1 : i32
      %add3A_232 = arith.addi %mul3A_168, %add3A_231 : i32
      %get3A_233 = arith.index_cast %add3A_232 : i32 to index
      %get3A_234 = arith.constant 0 : index
      %get3A_235 = tpu.vector_load %arg8[%get3A_233, %get3A_234] {strides = array<i32>} : memref<200x64xf32, #tpu.memory_space<vmem>>, vector<1x16xf32>,
      %get3A_236 = vector.shape_cast %get3A_235 : vector<1x16xf32> to vector<16xf32>
      %mul3A_237 = arith.constant 8.000000e+00 : f32
      %mul3A_238 = vector.broadcast %mul3A_237 : f32 to vector<16xf32>
      %mul3A_239 = arith.mulf %get3A_236, %mul3A_238 : vector<16xf32>
      %add3A_240 = arith.constant 1 : i32
      %add3A_241 = arith.addi %mul3A_168, %add3A_240 : i32
      %swap3A_242 = arith.index_cast %add3A_241 : i32 to index
      %swap3A_243 = arith.constant 0 : index
      %swap3A_244 = tpu.vector_load %arg8[%swap3A_242, %swap3A_243] {strides = array<i32>} : memref<200x64xf32, #tpu.memory_space<vmem>>, vector<1x16xf32>,
      %swap3A_245 = vector.shape_cast %swap3A_244 : vector<1x16xf32> to vector<16xf32>
      %swap3A_246 = vector.shape_cast %mul3A_239 : vector<16xf32> to vector<1x16xf32>
      tpu.vector_store %arg8[%swap3A_242, %swap3A_243], %swap3A_246 {strides = array<i32>} : memref<200x64xf32, #tpu.memory_space<vmem>>, vector<1x16xf32>,
      %add3A_247 = arith.constant 1 : i32
      %add3A_248 = arith.addi %mul3A_168, %add3A_247 : i32
      %get3A_249 = arith.index_cast %add3A_248 : i32 to index
      %get3A_250 = arith.constant 16 : index
      %get3A_251 = tpu.vector_load %arg8[%get3A_249, %get3A_250] {strides = array<i32>} : memref<200x64xf32, #tpu.memory_space<vmem>>, vector<1x16xf32>,
      %get3A_252 = vector.shape_cast %get3A_251 : vector<1x16xf32> to vector<16xf32>
      %mul3A_253 = arith.constant 8.000000e+00 : f32
      %mul3A_254 = vector.broadcast %mul3A_253 : f32 to vector<16xf32>
      %mul3A_255 = arith.mulf %get3A_252, %mul3A_254 : vector<16xf32>
      %add3A_256 = arith.constant 1 : i32
      %add3A_257 = arith.addi %mul3A_168, %add3A_256 : i32
      %swap3A_258 = arith.index_cast %add3A_257 : i32 to index
      %swap3A_259 = arith.constant 16 : index
      %swap3A_260 = tpu.vector_load %arg8[%swap3A_258, %swap3A_259] {strides = array<i32>} : memref<200x64xf32, #tpu.memory_space<vmem>>, vector<1x16xf32>,
      %swap3A_261 = vector.shape_cast %swap3A_260 : vector<1x16xf32> to vector<16xf32>
      %swap3A_262 = vector.shape_cast %mul3A_255 : vector<16xf32> to vector<1x16xf32>
      tpu.vector_store %arg8[%swap3A_258, %swap3A_259], %swap3A_262 {strides = array<i32>} : memref<200x64xf32, #tpu.memory_space<vmem>>, vector<1x16xf32>,
      %add3A_263 = arith.constant 1 : i32
      %add3A_264 = arith.addi %mul3A_168, %add3A_263 : i32
      %get3A_265 = arith.index_cast %add3A_264 : i32 to index
      %get3A_266 = arith.constant 32 : index
      %get3A_267 = tpu.vector_load %arg8[%get3A_265, %get3A_266] {strides = array<i32>} : memref<200x64xf32, #tpu.memory_space<vmem>>, vector<1x16xf32>,
      %get3A_268 = vector.shape_cast %get3A_267 : vector<1x16xf32> to vector<16xf32>
      %mul3A_269 = arith.constant 8.000000e+00 : f32
      %mul3A_270 = vector.broadcast %mul3A_269 : f32 to vector<16xf32>
      %mul3A_271 = arith.mulf %get3A_268, %mul3A_270 : vector<16xf32>
      %add3A_272 = arith.constant 1 : i32
      %add3A_273 = arith.addi %mul3A_168, %add3A_272 : i32
      %swap3A_274 = arith.index_cast %add3A_273 : i32 to index
      %swap3A_275 = arith.constant 32 : index
      %swap3A_276 = tpu.vector_load %arg8[%swap3A_274, %swap3A_275] {strides = array<i32>} : memref<200x64xf32, #tpu.memory_space<vmem>>, vector<1x16xf32>,
      %swap3A_277 = vector.shape_cast %swap3A_276 : vector<1x16xf32> to vector<16xf32>
      %swap3A_278 = vector.shape_cast %mul3A_271 : vector<16xf32> to vector<1x16xf32>
      tpu.vector_store %arg8[%swap3A_274, %swap3A_275], %swap3A_278 {strides = array<i32>} : memref<200x64xf32, #tpu.memory_space<vmem>>, vector<1x16xf32>,
      %add3A_279 = arith.constant 1 : i32
      %add3A_280 = arith.addi %mul3A_168, %add3A_279 : i32
      %get3A_281 = arith.index_cast %add3A_280 : i32 to index
      %get3A_282 = arith.constant 48 : index
      %get3A_283 = tpu.vector_load %arg8[%get3A_281, %get3A_282] {strides = array<i32>} : memref<200x64xf32, #tpu.memory_space<vmem>>, vector<1x16xf32>,
      %get3A_284 = vector.shape_cast %get3A_283 : vector<1x16xf32> to vector<16xf32>
      %mul3A_285 = arith.constant 8.000000e+00 : f32
      %mul3A_286 = vector.broadcast %mul3A_285 : f32 to vector<16xf32>
      %mul3A_287 = arith.mulf %get3A_284, %mul3A_286 : vector<16xf32>
      %add3A_288 = arith.constant 1 : i32
      %add3A_289 = arith.addi %mul3A_168, %add3A_288 : i32
      %swap3A_290 = arith.index_cast %add3A_289 : i32 to index
      %swap3A_291 = arith.constant 48 : index
      %swap3A_292 = tpu.vector_load %arg8[%swap3A_290, %swap3A_291] {strides = array<i32>} : memref<200x64xf32, #tpu.memory_space<vmem>>, vector<1x16xf32>,
      %swap3A_293 = vector.shape_cast %swap3A_292 : vector<1x16xf32> to vector<16xf32>
      %swap3A_294 = vector.shape_cast %mul3A_287 : vector<16xf32> to vector<1x16xf32>
      tpu.vector_store %arg8[%swap3A_290, %swap3A_291], %swap3A_294 {strides = array<i32>} : memref<200x64xf32, #tpu.memory_space<vmem>>, vector<1x16xf32>,
      %add3A_295 = arith.constant 2 : i32
      %add3A_296 = arith.addi %mul3A_168, %add3A_295 : i32
      %get3A_297 = arith.index_cast %add3A_296 : i32 to index
      %get3A_298 = arith.constant 0 : index
      %get3A_299 = tpu.vector_load %arg8[%get3A_297, %get3A_298] {strides = array<i32>} : memref<200x64xf32, #tpu.memory_space<vmem>>, vector<1x16xf32>,
      %get3A_300 = vector.shape_cast %get3A_299 : vector<1x16xf32> to vector<16xf32>
      %mul3A_301 = arith.constant 8.000000e+00 : f32
      %mul3A_302 = vector.broadcast %mul3A_301 : f32 to vector<16xf32>
      %mul3A_303 = arith.mulf %get3A_300, %mul3A_302 : vector<16xf32>
      %add3A_304 = arith.constant 2 : i32
      %add3A_305 = arith.addi %mul3A_168, %add3A_304 : i32
      %swap3A_306 = arith.index_cast %add3A_305 : i32 to index
      %swap3A_307 = arith.constant 0 : index
      %swap3A_308 = tpu.vector_load %arg8[%swap3A_306, %swap3A_307] {strides = array<i32>} : memref<200x64xf32, #tpu.memory_space<vmem>>, vector<1x16xf32>,
      %swap3A_309 = vector.shape_cast %swap3A_308 : vector<1x16xf32> to vector<16xf32>
      %swap3A_310 = vector.shape_cast %mul3A_303 : vector<16xf32> to vector<1x16xf32>
      tpu.vector_store %arg8[%swap3A_306, %swap3A_307], %swap3A_310 {strides = array<i32>} : memref<200x64xf32, #tpu.memory_space<vmem>>, vector<1x16xf32>,
      %add3A_311 = arith.constant 2 : i32
      %add3A_312 = arith.addi %mul3A_168, %add3A_311 : i32
      %get3A_313 = arith.index_cast %add3A_312 : i32 to index
      %get3A_314 = arith.constant 16 : index
      %get3A_315 = tpu.vector_load %arg8[%get3A_313, %get3A_314] {strides = array<i32>} : memref<200x64xf32, #tpu.memory_space<vmem>>, vector<1x16xf32>,
      %get3A_316 = vector.shape_cast %get3A_315 : vector<1x16xf32> to vector<16xf32>
      %mul3A_317 = arith.constant 8.000000e+00 : f32
      %mul3A_318 = vector.broadcast %mul3A_317 : f32 to vector<16xf32>
      %mul3A_319 = arith.mulf %get3A_316, %mul3A_318 : vector<16xf32>
      %add3A_320 = arith.constant 2 : i32
      %add3A_321 = arith.addi %mul3A_168, %add3A_320 : i32
      %swap3A_322 = arith.index_cast %add3A_321 : i32 to index
      %swap3A_323 = arith.constant 16 : index
      %swap3A_324 = tpu.vector_load %arg8[%swap3A_322, %swap3A_323] {strides = array<i32>} : memref<200x64xf32, #tpu.memory_space<vmem>>, vector<1x16xf32>,
      %swap3A_325 = vector.shape_cast %swap3A_324 : vector<1x16xf32> to vector<16xf32>
      %swap3A_326 = vector.shape_cast %mul3A_319 : vector<16xf32> to vector<1x16xf32>
      tpu.vector_store %arg8[%swap3A_322, %swap3A_323], %swap3A_326 {strides = array<i32>} : memref<200x64xf32, #tpu.memory_space<vmem>>, vector<1x16xf32>,
      %add3A_327 = arith.constant 2 : i32
      %add3A_328 = arith.addi %mul3A_168, %add3A_327 : i32
      %get3A_329 = arith.index_cast %add3A_328 : i32 to index
      %get3A_330 = arith.constant 32 : index
      %get3A_331 = tpu.vector_load %arg8[%get3A_329, %get3A_330] {strides = array<i32>} : memref<200x64xf32, #tpu.memory_space<vmem>>, vector<1x16xf32>,
      %get3A_332 = vector.shape_cast %get3A_331 : vector<1x16xf32> to vector<16xf32>
      %mul3A_333 = arith.constant 8.000000e+00 : f32
      %mul3A_334 = vector.broadcast %mul3A_333 : f32 to vector<16xf32>
      %mul3A_335 = arith.mulf %get3A_332, %mul3A_334 : vector<16xf32>
      %add3A_336 = arith.constant 2 : i32
      %add3A_337 = arith.addi %mul3A_168, %add3A_336 : i32
      %swap3A_338 = arith.index_cast %add3A_337 : i32 to index
      %swap3A_339 = arith.constant 32 : index
      %swap3A_340 = tpu.vector_load %arg8[%swap3A_338, %swap3A_339] {strides = array<i32>} : memref<200x64xf32, #tpu.memory_space<vmem>>, vector<1x16xf32>,
      %swap3A_341 = vector.shape_cast %swap3A_340 : vector<1x16xf32> to vector<16xf32>
      %swap3A_342 = vector.shape_cast %mul3A_335 : vector<16xf32> to vector<1x16xf32>
      tpu.vector_store %arg8[%swap3A_338, %swap3A_339], %swap3A_342 {strides = array<i32>} : memref<200x64xf32, #tpu.memory_space<vmem>>, vector<1x16xf32>,
      %add3A_343 = arith.constant 2 : i32
      %add3A_344 = arith.addi %mul3A_168, %add3A_343 : i32
      %get3A_345 = arith.index_cast %add3A_344 : i32 to index
      %get3A_346 = arith.constant 48 : index
      %get3A_347 = tpu.vector_load %arg8[%get3A_345, %get3A_346] {strides = array<i32>} : memref<200x64xf32, #tpu.memory_space<vmem>>, vector<1x16xf32>,
      %get3A_348 = vector.shape_cast %get3A_347 : vector<1x16xf32> to vector<16xf32>
      %mul3A_349 = arith.constant 8.000000e+00 : f32
      %mul3A_350 = vector.broadcast %mul3A_349 : f32 to vector<16xf32>
      %mul3A_351 = arith.mulf %get3A_348, %mul3A_350 : vector<16xf32>
      %add3A_352 = arith.constant 2 : i32
      %add3A_353 = arith.addi %mul3A_168, %add3A_352 : i32
      %swap3A_354 = arith.index_cast %add3A_353 : i32 to index
      %swap3A_355 = arith.constant 48 : index
      %swap3A_356 = tpu.vector_load %arg8[%swap3A_354, %swap3A_355] {strides = array<i32>} : memref<200x64xf32, #tpu.memory_space<vmem>>, vector<1x16xf32>,
      %swap3A_357 = vector.shape_cast %swap3A_356 : vector<1x16xf32> to vector<16xf32>
      %swap3A_358 = vector.shape_cast %mul3A_351 : vector<16xf32> to vector<1x16xf32>
      tpu.vector_store %arg8[%swap3A_354, %swap3A_355], %swap3A_358 {strides = array<i32>} : memref<200x64xf32, #tpu.memory_space<vmem>>, vector<1x16xf32>,
      %add3A_359 = arith.constant 3 : i32
      %add3A_360 = arith.addi %mul3A_168, %add3A_359 : i32
      %get3A_361 = arith.index_cast %add3A_360 : i32 to index
      %get3A_362 = arith.constant 0 : index
      %get3A_363 = tpu.vector_load %arg8[%get3A_361, %get3A_362] {strides = array<i32>} : memref<200x64xf32, #tpu.memory_space<vmem>>, vector<1x16xf32>,
      %get3A_364 = vector.shape_cast %get3A_363 : vector<1x16xf32> to vector<16xf32>
      %mul3A_365 = arith.constant 8.000000e+00 : f32
      %mul3A_366 = vector.broadcast %mul3A_365 : f32 to vector<16xf32>
      %mul3A_367 = arith.mulf %get3A_364, %mul3A_366 : vector<16xf32>
      %add3A_368 = arith.constant 3 : i32
      %add3A_369 = arith.addi %mul3A_168, %add3A_368 : i32
      %swap3A_370 = arith.index_cast %add3A_369 : i32 to index
      %swap3A_371 = arith.constant 0 : index
      %swap3A_372 = tpu.vector_load %arg8[%swap3A_370, %swap3A_371] {strides = array<i32>} : memref<200x64xf32, #tpu.memory_space<vmem>>, vector<1x16xf32>,
      %swap3A_373 = vector.shape_cast %swap3A_372 : vector<1x16xf32> to vector<16xf32>
      %swap3A_374 = vector.shape_cast %mul3A_367 : vector<16xf32> to vector<1x16xf32>
      tpu.vector_store %arg8[%swap3A_370, %swap3A_371], %swap3A_374 {strides = array<i32>} : memref<200x64xf32, #tpu.memory_space<vmem>>, vector<1x16xf32>,
      %add3A_375 = arith.constant 3 : i32
      %add3A_376 = arith.addi %mul3A_168, %add3A_375 : i32
      %get3A_377 = arith.index_cast %add3A_376 : i32 to index
      %get3A_378 = arith.constant 16 : index
      %get3A_379 = tpu.vector_load %arg8[%get3A_377, %get3A_378] {strides = array<i32>} : memref<200x64xf32, #tpu.memory_space<vmem>>, vector<1x16xf32>,
      %get3A_380 = vector.shape_cast %get3A_379 : vector<1x16xf32> to vector<16xf32>
      %mul3A_381 = arith.constant 8.000000e+00 : f32
      %mul3A_382 = vector.broadcast %mul3A_381 : f32 to vector<16xf32>
      %mul3A_383 = arith.mulf %get3A_380, %mul3A_382 : vector<16xf32>
      %add3A_384 = arith.constant 3 : i32
      %add3A_385 = arith.addi %mul3A_168, %add3A_384 : i32
      %swap3A_386 = arith.index_cast %add3A_385 : i32 to index
      %swap3A_387 = arith.constant 16 : index
      %swap3A_388 = tpu.vector_load %arg8[%swap3A_386, %swap3A_387] {strides = array<i32>} : memref<200x64xf32, #tpu.memory_space<vmem>>, vector<1x16xf32>,
      %swap3A_389 = vector.shape_cast %swap3A_388 : vector<1x16xf32> to vector<16xf32>
      %swap3A_390 = vector.shape_cast %mul3A_383 : vector<16xf32> to vector<1x16xf32>
      tpu.vector_store %arg8[%swap3A_386, %swap3A_387], %swap3A_390 {strides = array<i32>} : memref<200x64xf32, #tpu.memory_space<vmem>>, vector<1x16xf32>,
      %add3A_391 = arith.constant 3 : i32
      %add3A_392 = arith.addi %mul3A_168, %add3A_391 : i32
      %get3A_393 = arith.index_cast %add3A_392 : i32 to index
      %get3A_394 = arith.constant 32 : index
      %get3A_395 = tpu.vector_load %arg8[%get3A_393, %get3A_394] {strides = array<i32>} : memref<200x64xf32, #tpu.memory_space<vmem>>, vector<1x16xf32>,
      %get3A_396 = vector.shape_cast %get3A_395 : vector<1x16xf32> to vector<16xf32>
      %mul3A_397 = arith.constant 8.000000e+00 : f32
      %mul3A_398 = vector.broadcast %mul3A_397 : f32 to vector<16xf32>
      %mul3A_399 = arith.mulf %get3A_396, %mul3A_398 : vector<16xf32>
      %add3A_400 = arith.constant 3 : i32
      %add3A_401 = arith.addi %mul3A_168, %add3A_400 : i32
      %swap3A_402 = arith.index_cast %add3A_401 : i32 to index
      %swap3A_403 = arith.constant 32 : index
      %swap3A_404 = tpu.vector_load %arg8[%swap3A_402, %swap3A_403] {strides = array<i32>} : memref<200x64xf32, #tpu.memory_space<vmem>>, vector<1x16xf32>,
      %swap3A_405 = vector.shape_cast %swap3A_404 : vector<1x16xf32> to vector<16xf32>
      %swap3A_406 = vector.shape_cast %mul3A_399 : vector<16xf32> to vector<1x16xf32>
      tpu.vector_store %arg8[%swap3A_402, %swap3A_403], %swap3A_406 {strides = array<i32>} : memref<200x64xf32, #tpu.memory_space<vmem>>, vector<1x16xf32>,
      %add3A_407 = arith.constant 3 : i32
      %add3A_408 = arith.addi %mul3A_168, %add3A_407 : i32
      %get3A_409 = arith.index_cast %add3A_408 : i32 to index
      %get3A_410 = arith.constant 48 : index
      %get3A_411 = tpu.vector_load %arg8[%get3A_409, %get3A_410] {strides = array<i32>} : memref<200x64xf32, #tpu.memory_space<vmem>>, vector<1x16xf32>,
      %get3A_412 = vector.shape_cast %get3A_411 : vector<1x16xf32> to vector<16xf32>
      %mul3A_413 = arith.constant 8.000000e+00 : f32
      %mul3A_414 = vector.broadcast %mul3A_413 : f32 to vector<16xf32>
      %mul3A_415 = arith.mulf %get3A_412, %mul3A_414 : vector<16xf32>
      %add3A_416 = arith.constant 3 : i32
      %add3A_417 = arith.addi %mul3A_168, %add3A_416 : i32
      %swap3A_418 = arith.index_cast %add3A_417 : i32 to index
      %swap3A_419 = arith.constant 48 : index
      %swap3A_420 = tpu.vector_load %arg8[%swap3A_418, %swap3A_419] {strides = array<i32>} : memref<200x64xf32, #tpu.memory_space<vmem>>, vector<1x16xf32>,
      %swap3A_421 = vector.shape_cast %swap3A_420 : vector<1x16xf32> to vector<16xf32>
      %swap3A_422 = vector.shape_cast %mul3A_415 : vector<16xf32> to vector<1x16xf32>
      tpu.vector_store %arg8[%swap3A_418, %swap3A_419], %swap3A_422 {strides = array<i32>} : memref<200x64xf32, #tpu.memory_space<vmem>>, vector<1x16xf32>,
    }
    %scan3A_92 = arith.constant 50 : i32
    %add3A_93 = arith.constant 126 : i32
    %add3A_94 = arith.addi %mul3A_2, %add3A_93 : i32
    %dma_start3A_95 = arith.constant 0 : i32
    %dma_start3A_96 = arith.constant 0 : i32
    %dma_start3A_97 = tpu.memref_slice %arg4[%add3A_94, %dma_start3A_95, %dma_start3A_96] : memref<4096x200x64xf32, #tpu.memory_space<hbm>> -> memref<1x200x64xf32, #tpu.memory_space<hbm>>
    %dma_start3A_98 = tpu.memref_squeeze %dma_start3A_97 : memref<1x200x64xf32, #tpu.memory_space<hbm>> -> memref<200x64xf32, #tpu.memory_space<hbm>>
    %dma_start3A_99 = arith.constant 0 : i32
    %dma_start3A_100 = arith.constant 0 : i32
    %dma_start3A_101 = tpu.memref_slice %arg4[%add3A_94, %dma_start3A_99, %dma_start3A_100] : memref<4096x200x64xf32, #tpu.memory_space<hbm>> -> memref<1x200x64xf32, #tpu.memory_space<hbm>>
    %dma_start3A_102 = tpu.memref_squeeze %dma_start3A_101 : memref<1x200x64xf32, #tpu.memory_space<hbm>> -> memref<200x64xf32, #tpu.memory_space<hbm>>
    tpu.enqueue_dma source(%arg8 : memref<200x64xf32, #tpu.memory_space<vmem>>) target(%dma_start3A_102 : memref<200x64xf32, #tpu.memory_space<hbm>>) target_semaphore(%arg16 : memref<!tpu.dma_semaphore, #tpu.memory_space<semaphore_mem>>)
    %dma_wait3A_103 = arith.constant 127 : i32
    %dma_wait3A_104 = arith.constant 0 : i32
    %dma_wait3A_105 = tpu.memref_slice %arg5[%dma_wait3A_103, %dma_wait3A_104] : memref<128x200xi32, #tpu.memory_space<vmem>> -> memref<1x200xi32, #tpu.memory_space<vmem>>
    %dma_wait3A_106 = tpu.memref_squeeze %dma_wait3A_105 : memref<1x200xi32, #tpu.memory_space<vmem>> -> memref<200xi32, #tpu.memory_space<vmem>>
    %dma_wait3A_107 = arith.constant 0 : i32
    %dma_wait3A_108 = arith.constant 0 : i32
    %dma_wait3A_109 = tpu.memref_slice %arg3[%dma_wait3A_107, %dma_wait3A_108] : memref<1000000x64xf32, #tpu.memory_space<hbm>> -> memref<1000000x64xf32, #tpu.memory_space<hbm>>
    tpu.wait_indirect_dma semaphore(%arg13 : memref<!tpu.dma_semaphore, #tpu.memory_space<semaphore_mem>>) src(%dma_wait3A_109 : memref<1000000x64xf32, #tpu.memory_space<hbm>>) dst(%arg9 : memref<200x64xf32, #tpu.memory_space<vmem>>)
    %scan3A_110 = arith.constant 0 : i32
    %scan3A_111 = arith.constant 0 : i32
    %scan3A_112 = arith.constant 50 : i32
    %scan3A_113 = arith.addi %scan3A_111, %scan3A_112 : i32
    %scan3A_114 = arith.constant 1 : i32
    scf.for %scan3A_166 = %scan3A_111 to %scan3A_113 step %scan3A_114  : i32 {
      %mul3A_167 = arith.constant 4 : i32
      %mul3A_168 = arith.muli %scan3A_166, %mul3A_167 : i32
      %add3A_169 = arith.constant 0 : i32
      %add3A_170 = arith.addi %mul3A_168, %add3A_169 : i32
      %get3A = arith.index_cast %add3A_170 : i32 to index
      %get3A_171 = arith.constant 0 : index
      %get3A_172 = tpu.vector_load %arg9[%get3A, %get3A_171] {strides = array<i32>} : memref<200x64xf32, #tpu.memory_space<vmem>>, vector<1x16xf32>,
      %get3A_173 = vector.shape_cast %get3A_172 : vector<1x16xf32> to vector<16xf32>
      %mul3A_174 = arith.constant 8.000000e+00 : f32
      %mul3A_175 = vector.broadcast %mul3A_174 : f32 to vector<16xf32>
      %mul3A_176 = arith.mulf %get3A_173, %mul3A_175 : vector<16xf32>
      %add3A_177 = arith.constant 0 : i32
      %add3A_178 = arith.addi %mul3A_168, %add3A_177 : i32
      %swap3A = arith.index_cast %add3A_178 : i32 to index
      %swap3A_179 = arith.constant 0 : index
      %swap3A_180 = tpu.vector_load %arg9[%swap3A, %swap3A_179] {strides = array<i32>} : memref<200x64xf32, #tpu.memory_space<vmem>>, vector<1x16xf32>,
      %swap3A_181 = vector.shape_cast %swap3A_180 : vector<1x16xf32> to vector<16xf32>
      %swap3A_182 = vector.shape_cast %mul3A_176 : vector<16xf32> to vector<1x16xf32>
      tpu.vector_store %arg9[%swap3A, %swap3A_179], %swap3A_182 {strides = array<i32>} : memref<200x64xf32, #tpu.memory_space<vmem>>, vector<1x16xf32>,
      %add3A_183 = arith.constant 0 : i32
      %add3A_184 = arith.addi %mul3A_168, %add3A_183 : i32
      %get3A_185 = arith.index_cast %add3A_184 : i32 to index
      %get3A_186 = arith.constant 16 : index
      %get3A_187 = tpu.vector_load %arg9[%get3A_185, %get3A_186] {strides = array<i32>} : memref<200x64xf32, #tpu.memory_space<vmem>>, vector<1x16xf32>,
      %get3A_188 = vector.shape_cast %get3A_187 : vector<1x16xf32> to vector<16xf32>
      %mul3A_189 = arith.constant 8.000000e+00 : f32
      %mul3A_190 = vector.broadcast %mul3A_189 : f32 to vector<16xf32>
      %mul3A_191 = arith.mulf %get3A_188, %mul3A_190 : vector<16xf32>
      %add3A_192 = arith.constant 0 : i32
      %add3A_193 = arith.addi %mul3A_168, %add3A_192 : i32
      %swap3A_194 = arith.index_cast %add3A_193 : i32 to index
      %swap3A_195 = arith.constant 16 : index
      %swap3A_196 = tpu.vector_load %arg9[%swap3A_194, %swap3A_195] {strides = array<i32>} : memref<200x64xf32, #tpu.memory_space<vmem>>, vector<1x16xf32>,
      %swap3A_197 = vector.shape_cast %swap3A_196 : vector<1x16xf32> to vector<16xf32>
      %swap3A_198 = vector.shape_cast %mul3A_191 : vector<16xf32> to vector<1x16xf32>
      tpu.vector_store %arg9[%swap3A_194, %swap3A_195], %swap3A_198 {strides = array<i32>} : memref<200x64xf32, #tpu.memory_space<vmem>>, vector<1x16xf32>,
      %add3A_199 = arith.constant 0 : i32
      %add3A_200 = arith.addi %mul3A_168, %add3A_199 : i32
      %get3A_201 = arith.index_cast %add3A_200 : i32 to index
      %get3A_202 = arith.constant 32 : index
      %get3A_203 = tpu.vector_load %arg9[%get3A_201, %get3A_202] {strides = array<i32>} : memref<200x64xf32, #tpu.memory_space<vmem>>, vector<1x16xf32>,
      %get3A_204 = vector.shape_cast %get3A_203 : vector<1x16xf32> to vector<16xf32>
      %mul3A_205 = arith.constant 8.000000e+00 : f32
      %mul3A_206 = vector.broadcast %mul3A_205 : f32 to vector<16xf32>
      %mul3A_207 = arith.mulf %get3A_204, %mul3A_206 : vector<16xf32>
      %add3A_208 = arith.constant 0 : i32
      %add3A_209 = arith.addi %mul3A_168, %add3A_208 : i32
      %swap3A_210 = arith.index_cast %add3A_209 : i32 to index
      %swap3A_211 = arith.constant 32 : index
      %swap3A_212 = tpu.vector_load %arg9[%swap3A_210, %swap3A_211] {strides = array<i32>} : memref<200x64xf32, #tpu.memory_space<vmem>>, vector<1x16xf32>,
      %swap3A_213 = vector.shape_cast %swap3A_212 : vector<1x16xf32> to vector<16xf32>
      %swap3A_214 = vector.shape_cast %mul3A_207 : vector<16xf32> to vector<1x16xf32>
      tpu.vector_store %arg9[%swap3A_210, %swap3A_211], %swap3A_214 {strides = array<i32>} : memref<200x64xf32, #tpu.memory_space<vmem>>, vector<1x16xf32>,
      %add3A_215 = arith.constant 0 : i32
      %add3A_216 = arith.addi %mul3A_168, %add3A_215 : i32
      %get3A_217 = arith.index_cast %add3A_216 : i32 to index
      %get3A_218 = arith.constant 48 : index
      %get3A_219 = tpu.vector_load %arg9[%get3A_217, %get3A_218] {strides = array<i32>} : memref<200x64xf32, #tpu.memory_space<vmem>>, vector<1x16xf32>,
      %get3A_220 = vector.shape_cast %get3A_219 : vector<1x16xf32> to vector<16xf32>
      %mul3A_221 = arith.constant 8.000000e+00 : f32
      %mul3A_222 = vector.broadcast %mul3A_221 : f32 to vector<16xf32>
      %mul3A_223 = arith.mulf %get3A_220, %mul3A_222 : vector<16xf32>
      %add3A_224 = arith.constant 0 : i32
      %add3A_225 = arith.addi %mul3A_168, %add3A_224 : i32
      %swap3A_226 = arith.index_cast %add3A_225 : i32 to index
      %swap3A_227 = arith.constant 48 : index
      %swap3A_228 = tpu.vector_load %arg9[%swap3A_226, %swap3A_227] {strides = array<i32>} : memref<200x64xf32, #tpu.memory_space<vmem>>, vector<1x16xf32>,
      %swap3A_229 = vector.shape_cast %swap3A_228 : vector<1x16xf32> to vector<16xf32>
      %swap3A_230 = vector.shape_cast %mul3A_223 : vector<16xf32> to vector<1x16xf32>
      tpu.vector_store %arg9[%swap3A_226, %swap3A_227], %swap3A_230 {strides = array<i32>} : memref<200x64xf32, #tpu.memory_space<vmem>>, vector<1x16xf32>,
      %add3A_231 = arith.constant 1 : i32
      %add3A_232 = arith.addi %mul3A_168, %add3A_231 : i32
      %get3A_233 = arith.index_cast %add3A_232 : i32 to index
      %get3A_234 = arith.constant 0 : index
      %get3A_235 = tpu.vector_load %arg9[%get3A_233, %get3A_234] {strides = array<i32>} : memref<200x64xf32, #tpu.memory_space<vmem>>, vector<1x16xf32>,
      %get3A_236 = vector.shape_cast %get3A_235 : vector<1x16xf32> to vector<16xf32>
      %mul3A_237 = arith.constant 8.000000e+00 : f32
      %mul3A_238 = vector.broadcast %mul3A_237 : f32 to vector<16xf32>
      %mul3A_239 = arith.mulf %get3A_236, %mul3A_238 : vector<16xf32>
      %add3A_240 = arith.constant 1 : i32
      %add3A_241 = arith.addi %mul3A_168, %add3A_240 : i32
      %swap3A_242 = arith.index_cast %add3A_241 : i32 to index
      %swap3A_243 = arith.constant 0 : index
      %swap3A_244 = tpu.vector_load %arg9[%swap3A_242, %swap3A_243] {strides = array<i32>} : memref<200x64xf32, #tpu.memory_space<vmem>>, vector<1x16xf32>,
      %swap3A_245 = vector.shape_cast %swap3A_244 : vector<1x16xf32> to vector<16xf32>
      %swap3A_246 = vector.shape_cast %mul3A_239 : vector<16xf32> to vector<1x16xf32>
      tpu.vector_store %arg9[%swap3A_242, %swap3A_243], %swap3A_246 {strides = array<i32>} : memref<200x64xf32, #tpu.memory_space<vmem>>, vector<1x16xf32>,
      %add3A_247 = arith.constant 1 : i32
      %add3A_248 = arith.addi %mul3A_168, %add3A_247 : i32
      %get3A_249 = arith.index_cast %add3A_248 : i32 to index
      %get3A_250 = arith.constant 16 : index
      %get3A_251 = tpu.vector_load %arg9[%get3A_249, %get3A_250] {strides = array<i32>} : memref<200x64xf32, #tpu.memory_space<vmem>>, vector<1x16xf32>,
      %get3A_252 = vector.shape_cast %get3A_251 : vector<1x16xf32> to vector<16xf32>
      %mul3A_253 = arith.constant 8.000000e+00 : f32
      %mul3A_254 = vector.broadcast %mul3A_253 : f32 to vector<16xf32>
      %mul3A_255 = arith.mulf %get3A_252, %mul3A_254 : vector<16xf32>
      %add3A_256 = arith.constant 1 : i32
      %add3A_257 = arith.addi %mul3A_168, %add3A_256 : i32
      %swap3A_258 = arith.index_cast %add3A_257 : i32 to index
      %swap3A_259 = arith.constant 16 : index
      %swap3A_260 = tpu.vector_load %arg9[%swap3A_258, %swap3A_259] {strides = array<i32>} : memref<200x64xf32, #tpu.memory_space<vmem>>, vector<1x16xf32>,
      %swap3A_261 = vector.shape_cast %swap3A_260 : vector<1x16xf32> to vector<16xf32>
      %swap3A_262 = vector.shape_cast %mul3A_255 : vector<16xf32> to vector<1x16xf32>
      tpu.vector_store %arg9[%swap3A_258, %swap3A_259], %swap3A_262 {strides = array<i32>} : memref<200x64xf32, #tpu.memory_space<vmem>>, vector<1x16xf32>,
      %add3A_263 = arith.constant 1 : i32
      %add3A_264 = arith.addi %mul3A_168, %add3A_263 : i32
      %get3A_265 = arith.index_cast %add3A_264 : i32 to index
      %get3A_266 = arith.constant 32 : index
      %get3A_267 = tpu.vector_load %arg9[%get3A_265, %get3A_266] {strides = array<i32>} : memref<200x64xf32, #tpu.memory_space<vmem>>, vector<1x16xf32>,
      %get3A_268 = vector.shape_cast %get3A_267 : vector<1x16xf32> to vector<16xf32>
      %mul3A_269 = arith.constant 8.000000e+00 : f32
      %mul3A_270 = vector.broadcast %mul3A_269 : f32 to vector<16xf32>
      %mul3A_271 = arith.mulf %get3A_268, %mul3A_270 : vector<16xf32>
      %add3A_272 = arith.constant 1 : i32
      %add3A_273 = arith.addi %mul3A_168, %add3A_272 : i32
      %swap3A_274 = arith.index_cast %add3A_273 : i32 to index
      %swap3A_275 = arith.constant 32 : index
      %swap3A_276 = tpu.vector_load %arg9[%swap3A_274, %swap3A_275] {strides = array<i32>} : memref<200x64xf32, #tpu.memory_space<vmem>>, vector<1x16xf32>,
      %swap3A_277 = vector.shape_cast %swap3A_276 : vector<1x16xf32> to vector<16xf32>
      %swap3A_278 = vector.shape_cast %mul3A_271 : vector<16xf32> to vector<1x16xf32>
      tpu.vector_store %arg9[%swap3A_274, %swap3A_275], %swap3A_278 {strides = array<i32>} : memref<200x64xf32, #tpu.memory_space<vmem>>, vector<1x16xf32>,
      %add3A_279 = arith.constant 1 : i32
      %add3A_280 = arith.addi %mul3A_168, %add3A_279 : i32
      %get3A_281 = arith.index_cast %add3A_280 : i32 to index
      %get3A_282 = arith.constant 48 : index
      %get3A_283 = tpu.vector_load %arg9[%get3A_281, %get3A_282] {strides = array<i32>} : memref<200x64xf32, #tpu.memory_space<vmem>>, vector<1x16xf32>,
      %get3A_284 = vector.shape_cast %get3A_283 : vector<1x16xf32> to vector<16xf32>
      %mul3A_285 = arith.constant 8.000000e+00 : f32
      %mul3A_286 = vector.broadcast %mul3A_285 : f32 to vector<16xf32>
      %mul3A_287 = arith.mulf %get3A_284, %mul3A_286 : vector<16xf32>
      %add3A_288 = arith.constant 1 : i32
      %add3A_289 = arith.addi %mul3A_168, %add3A_288 : i32
      %swap3A_290 = arith.index_cast %add3A_289 : i32 to index
      %swap3A_291 = arith.constant 48 : index
      %swap3A_292 = tpu.vector_load %arg9[%swap3A_290, %swap3A_291] {strides = array<i32>} : memref<200x64xf32, #tpu.memory_space<vmem>>, vector<1x16xf32>,
      %swap3A_293 = vector.shape_cast %swap3A_292 : vector<1x16xf32> to vector<16xf32>
      %swap3A_294 = vector.shape_cast %mul3A_287 : vector<16xf32> to vector<1x16xf32>
      tpu.vector_store %arg9[%swap3A_290, %swap3A_291], %swap3A_294 {strides = array<i32>} : memref<200x64xf32, #tpu.memory_space<vmem>>, vector<1x16xf32>,
      %add3A_295 = arith.constant 2 : i32
      %add3A_296 = arith.addi %mul3A_168, %add3A_295 : i32
      %get3A_297 = arith.index_cast %add3A_296 : i32 to index
      %get3A_298 = arith.constant 0 : index
      %get3A_299 = tpu.vector_load %arg9[%get3A_297, %get3A_298] {strides = array<i32>} : memref<200x64xf32, #tpu.memory_space<vmem>>, vector<1x16xf32>,
      %get3A_300 = vector.shape_cast %get3A_299 : vector<1x16xf32> to vector<16xf32>
      %mul3A_301 = arith.constant 8.000000e+00 : f32
      %mul3A_302 = vector.broadcast %mul3A_301 : f32 to vector<16xf32>
      %mul3A_303 = arith.mulf %get3A_300, %mul3A_302 : vector<16xf32>
      %add3A_304 = arith.constant 2 : i32
      %add3A_305 = arith.addi %mul3A_168, %add3A_304 : i32
      %swap3A_306 = arith.index_cast %add3A_305 : i32 to index
      %swap3A_307 = arith.constant 0 : index
      %swap3A_308 = tpu.vector_load %arg9[%swap3A_306, %swap3A_307] {strides = array<i32>} : memref<200x64xf32, #tpu.memory_space<vmem>>, vector<1x16xf32>,
      %swap3A_309 = vector.shape_cast %swap3A_308 : vector<1x16xf32> to vector<16xf32>
      %swap3A_310 = vector.shape_cast %mul3A_303 : vector<16xf32> to vector<1x16xf32>
      tpu.vector_store %arg9[%swap3A_306, %swap3A_307], %swap3A_310 {strides = array<i32>} : memref<200x64xf32, #tpu.memory_space<vmem>>, vector<1x16xf32>,
      %add3A_311 = arith.constant 2 : i32
      %add3A_312 = arith.addi %mul3A_168, %add3A_311 : i32
      %get3A_313 = arith.index_cast %add3A_312 : i32 to index
      %get3A_314 = arith.constant 16 : index
      %get3A_315 = tpu.vector_load %arg9[%get3A_313, %get3A_314] {strides = array<i32>} : memref<200x64xf32, #tpu.memory_space<vmem>>, vector<1x16xf32>,
      %get3A_316 = vector.shape_cast %get3A_315 : vector<1x16xf32> to vector<16xf32>
      %mul3A_317 = arith.constant 8.000000e+00 : f32
      %mul3A_318 = vector.broadcast %mul3A_317 : f32 to vector<16xf32>
      %mul3A_319 = arith.mulf %get3A_316, %mul3A_318 : vector<16xf32>
      %add3A_320 = arith.constant 2 : i32
      %add3A_321 = arith.addi %mul3A_168, %add3A_320 : i32
      %swap3A_322 = arith.index_cast %add3A_321 : i32 to index
      %swap3A_323 = arith.constant 16 : index
      %swap3A_324 = tpu.vector_load %arg9[%swap3A_322, %swap3A_323] {strides = array<i32>} : memref<200x64xf32, #tpu.memory_space<vmem>>, vector<1x16xf32>,
      %swap3A_325 = vector.shape_cast %swap3A_324 : vector<1x16xf32> to vector<16xf32>
      %swap3A_326 = vector.shape_cast %mul3A_319 : vector<16xf32> to vector<1x16xf32>
      tpu.vector_store %arg9[%swap3A_322, %swap3A_323], %swap3A_326 {strides = array<i32>} : memref<200x64xf32, #tpu.memory_space<vmem>>, vector<1x16xf32>,
      %add3A_327 = arith.constant 2 : i32
      %add3A_328 = arith.addi %mul3A_168, %add3A_327 : i32
      %get3A_329 = arith.index_cast %add3A_328 : i32 to index
      %get3A_330 = arith.constant 32 : index
      %get3A_331 = tpu.vector_load %arg9[%get3A_329, %get3A_330] {strides = array<i32>} : memref<200x64xf32, #tpu.memory_space<vmem>>, vector<1x16xf32>,
      %get3A_332 = vector.shape_cast %get3A_331 : vector<1x16xf32> to vector<16xf32>
      %mul3A_333 = arith.constant 8.000000e+00 : f32
      %mul3A_334 = vector.broadcast %mul3A_333 : f32 to vector<16xf32>
      %mul3A_335 = arith.mulf %get3A_332, %mul3A_334 : vector<16xf32>
      %add3A_336 = arith.constant 2 : i32
      %add3A_337 = arith.addi %mul3A_168, %add3A_336 : i32
      %swap3A_338 = arith.index_cast %add3A_337 : i32 to index
      %swap3A_339 = arith.constant 32 : index
      %swap3A_340 = tpu.vector_load %arg9[%swap3A_338, %swap3A_339] {strides = array<i32>} : memref<200x64xf32, #tpu.memory_space<vmem>>, vector<1x16xf32>,
      %swap3A_341 = vector.shape_cast %swap3A_340 : vector<1x16xf32> to vector<16xf32>
      %swap3A_342 = vector.shape_cast %mul3A_335 : vector<16xf32> to vector<1x16xf32>
      tpu.vector_store %arg9[%swap3A_338, %swap3A_339], %swap3A_342 {strides = array<i32>} : memref<200x64xf32, #tpu.memory_space<vmem>>, vector<1x16xf32>,
      %add3A_343 = arith.constant 2 : i32
      %add3A_344 = arith.addi %mul3A_168, %add3A_343 : i32
      %get3A_345 = arith.index_cast %add3A_344 : i32 to index
      %get3A_346 = arith.constant 48 : index
      %get3A_347 = tpu.vector_load %arg9[%get3A_345, %get3A_346] {strides = array<i32>} : memref<200x64xf32, #tpu.memory_space<vmem>>, vector<1x16xf32>,
      %get3A_348 = vector.shape_cast %get3A_347 : vector<1x16xf32> to vector<16xf32>
      %mul3A_349 = arith.constant 8.000000e+00 : f32
      %mul3A_350 = vector.broadcast %mul3A_349 : f32 to vector<16xf32>
      %mul3A_351 = arith.mulf %get3A_348, %mul3A_350 : vector<16xf32>
      %add3A_352 = arith.constant 2 : i32
      %add3A_353 = arith.addi %mul3A_168, %add3A_352 : i32
      %swap3A_354 = arith.index_cast %add3A_353 : i32 to index
      %swap3A_355 = arith.constant 48 : index
      %swap3A_356 = tpu.vector_load %arg9[%swap3A_354, %swap3A_355] {strides = array<i32>} : memref<200x64xf32, #tpu.memory_space<vmem>>, vector<1x16xf32>,
      %swap3A_357 = vector.shape_cast %swap3A_356 : vector<1x16xf32> to vector<16xf32>
      %swap3A_358 = vector.shape_cast %mul3A_351 : vector<16xf32> to vector<1x16xf32>
      tpu.vector_store %arg9[%swap3A_354, %swap3A_355], %swap3A_358 {strides = array<i32>} : memref<200x64xf32, #tpu.memory_space<vmem>>, vector<1x16xf32>,
      %add3A_359 = arith.constant 3 : i32
      %add3A_360 = arith.addi %mul3A_168, %add3A_359 : i32
      %get3A_361 = arith.index_cast %add3A_360 : i32 to index
      %get3A_362 = arith.constant 0 : index
      %get3A_363 = tpu.vector_load %arg9[%get3A_361, %get3A_362] {strides = array<i32>} : memref<200x64xf32, #tpu.memory_space<vmem>>, vector<1x16xf32>,
      %get3A_364 = vector.shape_cast %get3A_363 : vector<1x16xf32> to vector<16xf32>
      %mul3A_365 = arith.constant 8.000000e+00 : f32
      %mul3A_366 = vector.broadcast %mul3A_365 : f32 to vector<16xf32>
      %mul3A_367 = arith.mulf %get3A_364, %mul3A_366 : vector<16xf32>
      %add3A_368 = arith.constant 3 : i32
      %add3A_369 = arith.addi %mul3A_168, %add3A_368 : i32
      %swap3A_370 = arith.index_cast %add3A_369 : i32 to index
      %swap3A_371 = arith.constant 0 : index
      %swap3A_372 = tpu.vector_load %arg9[%swap3A_370, %swap3A_371] {strides = array<i32>} : memref<200x64xf32, #tpu.memory_space<vmem>>, vector<1x16xf32>,
      %swap3A_373 = vector.shape_cast %swap3A_372 : vector<1x16xf32> to vector<16xf32>
      %swap3A_374 = vector.shape_cast %mul3A_367 : vector<16xf32> to vector<1x16xf32>
      tpu.vector_store %arg9[%swap3A_370, %swap3A_371], %swap3A_374 {strides = array<i32>} : memref<200x64xf32, #tpu.memory_space<vmem>>, vector<1x16xf32>,
      %add3A_375 = arith.constant 3 : i32
      %add3A_376 = arith.addi %mul3A_168, %add3A_375 : i32
      %get3A_377 = arith.index_cast %add3A_376 : i32 to index
      %get3A_378 = arith.constant 16 : index
      %get3A_379 = tpu.vector_load %arg9[%get3A_377, %get3A_378] {strides = array<i32>} : memref<200x64xf32, #tpu.memory_space<vmem>>, vector<1x16xf32>,
      %get3A_380 = vector.shape_cast %get3A_379 : vector<1x16xf32> to vector<16xf32>
      %mul3A_381 = arith.constant 8.000000e+00 : f32
      %mul3A_382 = vector.broadcast %mul3A_381 : f32 to vector<16xf32>
      %mul3A_383 = arith.mulf %get3A_380, %mul3A_382 : vector<16xf32>
      %add3A_384 = arith.constant 3 : i32
      %add3A_385 = arith.addi %mul3A_168, %add3A_384 : i32
      %swap3A_386 = arith.index_cast %add3A_385 : i32 to index
      %swap3A_387 = arith.constant 16 : index
      %swap3A_388 = tpu.vector_load %arg9[%swap3A_386, %swap3A_387] {strides = array<i32>} : memref<200x64xf32, #tpu.memory_space<vmem>>, vector<1x16xf32>,
      %swap3A_389 = vector.shape_cast %swap3A_388 : vector<1x16xf32> to vector<16xf32>
      %swap3A_390 = vector.shape_cast %mul3A_383 : vector<16xf32> to vector<1x16xf32>
      tpu.vector_store %arg9[%swap3A_386, %swap3A_387], %swap3A_390 {strides = array<i32>} : memref<200x64xf32, #tpu.memory_space<vmem>>, vector<1x16xf32>,
      %add3A_391 = arith.constant 3 : i32
      %add3A_392 = arith.addi %mul3A_168, %add3A_391 : i32
      %get3A_393 = arith.index_cast %add3A_392 : i32 to index
      %get3A_394 = arith.constant 32 : index
      %get3A_395 = tpu.vector_load %arg9[%get3A_393, %get3A_394] {strides = array<i32>} : memref<200x64xf32, #tpu.memory_space<vmem>>, vector<1x16xf32>,
      %get3A_396 = vector.shape_cast %get3A_395 : vector<1x16xf32> to vector<16xf32>
      %mul3A_397 = arith.constant 8.000000e+00 : f32
      %mul3A_398 = vector.broadcast %mul3A_397 : f32 to vector<16xf32>
      %mul3A_399 = arith.mulf %get3A_396, %mul3A_398 : vector<16xf32>
      %add3A_400 = arith.constant 3 : i32
      %add3A_401 = arith.addi %mul3A_168, %add3A_400 : i32
      %swap3A_402 = arith.index_cast %add3A_401 : i32 to index
      %swap3A_403 = arith.constant 32 : index
      %swap3A_404 = tpu.vector_load %arg9[%swap3A_402, %swap3A_403] {strides = array<i32>} : memref<200x64xf32, #tpu.memory_space<vmem>>, vector<1x16xf32>,
      %swap3A_405 = vector.shape_cast %swap3A_404 : vector<1x16xf32> to vector<16xf32>
      %swap3A_406 = vector.shape_cast %mul3A_399 : vector<16xf32> to vector<1x16xf32>
      tpu.vector_store %arg9[%swap3A_402, %swap3A_403], %swap3A_406 {strides = array<i32>} : memref<200x64xf32, #tpu.memory_space<vmem>>, vector<1x16xf32>,
      %add3A_407 = arith.constant 3 : i32
      %add3A_408 = arith.addi %mul3A_168, %add3A_407 : i32
      %get3A_409 = arith.index_cast %add3A_408 : i32 to index
      %get3A_410 = arith.constant 48 : index
      %get3A_411 = tpu.vector_load %arg9[%get3A_409, %get3A_410] {strides = array<i32>} : memref<200x64xf32, #tpu.memory_space<vmem>>, vector<1x16xf32>,
      %get3A_412 = vector.shape_cast %get3A_411 : vector<1x16xf32> to vector<16xf32>
      %mul3A_413 = arith.constant 8.000000e+00 : f32
      %mul3A_414 = vector.broadcast %mul3A_413 : f32 to vector<16xf32>
      %mul3A_415 = arith.mulf %get3A_412, %mul3A_414 : vector<16xf32>
      %add3A_416 = arith.constant 3 : i32
      %add3A_417 = arith.addi %mul3A_168, %add3A_416 : i32
      %swap3A_418 = arith.index_cast %add3A_417 : i32 to index
      %swap3A_419 = arith.constant 48 : index
      %swap3A_420 = tpu.vector_load %arg9[%swap3A_418, %swap3A_419] {strides = array<i32>} : memref<200x64xf32, #tpu.memory_space<vmem>>, vector<1x16xf32>,
      %swap3A_421 = vector.shape_cast %swap3A_420 : vector<1x16xf32> to vector<16xf32>
      %swap3A_422 = vector.shape_cast %mul3A_415 : vector<16xf32> to vector<1x16xf32>
      tpu.vector_store %arg9[%swap3A_418, %swap3A_419], %swap3A_422 {strides = array<i32>} : memref<200x64xf32, #tpu.memory_space<vmem>>, vector<1x16xf32>,
    }
    %scan3A_115 = arith.constant 50 : i32
    %add3A_116 = arith.constant 127 : i32
    %add3A_117 = arith.addi %mul3A_2, %add3A_116 : i32
    %dma_start3A_118 = arith.constant 0 : i32
    %dma_start3A_119 = arith.constant 0 : i32
    %dma_start3A_120 = tpu.memref_slice %arg4[%add3A_117, %dma_start3A_118, %dma_start3A_119] : memref<4096x200x64xf32, #tpu.memory_space<hbm>> -> memref<1x200x64xf32, #tpu.memory_space<hbm>>
    %dma_start3A_121 = tpu.memref_squeeze %dma_start3A_120 : memref<1x200x64xf32, #tpu.memory_space<hbm>> -> memref<200x64xf32, #tpu.memory_space<hbm>>
    %dma_start3A_122 = arith.constant 0 : i32
    %dma_start3A_123 = arith.constant 0 : i32
    %dma_start3A_124 = tpu.memref_slice %arg4[%add3A_117, %dma_start3A_122, %dma_start3A_123] : memref<4096x200x64xf32, #tpu.memory_space<hbm>> -> memref<1x200x64xf32, #tpu.memory_space<hbm>>
    %dma_start3A_125 = tpu.memref_squeeze %dma_start3A_124 : memref<1x200x64xf32, #tpu.memory_space<hbm>> -> memref<200x64xf32, #tpu.memory_space<hbm>>
    tpu.enqueue_dma source(%arg9 : memref<200x64xf32, #tpu.memory_space<vmem>>) target(%dma_start3A_125 : memref<200x64xf32, #tpu.memory_space<hbm>>) target_semaphore(%arg17 : memref<!tpu.dma_semaphore, #tpu.memory_space<semaphore_mem>>)
    %add3A_126 = arith.constant 124 : i32
    %add3A_127 = arith.addi %mul3A_2, %add3A_126 : i32
    %dma_wait3A_128 = arith.constant 0 : i32
    %dma_wait3A_129 = arith.constant 0 : i32
    %dma_wait3A_130 = tpu.memref_slice %arg4[%add3A_127, %dma_wait3A_128, %dma_wait3A_129] : memref<4096x200x64xf32, #tpu.memory_space<hbm>> -> memref<1x200x64xf32, #tpu.memory_space<hbm>>
    %dma_wait3A_131 = tpu.memref_squeeze %dma_wait3A_130 : memref<1x200x64xf32, #tpu.memory_space<hbm>> -> memref<200x64xf32, #tpu.memory_space<hbm>>
    %dma_wait3A_132 = arith.constant 0 : i32
    %dma_wait3A_133 = arith.constant 0 : i32
    %dma_wait3A_134 = tpu.memref_slice %arg4[%add3A_127, %dma_wait3A_132, %dma_wait3A_133] : memref<4096x200x64xf32, #tpu.memory_space<hbm>> -> memref<1x200x64xf32, #tpu.memory_space<hbm>>
    %dma_wait3A_135 = tpu.memref_squeeze %dma_wait3A_134 : memref<1x200x64xf32, #tpu.memory_space<hbm>> -> memref<200x64xf32, #tpu.memory_space<hbm>>
    tpu.wait_dma2 semaphore(%arg14 : memref<!tpu.dma_semaphore, #tpu.memory_space<semaphore_mem>>) src(%arg6 : memref<200x64xf32, #tpu.memory_space<vmem>>) dst(%dma_wait3A_135 : memref<200x64xf32, #tpu.memory_space<hbm>>)
    %add3A_136 = arith.constant 125 : i32
    %add3A_137 = arith.addi %mul3A_2, %add3A_136 : i32
    %dma_wait3A_138 = arith.constant 0 : i32
    %dma_wait3A_139 = arith.constant 0 : i32
    %dma_wait3A_140 = tpu.memref_slice %arg4[%add3A_137, %dma_wait3A_138, %dma_wait3A_139] : memref<4096x200x64xf32, #tpu.memory_space<hbm>> -> memref<1x200x64xf32, #tpu.memory_space<hbm>>
    %dma_wait3A_141 = tpu.memref_squeeze %dma_wait3A_140 : memref<1x200x64xf32, #tpu.memory_space<hbm>> -> memref<200x64xf32, #tpu.memory_space<hbm>>
    %dma_wait3A_142 = arith.constant 0 : i32
    %dma_wait3A_143 = arith.constant 0 : i32
    %dma_wait3A_144 = tpu.memref_slice %arg4[%add3A_137, %dma_wait3A_142, %dma_wait3A_143] : memref<4096x200x64xf32, #tpu.memory_space<hbm>> -> memref<1x200x64xf32, #tpu.memory_space<hbm>>
    %dma_wait3A_145 = tpu.memref_squeeze %dma_wait3A_144 : memref<1x200x64xf32, #tpu.memory_space<hbm>> -> memref<200x64xf32, #tpu.memory_space<hbm>>
    tpu.wait_dma2 semaphore(%arg15 : memref<!tpu.dma_semaphore, #tpu.memory_space<semaphore_mem>>) src(%arg7 : memref<200x64xf32, #tpu.memory_space<vmem>>) dst(%dma_wait3A_145 : memref<200x64xf32, #tpu.memory_space<hbm>>)
    %add3A_146 = arith.constant 126 : i32
    %add3A_147 = arith.addi %mul3A_2, %add3A_146 : i32
    %dma_wait3A_148 = arith.constant 0 : i32
    %dma_wait3A_149 = arith.constant 0 : i32
    %dma_wait3A_150 = tpu.memref_slice %arg4[%add3A_147, %dma_wait3A_148, %dma_wait3A_149] : memref<4096x200x64xf32, #tpu.memory_space<hbm>> -> memref<1x200x64xf32, #tpu.memory_space<hbm>>
    %dma_wait3A_151 = tpu.memref_squeeze %dma_wait3A_150 : memref<1x200x64xf32, #tpu.memory_space<hbm>> -> memref<200x64xf32, #tpu.memory_space<hbm>>
    %dma_wait3A_152 = arith.constant 0 : i32
    %dma_wait3A_153 = arith.constant 0 : i32
    %dma_wait3A_154 = tpu.memref_slice %arg4[%add3A_147, %dma_wait3A_152, %dma_wait3A_153] : memref<4096x200x64xf32, #tpu.memory_space<hbm>> -> memref<1x200x64xf32, #tpu.memory_space<hbm>>
    %dma_wait3A_155 = tpu.memref_squeeze %dma_wait3A_154 : memref<1x200x64xf32, #tpu.memory_space<hbm>> -> memref<200x64xf32, #tpu.memory_space<hbm>>
    tpu.wait_dma2 semaphore(%arg16 : memref<!tpu.dma_semaphore, #tpu.memory_space<semaphore_mem>>) src(%arg8 : memref<200x64xf32, #tpu.memory_space<vmem>>) dst(%dma_wait3A_155 : memref<200x64xf32, #tpu.memory_space<hbm>>)
    %add3A_156 = arith.constant 127 : i32
    %add3A_157 = arith.addi %mul3A_2, %add3A_156 : i32
    %dma_wait3A_158 = arith.constant 0 : i32
    %dma_wait3A_159 = arith.constant 0 : i32
    %dma_wait3A_160 = tpu.memref_slice %arg4[%add3A_157, %dma_wait3A_158, %dma_wait3A_159] : memref<4096x200x64xf32, #tpu.memory_space<hbm>> -> memref<1x200x64xf32, #tpu.memory_space<hbm>>
    %dma_wait3A_161 = tpu.memref_squeeze %dma_wait3A_160 : memref<1x200x64xf32, #tpu.memory_space<hbm>> -> memref<200x64xf32, #tpu.memory_space<hbm>>
    %dma_wait3A_162 = arith.constant 0 : i32
    %dma_wait3A_163 = arith.constant 0 : i32
    %dma_wait3A_164 = tpu.memref_slice %arg4[%add3A_157, %dma_wait3A_162, %dma_wait3A_163] : memref<4096x200x64xf32, #tpu.memory_space<hbm>> -> memref<1x200x64xf32, #tpu.memory_space<hbm>>
    %dma_wait3A_165 = tpu.memref_squeeze %dma_wait3A_164 : memref<1x200x64xf32, #tpu.memory_space<hbm>> -> memref<200x64xf32, #tpu.memory_space<hbm>>
    tpu.wait_dma2 semaphore(%arg17 : memref<!tpu.dma_semaphore, #tpu.memory_space<semaphore_mem>>) src(%arg9 : memref<200x64xf32, #tpu.memory_space<vmem>>) dst(%dma_wait3A_165 : memref<200x64xf32, #tpu.memory_space<hbm>>)
    return
  }
}

</mosaic_0001>

<sc_bundles>
// kernel: kernel.3.cloned.1.call-start
scs
__scs_entry_jumppad:
0x0: {  	(pc) =	sbr.rel $0x88, $3  }
0x1: {  	(tag) =	ssettag $0x0;
	lr =	simm.s32 $0x1  }
0x2: {  	[smem:$0x3F9F] =	sst lr;
	_ =	strace $0xD0000000  }
0x3: {  	_ = 	snop  }
0x4: {  	_ = 	snop  }
0x5: {  	_ = 	snop  }
0x6: {  	_ = 	snop  }
0x7: {  	_ = 	snop  }
__scs_overlays_trampoline_lowered:
0x8: {  	[smem:$0x3FAE] =	sst s0  }
0x9: {  	[smem:$0x3FAF] =	sst s1  }
0xa: {  	[smem:$0x3FB0] =	sst s2  }
0xb: {  	[smem:$0x3FB1] =	sst s3  }
0xc: {  	[smem:$0x3FB2] =	sst s4  }
0xd: {  	[smem:$0x3FB3] =	sst s5  }
0xe: {  	[smem:$0x3FB4] =	sst s6  }
0xf: {  	[smem:$0x3FB5] =	sst s7  }
0x10: {  	[smem:$0x3FB6] =	sst s8  }
0x11: {  	[smem:$0x3FB7] =	sst s9;
	s0 =	simm.s32 @!p0 $0x0  }
0x12: {  	s1 =	sld [smem:$0x3F9D];
	s0 =	simm.s32 @p0 $0x1  }
0x13: {  	[smem:$0x3FB8] =	sst s0;
	s0 =	simm.s32 @!p1 $0x0  }
0x14: {  	s2 =	sld [smem:$0x3F9C];
	s0 =	simm.s32 @p1 $0x1  }
0x15: {  	[smem:$0x3FB9] =	sst s0;
	s0 =	simm.s32 @!p2 $0x0  }
0x16: {  	s3 =	sld [smem:$0x3FDB];
	s0 =	simm.s32 @p2 $0x1  }
0x17: {  	s4 =	simm.s32 $0x1BF5;
	[smem:$0x3FBB] =	sst s0  }
0x18: {  	s0 =	sld [smem:$0x3F9E];
	_ =	swait.ge [sflag:s4], $0x0  }
0x19: {  	s7 =	sld [smem:$0x3F9F]  }
0x1a: {  	s8 =	sadd.s32 $0xFFFFE003, lr  }
0x1b: {  	s9 =	sadd.s32 $0xFFFFFEF7, lr;
	s5 =	simm.s32 $0xFFFFFFFF;
	p2 =	slt.u32 s8, $0xFFFFF086  }
0x1c: {  	p1 =	slt.u32 s9, $0xF7A;
	s5 =	simm.s32 @!p2 $0x0  }
0x1d: {  	s5 =	simm.s32 @p1 $0x1;
	p0 =	seq.s32 s7, s2  }
0x1e: {  	s7 =	smul.u32 @!p0 $0xF7A, s2;
	p2 =	seq.s32 @!p0 s5, $0x0  }
0x1f: {  	s9 =	smul.u32 $0xF7A, s1;
	s8 =	simm.s32 @!p0 $0x1BF5;
	p2 =	por !p2, p0  }
0x20: {  	[sflag:s8] =	ssyncset.s32 @!p0 $0xFFFFF086;
	s6 =	sadd.s32 @!p0 s3, s7;
	s7 =	simm.s32 @!p0 $0x108  }
0x21: {  	s3 =	sadd.s32 s3, s9;
	s6 =	sadd.s32 @!p0 $0x88, s6;
	s7 =	simm.s32 @p2 $0x1082  }
0x22: {  	[simem:s7], [sflag:s8] =	dma.local @!p0 [hbm:s6], $0xF7A  }
0x23: {  	s9 =	sor.u32 $0xD0000000, s2;
	s6 =	simm.s32 $0x108;
	_ =	swait.ge @!p0 [sflag:s8], $0x0  }
0x24: {  	s3 =	sadd.s32 $0x88, s3;
	s6 =	simm.s32 @!p1 $0x1082;
	[sflag:s4] =	ssyncset.s32 $0xFFFFF086  }
0x25: {  	[simem:s6], [sflag:s4] =	dma.local [hbm:s3], $0xF7A  }
0x26: {  	[smem:$0x3F9F] =	sst s1;
	(tag) =	ssettag s2;
	_ =	strace s9  }
0x27: {  	s1 =	sld [smem:$0x3FAF]  }
0x28: {  	s2 =	sld [smem:$0x3FB0]  }
0x29: {  	s4 =	sld [smem:$0x3FB2]  }
0x2a: {  	p0 =	seq.s32 s5, $0x0;
	s5 =	sld [smem:$0x3FB3]  }
0x2b: {  	s6 =	sld [smem:$0x3FB4]  }
0x2c: {  	s7 =	sld [smem:$0x3FB5]  }
0x2d: {  	s3 =	simm.s32 $0x108;
	s8 =	sld [smem:$0x3FB6]  }
0x2e: {  	s3 =	simm.s32 @!p0 $0x1082;
	s9 =	sld [smem:$0x3FB7]  }
0x2f: {  	lr =	sadd.s32 s0, s3;
	s0 =	sld [smem:$0x3FAE]  }
0x30: {  	s3 =	sld [smem:$0x3FB1]  }
0x31: {  	[smem:$0x3FBA] =	sst s10  }
0x32: {  	s10 =	sld [smem:$0x3FB8];
	_ =	sdelay $0x3  }
0x33: {  	p0 =	seq.s32 s10, $0x1;
	s10 =	sld [smem:$0x3FBA];
	_ =	sdelay $0x3  }
0x34: {  	[smem:$0x3FBA] =	sst s10  }
0x35: {  	s10 =	sld [smem:$0x3FB9];
	_ =	sdelay $0x3  }
0x36: {  	p1 =	seq.s32 s10, $0x1;
	s10 =	sld [smem:$0x3FBA];
	_ =	sdelay $0x3  }
0x37: {  	[smem:$0x3FBA] =	sst s10  }
0x38: {  	s10 =	sld [smem:$0x3FBB]  }
0x39: {  	_ = 	snop;
	(pc) =	sbr.ind lr, $3  }
0x3a: {  	_ = 	snop  }
0x3b: {  	_ = 	snop  }
0x3c: {  	p2 =	seq.s32 s10, $0x1;
	s10 =	sld [smem:$0x3FBA]  }
0x3d: {  	_ =	shalt  }
0x3e: {  	_ =	shalt  }
0x3f: {  	_ =	shalt  }
0x40: {  	_ =	shalt  }
0x41: {  	_ =	shalt  }
0x42: {  	_ =	shalt  }
0x43: {  	_ =	shalt  }
0x44: {  	_ =	shalt  }
0x45: {  	_ =	shalt  }
0x46: {  	_ =	shalt  }
0x47: {  	_ =	shalt  }
0x48: {  	_ =	shalt  }
0x49: {  	_ =	shalt  }
0x4a: {  	_ =	shalt  }
0x4b: {  	_ =	shalt  }
0x4c: {  	_ =	shalt  }
0x4d: {  	_ =	shalt  }
0x4e: {  	_ =	shalt  }
0x4f: {  	_ =	shalt  }
0x50: {  	_ =	shalt  }
0x51: {  	_ =	shalt  }
0x52: {  	_ =	shalt  }
0x53: {  	_ =	shalt  }
0x54: {  	_ =	shalt  }
0x55: {  	_ =	shalt  }
0x56: {  	_ =	shalt  }
0x57: {  	_ =	shalt  }
0x58: {  	_ =	shalt  }
0x59: {  	_ =	shalt  }
0x5a: {  	_ =	shalt  }
0x5b: {  	_ =	shalt  }
0x5c: {  	_ =	shalt  }
0x5d: {  	_ =	shalt  }
0x5e: {  	_ =	shalt  }
0x5f: {  	_ =	shalt  }
0x60: {  	_ =	shalt  }
0x61: {  	_ =	shalt  }
0x62: {  	_ =	shalt  }
0x63: {  	_ =	shalt  }
0x64: {  	_ =	shalt  }
0x65: {  	_ =	shalt  }
0x66: {  	_ =	shalt  }
0x67: {  	_ =	shalt  }
0x68: {  	_ =	shalt  }
0x69: {  	_ =	shalt  }
0x6a: {  	_ =	shalt  }
0x6b: {  	_ =	shalt  }
0x6c: {  	_ =	shalt  }
0x6d: {  	_ =	shalt  }
0x6e: {  	_ =	shalt  }
0x6f: {  	_ =	shalt  }
0x70: {  	_ =	shalt  }
0x71: {  	_ =	shalt  }
0x72: {  	_ =	shalt  }
0x73: {  	_ =	shalt  }
0x74: {  	_ =	shalt  }
0x75: {  	_ =	shalt  }
0x76: {  	_ =	shalt  }
0x77: {  	_ =	shalt  }
0x78: {  	_ =	shalt  }
0x79: {  	_ =	shalt  }
0x7a: {  	_ =	shalt  }
0x7b: {  	_ =	shalt  }
0x7c: {  	_ =	shalt  }
0x7d: {  	_ =	shalt  }
0x7e: {  	_ =	shalt  }
0x7f: {  	_ =	shalt  }
0x80: {  	_ =	shalt  }
0x81: {  	_ =	shalt  }
0x82: {  	_ =	shalt  }
0x83: {  	_ =	shalt  }
0x84: {  	_ =	shalt  }
0x85: {  	_ =	shalt  }
0x86: {  	_ =	shalt  }
0x87: {  	_ =	shalt  }
.Lfunc_end0:
.L_simem_size_0:
called_computation.1_lowered:
.L_overlay_start_0:
0x88: {  	s2 =	sld [smem:$0x3FD9]  }
0x89: {  	s3 =	sld [smem:$0x3FFE];
	_ =	sdelay $0x1  }
0x8a: {  	s1 =	srdreg.scid  }
0x8b: {  	s0 =	sand.u32 $0x1, s1  }
0x8c: {  	s17 =	sshll.u32 s0, $0xA;
	s2 =	sadd.s32 s3, s2  }
0x8d: {  	s2 =	sadd.s32 s2, s17  }
0x8e: {  	[smem:$0x3FC6] =	sst s2  }
0x8f: {  	_ = 	snop  }
0x90: {  	s2 =	sld [smem:$0x3FD0];
	(tm) =	ssettm $0x1  }
0x91: {  	s18 =	sld [smem:$0x3FFB];
	_ =	sdelay $0x3  }
0x92: {  	_ =	strace s18  }
0x93: {  	s3 =	sld [smem:$0x3FFC];
	_ =	sdelay $0x3  }
0x94: {  	_ =	strace s3  }
0x95: {  	s3 =	sld [smem:$0x3FFD];
	_ =	sdelay $0x3  }
0x96: {  	_ =	strace s3  }
0x97: {  	_ =	strace $0x8FFFFFFF  }
0x98: {  	s19 =	sld [smem:$0x3FDB];
	_ =	sdelay $0x1  }
0x99: {  	s4 =	simm.s32 $_scs_section_size  }
0x9a: {  	s5 =	simm.s32 $_size__tile_overlayer_lowered;
	s6 =	simm.s32 $_tile_overlayer_lowered  }
0x9b: {  	s22 =	simm.s32 $0x1BFF;
	s21 =	sshll.u32 s6, $0x1;
	s3 =	sadd.s32 s4, s19  }
0x9c: {  	s7 =	simm.s32 $0x0;
	s20 =	sshll.u32 s5, $0x1;
	s5 =	sadd.s32 s21, s3  }
0x9d: {  	[timem:s7], [sflag:s22] =	dma.local [hbm:s5], s20  }
0x9e: {  	_ =	swait.ge [sflag:s22], s20  }
0x9f: {  	s4 =	ssub.s32 $0x0, s20;
	[sflag:s22] =	ssyncset.done $0x0  }
0xa0: {  	[sflag:s22] =	ssyncadd.s32 s4;
	_ =	sdelay $0x1  }
0xa1: {  	s23 =	simm.s32 $0x1B8B  }
0xa2: {  	_ =	swait.ge [sflag:s23], $0x1  }
0xa3: {  	[sflag:s23] =	ssyncset.done $0x0  }
0xa4: {  	s25 =	simm.s32 $0x1B8E;
	s24 =	sld [smem:$0x3FFE];
	[sflag:s23] =	ssyncadd.s32 $0xFFFFFFFF  }
0xa5: {  	s26 =	simm.s32 $execute0_lowered;
	[smem:$0x3FD2] =	sst s25  }
0xa6: {  	s5 =	sshll.u32 s26, $0x1;
	_ =	strace $0x80000046;
	[dreg:$0x1] =	wrdreg $0xFFFFFFFF  }
0xa7: {  	s28 =	simm.s32 $_size_execute0_lowered;
	s3 =	sadd.s32 s3, s5;
	[dreg:$0x0] =	wrdreg $0x0  }
0xa8: {  	s5 =	sshll.u32 s28, $0x1;
	[dreg:$0x2] =	wrdreg s3  }
0xa9: {  	[dreg:$0x3] =	wrdreg s5  }
0xaa: {  	[dreg:$0x4] =	wrdreg $0xC0  }
0xab: {  	_ =	task [dreg:s7], $0x5FFFF  }
0xac: {  	[dreg:$0x1] =	wrdreg $0xFFFFFFFF  }
0xad: {  	[dreg:$0x0] =	wrdreg $0x60  }
0xae: {  	[dreg:$0x2] =	wrdreg s24  }
0xaf: {  	[dreg:$0x3] =	wrdreg s2  }
0xb0: {  	[dreg:$0x4] =	wrdreg $0x9  }
0xb1: {  	_ =	task.clear_ibuf [dreg:s7], $0x5FFFF;
	_ =	strace $0x90000046  }
0xb2: {  	s29 =	simm.s32 $0x9;
	_ =	strace $0x80000048  }
0xb3: {  	_ =	swait.ge [sflag:s29], $0x1  }
0xb4: {  	[sflag:s29] =	ssyncadd.s32 $0xFFFFFFFF  }
0xb5: {  	_ =	strace $0x90000048  }
0xb6: {  	_ =	sfence  }
0xb7: {  	s30 =	sld [smem:$0x0];
	_ =	sdelay $0x2  }
0xb8: {  	s31 =	sshll.u32 s1, $0xD;
	s1 =	sshrl.u32 s1, $0x2  }
0xb9: {  	s3 =	sand.u32 $0x4000, s31;
	s1 =	sadd.s32 s1, s30  }
0xba: {  	s0 =	sor.u32 s3, s0;
	s1 =	sshll.u32 s1, $0x11  }
0xbb: {  	s0 =	sor.u32 s1, s0  }
0xbc: {  	s0 =	sadd.s32 $0x8F2B, s0  }
0xbd: {  	[sflag:s0] =	ssyncadd.remote.s32 $0x1  }
0xbe: {  	_ =	sfence.sel $0xFFFF  }
0xbf: {  	[dreg:$0x0] =	wrdreg $0xFFFFFFFF;
	(pc) =	sbr.abs _section_cstart, $3  }
0xc0: {  	[dreg:$0x1] =	wrdreg $0xFFFFFFFF  }
0xc1: {  	_ =	task.clear_ibuf [dreg:s7], $0x2FFFF;
	_ =	strace $0x9FFFFFFF  }
0xc2: {  	(tm) =	ssettm $0x7FFFFFFF  }
0xc3: {  	_ =	shalt  }
tec
execute0_lowered:
.L_overlay_start_1:
0x0: {  	(tag) =	ssettag $0x1  }
0x1: {  	s0 =	srdreg.scid  }
0x2: {  	s2 =	stileid.u32;
	s1 =	rddreg [dreg:$0x0]  }
0x3: {  	s12 =	simm.s32 $0x9;
	s13 =	simm.s32 $0xC8;
	s14 =	simm.s32 $0x6400  }
0x4: {  	s15 =	simm.s32 $0x9600;
	s17 =	simm.s32 $0xC800;
	s18 =	simm.s32 $0x258  }
0x5: {  	s19 =	simm.s32 $0xFA00;
	s20 =	simm.s32 $0x1;
	s21 =	simm.s32 $0x2  }
0x6: {  	s22 =	simm.s32 $0x3;
	s23 =	simm.s32 $0x4;
	s24 =	simm.s32 $0x5  }
0x7: {  	s25 =	simm.s32 $0x6;
	s26 =	simm.s32 $0x7;
	s0 =	sand.u32 $0x1, s0  }
0x8: {  	s28 =	simm.s32 $0x8;
	s3 =	sshll.u32 s2, $0x8;
	s4 =	sshll.u32 s0, $0x7  }
0x9: {  	s29 =	simm.s32 $0x0;
	s2 =	rddreg [dreg:$0x1];
	s3 =	sor.u32 s4, s3  }
0xa: {  	s0 =	ssub.s32 $0x2, s0;
	s4 =	simm.s32 $0x0;
	s6 =	smul.u32 $0x3200, s3  }
0xb: {  	s31 =	sshrl.u32 s0, $0x1;
	s5 =	smul.u32 $0x19, s3;
	[smem:$0x7FF] =	sst s4  }
0xc: {  	s0 =	ssub.s32 s0, s31;
	_ =	strace $0x80000047;
	s6 =	sshrl.u32 s6, $0x3  }
0xd: {  	s11 =	smax.u32 s0, $0x1;
	s7 =	sadd.s32 s5, s1;
	s10 =	sadd.s32 s2, s6  }
0xe: {  	s5 =	sadd.s32 $0xF42E00, s1;
	s6 =	sadd.s32 $0xA00, s7;
	s7 =	sadd.s32 $0x30700, s10  }
0xf: {  	s8 =	sadd.s32 $0x30D40, s10;
	s9 =	sadd.s32 $0x31380, s10;
	s10 =	sadd.s32 $0x319C0, s10  }
.LBB2_1:
0x10: {  	[tilespmem:s4], [sflag:$0x9] =	stream.linear.gather [hbm4b:s6+s4], $0x6400, $0x38;
	[tilespmem:$0x12C00] =	vst v63  }
0x11: {  	_ =	swait.ge [sflag:s12], $0x6400  }
0x12: {  	[sflag:s12] =	ssyncset.done $0x0  }
0x13: {  	[sflag:s12] =	ssyncadd.s32 $0xFFFF9C00  }
0x14: {  	[tilespmem:s14], [sflag:$0x1] =	stream.indirect.gather [hbm4b:s5+s13], $0x40, s4, s13, $0xb8;
	[tilespmem:$0x12C00] =	vst v63  }
0x15: {  	_ = 	snop  }
0x16: {  	[tilespmem:s15], [sflag:$0x2] =	stream.indirect.gather [hbm4b:s5+s13], $0x40, s13, s13, $0xb8;
	[tilespmem:$0x12C00] =	vst v63  }
0x17: {  	s0 =	simm.s32 $0x190  }
0x18: {  	[tilespmem:s17], [sflag:$0x3] =	stream.indirect.gather [hbm4b:s5+s13], $0x40, s0, s13, $0xb8;
	[tilespmem:$0x12C00] =	vst v63  }
0x19: {  	s30 =	simm.s32 $0x0  }
0x1a: {  	[tilespmem:s19], [sflag:$0x4] =	stream.indirect.gather [hbm4b:s5+s13], $0x40, s18, s13, $0xb8;
	[tilespmem:$0x12C00] =	vst v63  }
.LBB2_2:
0x1b: {  	_ =	swait.ge [sflag:s20], $0x3200  }
0x1c: {  	[sflag:s20] =	ssyncset.done $0x0  }
0x1d: {  	s1 =	simm.s32 $0x0;
	[sflag:s20] =	ssyncadd.s32 $0xFFFFCE00  }
0x1e: {  	v0 =	vld [tilespmem:s1+$0x6400]  }
0x1f: {  	v1 =	vld [tilespmem:s1+$0x6410]  }
0x20: {  	v2 =	vld [tilespmem:s1+$0x6420]  }
0x21: {  	v3 =	vld [tilespmem:s1+$0x6430]  }
0x22: {  	v4 =	vld [tilespmem:s1+$0x6440]  }
0x23: {  	v5 =	vld [tilespmem:s1+$0x6450];
	v0 =	vmul.f32 $8.000000000e+00, v0  }
0x24: {  	v6 =	vld [tilespmem:s1+$0x6460];
	v1 =	vmul.f32 $8.000000000e+00, v1  }
0x25: {  	v7 =	vld [tilespmem:s1+$0x6470];
	[tilespmem:s1+$0x6400] =	vst v0;
	v0 =	vmul.f32 $8.000000000e+00, v2  }
0x26: {  	v8 =	vld [tilespmem:s1+$0x6480];
	[tilespmem:s1+$0x6410] =	vst v1;
	v1 =	vmul.f32 $8.000000000e+00, v3  }
0x27: {  	v9 =	vld [tilespmem:s1+$0x6490];
	[tilespmem:s1+$0x6420] =	vst v0;
	v0 =	vmul.f32 $8.000000000e+00, v4  }
0x28: {  	v2 =	vmul.f32 $8.000000000e+00, v5;
	[tilespmem:s1+$0x6430] =	vst v1;
	v1 =	vld [tilespmem:s1+$0x64A0]  }
0x29: {  	v3 =	vmul.f32 $8.000000000e+00, v6;
	[tilespmem:s1+$0x6440] =	vst v0;
	v0 =	vld [tilespmem:s1+$0x64B0]  }
0x2a: {  	[tilespmem:s1+$0x6450] =	vst v2;
	v2 =	vld [tilespmem:s1+$0x64C0];
	v4 =	vmul.f32 $8.000000000e+00, v7  }
0x2b: {  	v6 =	vmul.f32 $8.000000000e+00, v8;
	[tilespmem:s1+$0x6460] =	vst v3;
	v3 =	vld [tilespmem:s1+$0x64D0]  }
0x2c: {  	s31 =	simm.s32 $0x400;
	v5 =	vmul.f32 $8.000000000e+00, v9;
	[tilespmem:s1+$0x6470] =	vst v4;
	v4 =	vld [tilespmem:s1+$0x64E0]  }
.LBB2_3:
0x2d: {  	s0 =	sshra.s32 s31, $0x2;
	p0 =	sne.s32 s31, $0xC400;
	[tilespmem:s1+$0x6480] =	vst v6;
	v1 =	vmul.f32 $8.000000000e+00, v1;
	v6 =	vld [tilespmem:s1+$0x64F0]  }
0x2e: {  	v7 =	vld [tilespmem:s0+$0x6400];
	[tilespmem:s1+$0x6490] =	vst v5;
	v0 =	vmul.f32 $8.000000000e+00, v0  }
0x2f: {  	v5 =	vld [tilespmem:s0+$0x6410];
	[tilespmem:s1+$0x64A0] =	vst v1;
	v1 =	vmul.f32 $8.000000000e+00, v2  }
0x30: {  	v2 =	vld [tilespmem:s0+$0x6420];
	[tilespmem:s1+$0x64B0] =	vst v0;
	v0 =	vmul.f32 $8.000000000e+00, v3  }
0x31: {  	v3 =	vld [tilespmem:s0+$0x6430];
	[tilespmem:s1+$0x64C0] =	vst v1;
	v1 =	vmul.f32 $8.000000000e+00, v4  }
0x32: {  	v4 =	vld [tilespmem:s0+$0x6440];
	[tilespmem:s1+$0x64D0] =	vst v0;
	v0 =	vmul.f32 $8.000000000e+00, v6  }
0x33: {  	v6 =	vmul.f32 $8.000000000e+00, v7;
	v7 =	vld [tilespmem:s0+$0x6450];
	[tilespmem:s1+$0x64E0] =	vst v1  }
0x34: {  	v1 =	vmul.f32 $8.000000000e+00, v5;
	v5 =	vld [tilespmem:s0+$0x6460];
	[tilespmem:s1+$0x64F0] =	vst v0;
	s1 =	smov.u32 s0  }
0x35: {  	[tilespmem:s1+$0x6400] =	vst v6;
	v0 =	vmul.f32 $8.000000000e+00, v2;
	v2 =	vld [tilespmem:s1+$0x6470]  }
0x36: {  	[tilespmem:s1+$0x6410] =	vst v1;
	v1 =	vmul.f32 $8.000000000e+00, v3;
	v3 =	vld [tilespmem:s1+$0x6480]  }
0x37: {  	[tilespmem:s1+$0x6420] =	vst v0;
	v0 =	vmul.f32 $8.000000000e+00, v4;
	v4 =	vld [tilespmem:s1+$0x6490]  }
.Ltmp0:
0x38: {  	[tilespmem:s1+$0x6430] =	vst v1;
	v6 =	vmul.f32 $8.000000000e+00, v7;
	v1 =	vld [tilespmem:s1+$0x64A0];
	(pc) =	sbr.rel @p0 .LBB2_3-.Ltmp0, $4  }
0x39: {  	[tilespmem:s1+$0x6440] =	vst v0;
	v5 =	vmul.f32 $8.000000000e+00, v5;
	v0 =	vld [tilespmem:s1+$0x64B0]  }
0x3a: {  	[tilespmem:s1+$0x6450] =	vst v6;
	v7 =	vmul.f32 $8.000000000e+00, v2;
	v2 =	vld [tilespmem:s1+$0x64C0]  }
0x3b: {  	[tilespmem:s1+$0x6460] =	vst v5;
	v6 =	vmul.f32 $8.000000000e+00, v3;
	v3 =	vld [tilespmem:s1+$0x64D0]  }
0x3c: {  	s31 =	sadd.s32 $0x400, s31;
	[tilespmem:s1+$0x6470] =	vst v7;
	v5 =	vmul.f32 $8.000000000e+00, v4;
	v4 =	vld [tilespmem:s1+$0x64E0]  }
0x3d: {  	[tilespmem:s1+$0x6480] =	vst v6;
	v1 =	vmul.f32 $8.000000000e+00, v1;
	v6 =	vld [tilespmem:s1+$0x64F0]  }
0x3e: {  	[tilespmem:s1+$0x6490] =	vst v5;
	v0 =	vmul.f32 $8.000000000e+00, v0  }
0x3f: {  	[tilespmem:s1+$0x64A0] =	vst v1;
	v1 =	vmul.f32 $8.000000000e+00, v2  }
0x40: {  	s31 =	sshll.u32 s30, $0x2;
	[tilespmem:s1+$0x64B0] =	vst v0;
	v0 =	vmul.f32 $8.000000000e+00, v3  }
0x41: {  	s0 =	sadd.s32 s3, s31;
	[tilespmem:s1+$0x64C0] =	vst v1;
	v1 =	vmul.f32 $8.000000000e+00, v4  }
0x42: {  	s0 =	smul.u32 $0x640, s0;
	[tilespmem:s1+$0x64D0] =	vst v0;
	v0 =	vmul.f32 $8.000000000e+00, v6  }
0x43: {  	[tilespmem:s1+$0x64E0] =	vst v1  }
0x44: {  	s16 =	simm.s32 $0x0;
	s0 =	sadd.s32 s2, s0;
	[tilespmem:s1+$0x64F0] =	vst v0  }
0x45: {  	[hbm4b:s0+s16] =	stream.linear.scatter [tilespmem:s14], [sflag:$0x5], $0x3200, $0x38;
	[tilespmem:$0x12C00] =	vst v63  }
0x46: {  	_ =	swait.ge [sflag:s21], $0x3200  }
0x47: {  	[sflag:s21] =	ssyncset.done $0x0  }
0x48: {  	s1 =	simm.s32 $0x0;
	[sflag:s21] =	ssyncadd.s32 $0xFFFFCE00  }
0x49: {  	v0 =	vld [tilespmem:s1+$0x9600]  }
0x4a: {  	v1 =	vld [tilespmem:s1+$0x9610]  }
0x4b: {  	v2 =	vld [tilespmem:s1+$0x9620]  }
0x4c: {  	v3 =	vld [tilespmem:s1+$0x9630]  }
0x4d: {  	v4 =	vld [tilespmem:s1+$0x9640]  }
0x4e: {  	v5 =	vld [tilespmem:s1+$0x9650];
	v0 =	vmul.f32 $8.000000000e+00, v0  }
0x4f: {  	v6 =	vld [tilespmem:s1+$0x9660];
	v1 =	vmul.f32 $8.000000000e+00, v1  }
0x50: {  	v7 =	vld [tilespmem:s1+$0x9670];
	[tilespmem:s1+$0x9600] =	vst v0;
	v0 =	vmul.f32 $8.000000000e+00, v2  }
0x51: {  	v8 =	vld [tilespmem:s1+$0x9680];
	[tilespmem:s1+$0x9610] =	vst v1;
	v1 =	vmul.f32 $8.000000000e+00, v3  }
0x52: {  	v9 =	vld [tilespmem:s1+$0x9690];
	[tilespmem:s1+$0x9620] =	vst v0;
	v0 =	vmul.f32 $8.000000000e+00, v4  }
0x53: {  	v2 =	vmul.f32 $8.000000000e+00, v5;
	[tilespmem:s1+$0x9630] =	vst v1;
	v1 =	vld [tilespmem:s1+$0x96A0]  }
0x54: {  	v3 =	vmul.f32 $8.000000000e+00, v6;
	[tilespmem:s1+$0x9640] =	vst v0;
	v0 =	vld [tilespmem:s1+$0x96B0]  }
0x55: {  	[tilespmem:s1+$0x9650] =	vst v2;
	v2 =	vld [tilespmem:s1+$0x96C0];
	v4 =	vmul.f32 $8.000000000e+00, v7  }
0x56: {  	v6 =	vmul.f32 $8.000000000e+00, v8;
	[tilespmem:s1+$0x9660] =	vst v3;
	v3 =	vld [tilespmem:s1+$0x96D0]  }
0x57: {  	s0 =	simm.s32 $0x400;
	v5 =	vmul.f32 $8.000000000e+00, v9;
	[tilespmem:s1+$0x9670] =	vst v4;
	v4 =	vld [tilespmem:s1+$0x96E0]  }
.LBB2_5:
0x58: {  	s16 =	sshra.s32 s0, $0x2;
	p0 =	sne.s32 s0, $0xC400;
	[tilespmem:s1+$0x9680] =	vst v6;
	v1 =	vmul.f32 $8.000000000e+00, v1;
	v6 =	vld [tilespmem:s1+$0x96F0]  }
0x59: {  	v7 =	vld [tilespmem:s16+$0x9600];
	[tilespmem:s1+$0x9690] =	vst v5;
	v0 =	vmul.f32 $8.000000000e+00, v0  }
0x5a: {  	v5 =	vld [tilespmem:s16+$0x9610];
	[tilespmem:s1+$0x96A0] =	vst v1;
	v1 =	vmul.f32 $8.000000000e+00, v2  }
0x5b: {  	v2 =	vld [tilespmem:s16+$0x9620];
	[tilespmem:s1+$0x96B0] =	vst v0;
	v0 =	vmul.f32 $8.000000000e+00, v3  }
0x5c: {  	v3 =	vld [tilespmem:s16+$0x9630];
	[tilespmem:s1+$0x96C0] =	vst v1;
	v1 =	vmul.f32 $8.000000000e+00, v4  }
0x5d: {  	v4 =	vld [tilespmem:s16+$0x9640];
	[tilespmem:s1+$0x96D0] =	vst v0;
	v0 =	vmul.f32 $8.000000000e+00, v6  }
0x5e: {  	v6 =	vmul.f32 $8.000000000e+00, v7;
	v7 =	vld [tilespmem:s16+$0x9650];
	[tilespmem:s1+$0x96E0] =	vst v1  }
0x5f: {  	v1 =	vmul.f32 $8.000000000e+00, v5;
	v5 =	vld [tilespmem:s16+$0x9660];
	[tilespmem:s1+$0x96F0] =	vst v0;
	s1 =	smov.u32 s16  }
0x60: {  	[tilespmem:s1+$0x9600] =	vst v6;
	v0 =	vmul.f32 $8.000000000e+00, v2;
	v2 =	vld [tilespmem:s1+$0x9670]  }
0x61: {  	[tilespmem:s1+$0x9610] =	vst v1;
	v1 =	vmul.f32 $8.000000000e+00, v3;
	v3 =	vld [tilespmem:s1+$0x9680]  }
0x62: {  	[tilespmem:s1+$0x9620] =	vst v0;
	v0 =	vmul.f32 $8.000000000e+00, v4;
	v4 =	vld [tilespmem:s1+$0x9690]  }
.Ltmp1:
0x63: {  	[tilespmem:s1+$0x9630] =	vst v1;
	v6 =	vmul.f32 $8.000000000e+00, v7;
	v1 =	vld [tilespmem:s1+$0x96A0];
	(pc) =	sbr.rel @p0 .LBB2_5-.Ltmp1, $4  }
0x64: {  	[tilespmem:s1+$0x9640] =	vst v0;
	v5 =	vmul.f32 $8.000000000e+00, v5;
	v0 =	vld [tilespmem:s1+$0x96B0]  }
0x65: {  	[tilespmem:s1+$0x9650] =	vst v6;
	v7 =	vmul.f32 $8.000000000e+00, v2;
	v2 =	vld [tilespmem:s1+$0x96C0]  }
0x66: {  	[tilespmem:s1+$0x9660] =	vst v5;
	v6 =	vmul.f32 $8.000000000e+00, v3;
	v3 =	vld [tilespmem:s1+$0x96D0]  }
0x67: {  	s0 =	sadd.s32 $0x400, s0;
	[tilespmem:s1+$0x9670] =	vst v7;
	v5 =	vmul.f32 $8.000000000e+00, v4;
	v4 =	vld [tilespmem:s1+$0x96E0]  }
0x68: {  	[tilespmem:s1+$0x9680] =	vst v6;
	v1 =	vmul.f32 $8.000000000e+00, v1;
	v6 =	vld [tilespmem:s1+$0x96F0]  }
0x69: {  	[tilespmem:s1+$0x9690] =	vst v5;
	v0 =	vmul.f32 $8.000000000e+00, v0  }
0x6a: {  	[tilespmem:s1+$0x96A0] =	vst v1;
	v1 =	vmul.f32 $8.000000000e+00, v2  }
0x6b: {  	s0 =	sadd.s32 s31, s3;
	[tilespmem:s1+$0x96B0] =	vst v0;
	v0 =	vmul.f32 $8.000000000e+00, v3  }
0x6c: {  	s0 =	smul.u32 $0x640, s0;
	[tilespmem:s1+$0x96C0] =	vst v1;
	v1 =	vmul.f32 $8.000000000e+00, v4  }
0x6d: {  	[tilespmem:s1+$0x96D0] =	vst v0;
	v0 =	vmul.f32 $8.000000000e+00, v6  }
0x6e: {  	s31 =	sadd.s32 s2, s0;
	[tilespmem:s1+$0x96E0] =	vst v1  }
0x6f: {  	s16 =	simm.s32 $0x0;
	s0 =	sadd.s32 $0x640, s31;
	[tilespmem:s1+$0x96F0] =	vst v0  }
0x70: {  	[hbm4b:s0+s16] =	stream.linear.scatter [tilespmem:s15], [sflag:$0x6], $0x3200, $0x38;
	[tilespmem:$0x12C00] =	vst v63  }
0x71: {  	_ =	swait.ge [sflag:s22], $0x3200  }
0x72: {  	[sflag:s22] =	ssyncset.done $0x0  }
0x73: {  	s1 =	simm.s32 $0x0;
	[sflag:s22] =	ssyncadd.s32 $0xFFFFCE00  }
0x74: {  	v0 =	vld [tilespmem:s1+$0xC800]  }
0x75: {  	v1 =	vld [tilespmem:s1+$0xC810]  }
0x76: {  	v2 =	vld [tilespmem:s1+$0xC820]  }
0x77: {  	v3 =	vld [tilespmem:s1+$0xC830]  }
0x78: {  	v4 =	vld [tilespmem:s1+$0xC840]  }
0x79: {  	v5 =	vld [tilespmem:s1+$0xC850];
	v0 =	vmul.f32 $8.000000000e+00, v0  }
0x7a: {  	v6 =	vld [tilespmem:s1+$0xC860];
	v1 =	vmul.f32 $8.000000000e+00, v1  }
0x7b: {  	v7 =	vld [tilespmem:s1+$0xC870];
	[tilespmem:s1+$0xC800] =	vst v0;
	v0 =	vmul.f32 $8.000000000e+00, v2  }
0x7c: {  	v8 =	vld [tilespmem:s1+$0xC880];
	[tilespmem:s1+$0xC810] =	vst v1;
	v1 =	vmul.f32 $8.000000000e+00, v3  }
0x7d: {  	v9 =	vld [tilespmem:s1+$0xC890];
	[tilespmem:s1+$0xC820] =	vst v0;
	v0 =	vmul.f32 $8.000000000e+00, v4  }
0x7e: {  	v2 =	vmul.f32 $8.000000000e+00, v5;
	[tilespmem:s1+$0xC830] =	vst v1;
	v1 =	vld [tilespmem:s1+$0xC8A0]  }
0x7f: {  	v3 =	vmul.f32 $8.000000000e+00, v6;
	[tilespmem:s1+$0xC840] =	vst v0;
	v0 =	vld [tilespmem:s1+$0xC8B0]  }
0x80: {  	[tilespmem:s1+$0xC850] =	vst v2;
	v2 =	vld [tilespmem:s1+$0xC8C0];
	v4 =	vmul.f32 $8.000000000e+00, v7  }
0x81: {  	v6 =	vmul.f32 $8.000000000e+00, v8;
	[tilespmem:s1+$0xC860] =	vst v3;
	v3 =	vld [tilespmem:s1+$0xC8D0]  }
0x82: {  	s0 =	simm.s32 $0x400;
	v5 =	vmul.f32 $8.000000000e+00, v9;
	[tilespmem:s1+$0xC870] =	vst v4;
	v4 =	vld [tilespmem:s1+$0xC8E0]  }
.LBB2_7:
0x83: {  	s16 =	sshra.s32 s0, $0x2;
	p0 =	sne.s32 s0, $0xC400;
	[tilespmem:s1+$0xC880] =	vst v6;
	v1 =	vmul.f32 $8.000000000e+00, v1;
	v6 =	vld [tilespmem:s1+$0xC8F0]  }
0x84: {  	v7 =	vld [tilespmem:s16+$0xC800];
	[tilespmem:s1+$0xC890] =	vst v5;
	v0 =	vmul.f32 $8.000000000e+00, v0  }
0x85: {  	v5 =	vld [tilespmem:s16+$0xC810];
	[tilespmem:s1+$0xC8A0] =	vst v1;
	v1 =	vmul.f32 $8.000000000e+00, v2  }
0x86: {  	v2 =	vld [tilespmem:s16+$0xC820];
	[tilespmem:s1+$0xC8B0] =	vst v0;
	v0 =	vmul.f32 $8.000000000e+00, v3  }
0x87: {  	v3 =	vld [tilespmem:s16+$0xC830];
	[tilespmem:s1+$0xC8C0] =	vst v1;
	v1 =	vmul.f32 $8.000000000e+00, v4  }
0x88: {  	v4 =	vld [tilespmem:s16+$0xC840];
	[tilespmem:s1+$0xC8D0] =	vst v0;
	v0 =	vmul.f32 $8.000000000e+00, v6  }
0x89: {  	v6 =	vmul.f32 $8.000000000e+00, v7;
	v7 =	vld [tilespmem:s16+$0xC850];
	[tilespmem:s1+$0xC8E0] =	vst v1  }
0x8a: {  	v1 =	vmul.f32 $8.000000000e+00, v5;
	v5 =	vld [tilespmem:s16+$0xC860];
	[tilespmem:s1+$0xC8F0] =	vst v0;
	s1 =	smov.u32 s16  }
0x8b: {  	[tilespmem:s1+$0xC800] =	vst v6;
	v0 =	vmul.f32 $8.000000000e+00, v2;
	v2 =	vld [tilespmem:s1+$0xC870]  }
0x8c: {  	[tilespmem:s1+$0xC810] =	vst v1;
	v1 =	vmul.f32 $8.000000000e+00, v3;
	v3 =	vld [tilespmem:s1+$0xC880]  }
0x8d: {  	[tilespmem:s1+$0xC820] =	vst v0;
	v0 =	vmul.f32 $8.000000000e+00, v4;
	v4 =	vld [tilespmem:s1+$0xC890]  }
.Ltmp2:
0x8e: {  	[tilespmem:s1+$0xC830] =	vst v1;
	v6 =	vmul.f32 $8.000000000e+00, v7;
	v1 =	vld [tilespmem:s1+$0xC8A0];
	(pc) =	sbr.rel @p0 .LBB2_7-.Ltmp2, $4  }
0x8f: {  	[tilespmem:s1+$0xC840] =	vst v0;
	v5 =	vmul.f32 $8.000000000e+00, v5;
	v0 =	vld [tilespmem:s1+$0xC8B0]  }
0x90: {  	[tilespmem:s1+$0xC850] =	vst v6;
	v7 =	vmul.f32 $8.000000000e+00, v2;
	v2 =	vld [tilespmem:s1+$0xC8C0]  }
0x91: {  	[tilespmem:s1+$0xC860] =	vst v5;
	v6 =	vmul.f32 $8.000000000e+00, v3;
	v3 =	vld [tilespmem:s1+$0xC8D0]  }
0x92: {  	s0 =	sadd.s32 $0x400, s0;
	[tilespmem:s1+$0xC870] =	vst v7;
	v5 =	vmul.f32 $8.000000000e+00, v4;
	v4 =	vld [tilespmem:s1+$0xC8E0]  }
0x93: {  	[tilespmem:s1+$0xC880] =	vst v6;
	v1 =	vmul.f32 $8.000000000e+00, v1;
	v6 =	vld [tilespmem:s1+$0xC8F0]  }
0x94: {  	[tilespmem:s1+$0xC890] =	vst v5;
	v0 =	vmul.f32 $8.000000000e+00, v0  }
0x95: {  	[tilespmem:s1+$0xC8A0] =	vst v1;
	v1 =	vmul.f32 $8.000000000e+00, v2  }
0x96: {  	[tilespmem:s1+$0xC8B0] =	vst v0;
	v0 =	vmul.f32 $8.000000000e+00, v3  }
0x97: {  	[tilespmem:s1+$0xC8C0] =	vst v1;
	v1 =	vmul.f32 $8.000000000e+00, v4  }
0x98: {  	[tilespmem:s1+$0xC8D0] =	vst v0;
	v0 =	vmul.f32 $8.000000000e+00, v6  }
0x99: {  	[tilespmem:s1+$0xC8E0] =	vst v1  }
0x9a: {  	s0 =	sadd.s32 $0xC80, s31;
	s16 =	simm.s32 $0x0;
	[tilespmem:s1+$0xC8F0] =	vst v0  }
0x9b: {  	[hbm4b:s0+s16] =	stream.linear.scatter [tilespmem:s17], [sflag:$0x7], $0x3200, $0x38;
	[tilespmem:$0x12C00] =	vst v63  }
0x9c: {  	_ =	swait.ge [sflag:s23], $0x3200  }
0x9d: {  	[sflag:s23] =	ssyncset.done $0x0  }
0x9e: {  	s1 =	simm.s32 $0x0;
	[sflag:s23] =	ssyncadd.s32 $0xFFFFCE00  }
0x9f: {  	v0 =	vld [tilespmem:s1+$0xFA00]  }
0xa0: {  	v1 =	vld [tilespmem:s1+$0xFA10]  }
0xa1: {  	v2 =	vld [tilespmem:s1+$0xFA20]  }
0xa2: {  	v3 =	vld [tilespmem:s1+$0xFA30]  }
0xa3: {  	v4 =	vld [tilespmem:s1+$0xFA40]  }
0xa4: {  	v5 =	vld [tilespmem:s1+$0xFA50];
	v0 =	vmul.f32 $8.000000000e+00, v0  }
0xa5: {  	v6 =	vld [tilespmem:s1+$0xFA60];
	v1 =	vmul.f32 $8.000000000e+00, v1  }
0xa6: {  	v7 =	vld [tilespmem:s1+$0xFA70];
	[tilespmem:s1+$0xFA00] =	vst v0;
	v0 =	vmul.f32 $8.000000000e+00, v2  }
0xa7: {  	v8 =	vld [tilespmem:s1+$0xFA80];
	[tilespmem:s1+$0xFA10] =	vst v1;
	v1 =	vmul.f32 $8.000000000e+00, v3  }
0xa8: {  	v9 =	vld [tilespmem:s1+$0xFA90];
	[tilespmem:s1+$0xFA20] =	vst v0;
	v0 =	vmul.f32 $8.000000000e+00, v4  }
0xa9: {  	v2 =	vmul.f32 $8.000000000e+00, v5;
	[tilespmem:s1+$0xFA30] =	vst v1;
	v1 =	vld [tilespmem:s1+$0xFAA0]  }
0xaa: {  	v3 =	vmul.f32 $8.000000000e+00, v6;
	[tilespmem:s1+$0xFA40] =	vst v0;
	v0 =	vld [tilespmem:s1+$0xFAB0]  }
0xab: {  	[tilespmem:s1+$0xFA50] =	vst v2;
	v2 =	vld [tilespmem:s1+$0xFAC0];
	v4 =	vmul.f32 $8.000000000e+00, v7  }
0xac: {  	v6 =	vmul.f32 $8.000000000e+00, v8;
	[tilespmem:s1+$0xFA60] =	vst v3;
	v3 =	vld [tilespmem:s1+$0xFAD0]  }
0xad: {  	s0 =	simm.s32 $0x400;
	v5 =	vmul.f32 $8.000000000e+00, v9;
	[tilespmem:s1+$0xFA70] =	vst v4;
	v4 =	vld [tilespmem:s1+$0xFAE0]  }
.LBB2_9:
0xae: {  	s16 =	sshra.s32 s0, $0x2;
	p0 =	sne.s32 s0, $0xC400;
	[tilespmem:s1+$0xFA80] =	vst v6;
	v1 =	vmul.f32 $8.000000000e+00, v1;
	v6 =	vld [tilespmem:s1+$0xFAF0]  }
0xaf: {  	v7 =	vld [tilespmem:s16+$0xFA00];
	[tilespmem:s1+$0xFA90] =	vst v5;
	v0 =	vmul.f32 $8.000000000e+00, v0  }
0xb0: {  	v5 =	vld [tilespmem:s16+$0xFA10];
	[tilespmem:s1+$0xFAA0] =	vst v1;
	v1 =	vmul.f32 $8.000000000e+00, v2  }
0xb1: {  	v2 =	vld [tilespmem:s16+$0xFA20];
	[tilespmem:s1+$0xFAB0] =	vst v0;
	v0 =	vmul.f32 $8.000000000e+00, v3  }
0xb2: {  	v3 =	vld [tilespmem:s16+$0xFA30];
	[tilespmem:s1+$0xFAC0] =	vst v1;
	v1 =	vmul.f32 $8.000000000e+00, v4  }
0xb3: {  	v4 =	vld [tilespmem:s16+$0xFA40];
	[tilespmem:s1+$0xFAD0] =	vst v0;
	v0 =	vmul.f32 $8.000000000e+00, v6  }
0xb4: {  	v6 =	vmul.f32 $8.000000000e+00, v7;
	v7 =	vld [tilespmem:s16+$0xFA50];
	[tilespmem:s1+$0xFAE0] =	vst v1  }
0xb5: {  	v1 =	vmul.f32 $8.000000000e+00, v5;
	v5 =	vld [tilespmem:s16+$0xFA60];
	[tilespmem:s1+$0xFAF0] =	vst v0;
	s1 =	smov.u32 s16  }
0xb6: {  	[tilespmem:s1+$0xFA00] =	vst v6;
	v0 =	vmul.f32 $8.000000000e+00, v2;
	v2 =	vld [tilespmem:s1+$0xFA70]  }
0xb7: {  	[tilespmem:s1+$0xFA10] =	vst v1;
	v1 =	vmul.f32 $8.000000000e+00, v3;
	v3 =	vld [tilespmem:s1+$0xFA80]  }
0xb8: {  	[tilespmem:s1+$0xFA20] =	vst v0;
	v0 =	vmul.f32 $8.000000000e+00, v4;
	v4 =	vld [tilespmem:s1+$0xFA90]  }
.Ltmp3:
0xb9: {  	[tilespmem:s1+$0xFA30] =	vst v1;
	v6 =	vmul.f32 $8.000000000e+00, v7;
	v1 =	vld [tilespmem:s1+$0xFAA0];
	(pc) =	sbr.rel @p0 .LBB2_9-.Ltmp3, $4  }
0xba: {  	[tilespmem:s1+$0xFA40] =	vst v0;
	v5 =	vmul.f32 $8.000000000e+00, v5;
	v0 =	vld [tilespmem:s1+$0xFAB0]  }
0xbb: {  	[tilespmem:s1+$0xFA50] =	vst v6;
	v7 =	vmul.f32 $8.000000000e+00, v2;
	v2 =	vld [tilespmem:s1+$0xFAC0]  }
0xbc: {  	[tilespmem:s1+$0xFA60] =	vst v5;
	v6 =	vmul.f32 $8.000000000e+00, v3;
	v3 =	vld [tilespmem:s1+$0xFAD0]  }
0xbd: {  	s0 =	sadd.s32 $0x400, s0;
	[tilespmem:s1+$0xFA70] =	vst v7;
	v5 =	vmul.f32 $8.000000000e+00, v4;
	v4 =	vld [tilespmem:s1+$0xFAE0]  }
0xbe: {  	[tilespmem:s1+$0xFA80] =	vst v6;
	v1 =	vmul.f32 $8.000000000e+00, v1;
	v59 =	vld [tilespmem:s1+$0xFAF0]  }
0xbf: {  	[tilespmem:s1+$0xFA90] =	vst v5;
	v0 =	vmul.f32 $8.000000000e+00, v0  }
0xc0: {  	[tilespmem:s1+$0xFAA0] =	vst v1;
	v60 =	vmul.f32 $8.000000000e+00, v2  }
0xc1: {  	[tilespmem:s1+$0xFAB0] =	vst v0;
	v61 =	vmul.f32 $8.000000000e+00, v3  }
0xc2: {  	[tilespmem:s1+$0xFAC0] =	vst v60;
	v62 =	vmul.f32 $8.000000000e+00, v4  }
0xc3: {  	[tilespmem:s1+$0xFAD0] =	vst v61;
	v63 =	vmul.f32 $8.000000000e+00, v59  }
0xc4: {  	[tilespmem:s1+$0xFAE0] =	vst v62  }
0xc5: {  	s0 =	sadd.s32 $0x12C0, s31;
	s16 =	smul.u32 $0xC80, s30;
	[tilespmem:s1+$0xFAF0] =	vst v63  }
0xc6: {  	[hbm4b:s0+s4] =	stream.linear.scatter [tilespmem:s19], [sflag:$0x8], $0x3200, $0x38;
	[tilespmem:$0x12C00] =	vst v63  }
0xc7: {  	_ =	swait.ge [sflag:s24], $0x3200  }
0xc8: {  	s0 =	sshra.s32 s16, $0x2;
	[sflag:s24] =	ssyncset.done $0x0  }
0xc9: {  	s31 =	sadd.s32 $0x320, s0;
	[sflag:s24] =	ssyncadd.s32 $0xFFFFCE00  }
0xca: {  	[tilespmem:s14], [sflag:$0x1] =	stream.indirect.gather [hbm4b:s5+s13], $0x40, s31, s13, $0xb8;
	[tilespmem:$0x12C00] =	vst v63  }
0xcb: {  	_ =	swait.ge [sflag:s25], $0x3200  }
0xcc: {  	[sflag:s25] =	ssyncset.done $0x0  }
0xcd: {  	s16 =	sadd.s32 $0x3E8, s0;
	[sflag:s25] =	ssyncadd.s32 $0xFFFFCE00  }
0xce: {  	[tilespmem:s15], [sflag:$0x2] =	stream.indirect.gather [hbm4b:s5+s13], $0x40, s16, s13, $0xb8;
	[tilespmem:$0x12C00] =	vst v63  }
0xcf: {  	_ =	swait.ge [sflag:s26], $0x3200  }
0xd0: {  	s30 =	sadd.s32 $0x1, s30;
	[sflag:s26] =	ssyncset.done $0x0  }
0xd1: {  	p0 =	sne.s32 s30, $0x1F;
	s31 =	sadd.s32 $0x4B0, s0;
	[sflag:s26] =	ssyncadd.s32 $0xFFFFCE00  }
0xd2: {  	[tilespmem:s17], [sflag:$0x3] =	stream.indirect.gather [hbm4b:s5+s13], $0x40, s31, s13, $0xb8;
	[tilespmem:$0x12C00] =	vst v63  }
.Ltmp4:
0xd3: {  	_ = 	snop;
	(pc) =	sbr.rel @p0 .LBB2_2-.Ltmp4, $4  }
0xd4: {  	_ =	swait.ge [sflag:s28], $0x3200  }
0xd5: {  	[sflag:s28] =	ssyncset.done $0x0  }
0xd6: {  	s0 =	sadd.s32 $0x578, s0;
	[sflag:s28] =	ssyncadd.s32 $0xFFFFCE00  }
0xd7: {  	[tilespmem:s19], [sflag:$0x4] =	stream.indirect.gather [hbm4b:s5+s13], $0x40, s0, s13, $0xb8;
	[tilespmem:$0x12C00] =	vst v63  }
0xd8: {  	_ =	swait.ge [sflag:s20], $0x3200  }
0xd9: {  	[sflag:s20] =	ssyncset.done $0x0  }
0xda: {  	s1 =	simm.s32 $0x0;
	[sflag:s20] =	ssyncadd.s32 $0xFFFFCE00  }
0xdb: {  	v0 =	vld [tilespmem:s1+$0x6400]  }
0xdc: {  	v1 =	vld [tilespmem:s1+$0x6410]  }
0xdd: {  	v2 =	vld [tilespmem:s1+$0x6420]  }
0xde: {  	v3 =	vld [tilespmem:s1+$0x6430]  }
0xdf: {  	v4 =	vld [tilespmem:s1+$0x6440]  }
0xe0: {  	v5 =	vld [tilespmem:s1+$0x6450];
	v0 =	vmul.f32 $8.000000000e+00, v0  }
0xe1: {  	v6 =	vld [tilespmem:s1+$0x6460];
	v1 =	vmul.f32 $8.000000000e+00, v1  }
0xe2: {  	v7 =	vld [tilespmem:s1+$0x6470];
	[tilespmem:s1+$0x6400] =	vst v0;
	v0 =	vmul.f32 $8.000000000e+00, v2  }
0xe3: {  	v8 =	vld [tilespmem:s1+$0x6480];
	[tilespmem:s1+$0x6410] =	vst v1;
	v1 =	vmul.f32 $8.000000000e+00, v3  }
0xe4: {  	v9 =	vld [tilespmem:s1+$0x6490];
	[tilespmem:s1+$0x6420] =	vst v0;
	v0 =	vmul.f32 $8.000000000e+00, v4  }
0xe5: {  	v2 =	vmul.f32 $8.000000000e+00, v5;
	[tilespmem:s1+$0x6430] =	vst v1;
	v1 =	vld [tilespmem:s1+$0x64A0]  }
0xe6: {  	v3 =	vmul.f32 $8.000000000e+00, v6;
	[tilespmem:s1+$0x6440] =	vst v0;
	v0 =	vld [tilespmem:s1+$0x64B0]  }
0xe7: {  	[tilespmem:s1+$0x6450] =	vst v2;
	v2 =	vld [tilespmem:s1+$0x64C0];
	v4 =	vmul.f32 $8.000000000e+00, v7  }
0xe8: {  	v6 =	vmul.f32 $8.000000000e+00, v8;
	[tilespmem:s1+$0x6460] =	vst v3;
	v3 =	vld [tilespmem:s1+$0x64D0]  }
0xe9: {  	s0 =	simm.s32 $0x400;
	v5 =	vmul.f32 $8.000000000e+00, v9;
	[tilespmem:s1+$0x6470] =	vst v4;
	v4 =	vld [tilespmem:s1+$0x64E0]  }
.LBB2_12:
0xea: {  	s16 =	sshra.s32 s0, $0x2;
	p0 =	sne.s32 s0, $0xC400;
	[tilespmem:s1+$0x6480] =	vst v6;
	v1 =	vmul.f32 $8.000000000e+00, v1;
	v6 =	vld [tilespmem:s1+$0x64F0]  }
0xeb: {  	v7 =	vld [tilespmem:s16+$0x6400];
	[tilespmem:s1+$0x6490] =	vst v5;
	v0 =	vmul.f32 $8.000000000e+00, v0  }
0xec: {  	v5 =	vld [tilespmem:s16+$0x6410];
	[tilespmem:s1+$0x64A0] =	vst v1;
	v1 =	vmul.f32 $8.000000000e+00, v2  }
0xed: {  	v2 =	vld [tilespmem:s16+$0x6420];
	[tilespmem:s1+$0x64B0] =	vst v0;
	v0 =	vmul.f32 $8.000000000e+00, v3  }
0xee: {  	v3 =	vld [tilespmem:s16+$0x6430];
	[tilespmem:s1+$0x64C0] =	vst v1;
	v1 =	vmul.f32 $8.000000000e+00, v4  }
0xef: {  	v4 =	vld [tilespmem:s16+$0x6440];
	[tilespmem:s1+$0x64D0] =	vst v0;
	v0 =	vmul.f32 $8.000000000e+00, v6  }
0xf0: {  	v6 =	vmul.f32 $8.000000000e+00, v7;
	v7 =	vld [tilespmem:s16+$0x6450];
	[tilespmem:s1+$0x64E0] =	vst v1  }
0xf1: {  	v1 =	vmul.f32 $8.000000000e+00, v5;
	v5 =	vld [tilespmem:s16+$0x6460];
	[tilespmem:s1+$0x64F0] =	vst v0;
	s1 =	smov.u32 s16  }
0xf2: {  	[tilespmem:s1+$0x6400] =	vst v6;
	v0 =	vmul.f32 $8.000000000e+00, v2;
	v2 =	vld [tilespmem:s1+$0x6470]  }
0xf3: {  	[tilespmem:s1+$0x6410] =	vst v1;
	v1 =	vmul.f32 $8.000000000e+00, v3;
	v3 =	vld [tilespmem:s1+$0x6480]  }
0xf4: {  	[tilespmem:s1+$0x6420] =	vst v0;
	v0 =	vmul.f32 $8.000000000e+00, v4;
	v4 =	vld [tilespmem:s1+$0x6490]  }
.Ltmp5:
0xf5: {  	[tilespmem:s1+$0x6430] =	vst v1;
	v6 =	vmul.f32 $8.000000000e+00, v7;
	v1 =	vld [tilespmem:s1+$0x64A0];
	(pc) =	sbr.rel @p0 .LBB2_12-.Ltmp5, $4  }
0xf6: {  	[tilespmem:s1+$0x6440] =	vst v0;
	v5 =	vmul.f32 $8.000000000e+00, v5;
	v0 =	vld [tilespmem:s1+$0x64B0]  }
0xf7: {  	[tilespmem:s1+$0x6450] =	vst v6;
	v7 =	vmul.f32 $8.000000000e+00, v2;
	v2 =	vld [tilespmem:s1+$0x64C0]  }
0xf8: {  	[tilespmem:s1+$0x6460] =	vst v5;
	v6 =	vmul.f32 $8.000000000e+00, v3;
	v3 =	vld [tilespmem:s1+$0x64D0]  }
0xf9: {  	s0 =	sadd.s32 $0x400, s0;
	[tilespmem:s1+$0x6470] =	vst v7;
	v5 =	vmul.f32 $8.000000000e+00, v4;
	v4 =	vld [tilespmem:s1+$0x64E0]  }
0xfa: {  	[tilespmem:s1+$0x6480] =	vst v6;
	v1 =	vmul.f32 $8.000000000e+00, v1;
	v6 =	vld [tilespmem:s1+$0x64F0]  }
0xfb: {  	[tilespmem:s1+$0x6490] =	vst v5;
	v0 =	vmul.f32 $8.000000000e+00, v0  }
0xfc: {  	[tilespmem:s1+$0x64A0] =	vst v1;
	v1 =	vmul.f32 $8.000000000e+00, v2  }
0xfd: {  	[tilespmem:s1+$0x64B0] =	vst v0;
	v0 =	vmul.f32 $8.000000000e+00, v3  }
0xfe: {  	[tilespmem:s1+$0x64C0] =	vst v1;
	v1 =	vmul.f32 $8.000000000e+00, v4  }
0xff: {  	[tilespmem:s1+$0x64D0] =	vst v0;
	v0 =	vmul.f32 $8.000000000e+00, v6  }
0x100: {  	[tilespmem:s1+$0x64E0] =	vst v1  }
0x101: {  	s0 =	simm.s32 $0x0;
	[tilespmem:s1+$0x64F0] =	vst v0  }
0x102: {  	[hbm4b:s7+s0] =	stream.linear.scatter [tilespmem:s14], [sflag:$0x5], $0x3200, $0x38;
	[tilespmem:$0x12C00] =	vst v63  }
0x103: {  	_ =	swait.ge [sflag:s21], $0x3200  }
0x104: {  	[sflag:s21] =	ssyncset.done $0x0  }
0x105: {  	s1 =	simm.s32 $0x0;
	[sflag:s21] =	ssyncadd.s32 $0xFFFFCE00  }
0x106: {  	v0 =	vld [tilespmem:s1+$0x9600]  }
0x107: {  	v1 =	vld [tilespmem:s1+$0x9610]  }
0x108: {  	v2 =	vld [tilespmem:s1+$0x9620]  }
0x109: {  	v3 =	vld [tilespmem:s1+$0x9630]  }
0x10a: {  	v4 =	vld [tilespmem:s1+$0x9640]  }
0x10b: {  	v5 =	vld [tilespmem:s1+$0x9650];
	v0 =	vmul.f32 $8.000000000e+00, v0  }
0x10c: {  	v6 =	vld [tilespmem:s1+$0x9660];
	v1 =	vmul.f32 $8.000000000e+00, v1  }
0x10d: {  	v7 =	vld [tilespmem:s1+$0x9670];
	[tilespmem:s1+$0x9600] =	vst v0;
	v0 =	vmul.f32 $8.000000000e+00, v2  }
0x10e: {  	v8 =	vld [tilespmem:s1+$0x9680];
	[tilespmem:s1+$0x9610] =	vst v1;
	v1 =	vmul.f32 $8.000000000e+00, v3  }
0x10f: {  	v9 =	vld [tilespmem:s1+$0x9690];
	[tilespmem:s1+$0x9620] =	vst v0;
	v0 =	vmul.f32 $8.000000000e+00, v4  }
0x110: {  	v2 =	vmul.f32 $8.000000000e+00, v5;
	[tilespmem:s1+$0x9630] =	vst v1;
	v1 =	vld [tilespmem:s1+$0x96A0]  }
0x111: {  	v3 =	vmul.f32 $8.000000000e+00, v6;
	[tilespmem:s1+$0x9640] =	vst v0;
	v0 =	vld [tilespmem:s1+$0x96B0]  }
0x112: {  	[tilespmem:s1+$0x9650] =	vst v2;
	v2 =	vld [tilespmem:s1+$0x96C0];
	v4 =	vmul.f32 $8.000000000e+00, v7  }
0x113: {  	v6 =	vmul.f32 $8.000000000e+00, v8;
	[tilespmem:s1+$0x9660] =	vst v3;
	v3 =	vld [tilespmem:s1+$0x96D0]  }
0x114: {  	s0 =	simm.s32 $0x400;
	v5 =	vmul.f32 $8.000000000e+00, v9;
	[tilespmem:s1+$0x9670] =	vst v4;
	v4 =	vld [tilespmem:s1+$0x96E0]  }
.LBB2_14:
0x115: {  	s16 =	sshra.s32 s0, $0x2;
	p0 =	sne.s32 s0, $0xC400;
	[tilespmem:s1+$0x9680] =	vst v6;
	v1 =	vmul.f32 $8.000000000e+00, v1;
	v6 =	vld [tilespmem:s1+$0x96F0]  }
0x116: {  	v7 =	vld [tilespmem:s16+$0x9600];
	[tilespmem:s1+$0x9690] =	vst v5;
	v0 =	vmul.f32 $8.000000000e+00, v0  }
0x117: {  	v5 =	vld [tilespmem:s16+$0x9610];
	[tilespmem:s1+$0x96A0] =	vst v1;
	v1 =	vmul.f32 $8.000000000e+00, v2  }
0x118: {  	v2 =	vld [tilespmem:s16+$0x9620];
	[tilespmem:s1+$0x96B0] =	vst v0;
	v0 =	vmul.f32 $8.000000000e+00, v3  }
0x119: {  	v3 =	vld [tilespmem:s16+$0x9630];
	[tilespmem:s1+$0x96C0] =	vst v1;
	v1 =	vmul.f32 $8.000000000e+00, v4  }
0x11a: {  	v4 =	vld [tilespmem:s16+$0x9640];
	[tilespmem:s1+$0x96D0] =	vst v0;
	v0 =	vmul.f32 $8.000000000e+00, v6  }
0x11b: {  	v6 =	vmul.f32 $8.000000000e+00, v7;
	v7 =	vld [tilespmem:s16+$0x9650];
	[tilespmem:s1+$0x96E0] =	vst v1  }
0x11c: {  	v1 =	vmul.f32 $8.000000000e+00, v5;
	v5 =	vld [tilespmem:s16+$0x9660];
	[tilespmem:s1+$0x96F0] =	vst v0;
	s1 =	smov.u32 s16  }
0x11d: {  	[tilespmem:s1+$0x9600] =	vst v6;
	v0 =	vmul.f32 $8.000000000e+00, v2;
	v2 =	vld [tilespmem:s1+$0x9670]  }
0x11e: {  	[tilespmem:s1+$0x9610] =	vst v1;
	v1 =	vmul.f32 $8.000000000e+00, v3;
	v3 =	vld [tilespmem:s1+$0x9680]  }
0x11f: {  	[tilespmem:s1+$0x9620] =	vst v0;
	v0 =	vmul.f32 $8.000000000e+00, v4;
	v4 =	vld [tilespmem:s1+$0x9690]  }
.Ltmp6:
0x120: {  	[tilespmem:s1+$0x9630] =	vst v1;
	v6 =	vmul.f32 $8.000000000e+00, v7;
	v1 =	vld [tilespmem:s1+$0x96A0];
	(pc) =	sbr.rel @p0 .LBB2_14-.Ltmp6, $4  }
0x121: {  	[tilespmem:s1+$0x9640] =	vst v0;
	v5 =	vmul.f32 $8.000000000e+00, v5;
	v0 =	vld [tilespmem:s1+$0x96B0]  }
0x122: {  	[tilespmem:s1+$0x9650] =	vst v6;
	v7 =	vmul.f32 $8.000000000e+00, v2;
	v2 =	vld [tilespmem:s1+$0x96C0]  }
0x123: {  	[tilespmem:s1+$0x9660] =	vst v5;
	v6 =	vmul.f32 $8.000000000e+00, v3;
	v3 =	vld [tilespmem:s1+$0x96D0]  }
0x124: {  	s0 =	sadd.s32 $0x400, s0;
	[tilespmem:s1+$0x9670] =	vst v7;
	v5 =	vmul.f32 $8.000000000e+00, v4;
	v4 =	vld [tilespmem:s1+$0x96E0]  }
0x125: {  	[tilespmem:s1+$0x9680] =	vst v6;
	v1 =	vmul.f32 $8.000000000e+00, v1;
	v6 =	vld [tilespmem:s1+$0x96F0]  }
0x126: {  	[tilespmem:s1+$0x9690] =	vst v5;
	v0 =	vmul.f32 $8.000000000e+00, v0  }
0x127: {  	[tilespmem:s1+$0x96A0] =	vst v1;
	v1 =	vmul.f32 $8.000000000e+00, v2  }
0x128: {  	[tilespmem:s1+$0x96B0] =	vst v0;
	v0 =	vmul.f32 $8.000000000e+00, v3  }
0x129: {  	[tilespmem:s1+$0x96C0] =	vst v1;
	v1 =	vmul.f32 $8.000000000e+00, v4  }
0x12a: {  	[tilespmem:s1+$0x96D0] =	vst v0;
	v0 =	vmul.f32 $8.000000000e+00, v6  }
0x12b: {  	[tilespmem:s1+$0x96E0] =	vst v1  }
0x12c: {  	s0 =	simm.s32 $0x0;
	[tilespmem:s1+$0x96F0] =	vst v0  }
0x12d: {  	[hbm4b:s8+s0] =	stream.linear.scatter [tilespmem:s15], [sflag:$0x6], $0x3200, $0x38;
	[tilespmem:$0x12C00] =	vst v63  }
0x12e: {  	_ =	swait.ge [sflag:s22], $0x3200  }
0x12f: {  	[sflag:s22] =	ssyncset.done $0x0  }
0x130: {  	s1 =	simm.s32 $0x0;
	[sflag:s22] =	ssyncadd.s32 $0xFFFFCE00  }
0x131: {  	v0 =	vld [tilespmem:s1+$0xC800]  }
0x132: {  	v1 =	vld [tilespmem:s1+$0xC810]  }
0x133: {  	v2 =	vld [tilespmem:s1+$0xC820]  }
0x134: {  	v3 =	vld [tilespmem:s1+$0xC830]  }
0x135: {  	v4 =	vld [tilespmem:s1+$0xC840]  }
0x136: {  	v5 =	vld [tilespmem:s1+$0xC850];
	v0 =	vmul.f32 $8.000000000e+00, v0  }
0x137: {  	v6 =	vld [tilespmem:s1+$0xC860];
	v1 =	vmul.f32 $8.000000000e+00, v1  }
0x138: {  	v7 =	vld [tilespmem:s1+$0xC870];
	[tilespmem:s1+$0xC800] =	vst v0;
	v0 =	vmul.f32 $8.000000000e+00, v2  }
0x139: {  	v8 =	vld [tilespmem:s1+$0xC880];
	[tilespmem:s1+$0xC810] =	vst v1;
	v1 =	vmul.f32 $8.000000000e+00, v3  }
0x13a: {  	v9 =	vld [tilespmem:s1+$0xC890];
	[tilespmem:s1+$0xC820] =	vst v0;
	v0 =	vmul.f32 $8.000000000e+00, v4  }
0x13b: {  	v2 =	vmul.f32 $8.000000000e+00, v5;
	[tilespmem:s1+$0xC830] =	vst v1;
	v1 =	vld [tilespmem:s1+$0xC8A0]  }
0x13c: {  	v3 =	vmul.f32 $8.000000000e+00, v6;
	[tilespmem:s1+$0xC840] =	vst v0;
	v0 =	vld [tilespmem:s1+$0xC8B0]  }
0x13d: {  	[tilespmem:s1+$0xC850] =	vst v2;
	v2 =	vld [tilespmem:s1+$0xC8C0];
	v4 =	vmul.f32 $8.000000000e+00, v7  }
0x13e: {  	v6 =	vmul.f32 $8.000000000e+00, v8;
	[tilespmem:s1+$0xC860] =	vst v3;
	v3 =	vld [tilespmem:s1+$0xC8D0]  }
0x13f: {  	s0 =	simm.s32 $0x400;
	v5 =	vmul.f32 $8.000000000e+00, v9;
	[tilespmem:s1+$0xC870] =	vst v4;
	v4 =	vld [tilespmem:s1+$0xC8E0]  }
.LBB2_16:
0x140: {  	s16 =	sshra.s32 s0, $0x2;
	p0 =	sne.s32 s0, $0xC400;
	[tilespmem:s1+$0xC880] =	vst v6;
	v1 =	vmul.f32 $8.000000000e+00, v1;
	v6 =	vld [tilespmem:s1+$0xC8F0]  }
0x141: {  	v7 =	vld [tilespmem:s16+$0xC800];
	[tilespmem:s1+$0xC890] =	vst v5;
	v0 =	vmul.f32 $8.000000000e+00, v0  }
0x142: {  	v5 =	vld [tilespmem:s16+$0xC810];
	[tilespmem:s1+$0xC8A0] =	vst v1;
	v1 =	vmul.f32 $8.000000000e+00, v2  }
0x143: {  	v2 =	vld [tilespmem:s16+$0xC820];
	[tilespmem:s1+$0xC8B0] =	vst v0;
	v0 =	vmul.f32 $8.000000000e+00, v3  }
0x144: {  	v3 =	vld [tilespmem:s16+$0xC830];
	[tilespmem:s1+$0xC8C0] =	vst v1;
	v1 =	vmul.f32 $8.000000000e+00, v4  }
0x145: {  	v4 =	vld [tilespmem:s16+$0xC840];
	[tilespmem:s1+$0xC8D0] =	vst v0;
	v0 =	vmul.f32 $8.000000000e+00, v6  }
0x146: {  	v6 =	vmul.f32 $8.000000000e+00, v7;
	v7 =	vld [tilespmem:s16+$0xC850];
	[tilespmem:s1+$0xC8E0] =	vst v1  }
0x147: {  	v1 =	vmul.f32 $8.000000000e+00, v5;
	v5 =	vld [tilespmem:s16+$0xC860];
	[tilespmem:s1+$0xC8F0] =	vst v0;
	s1 =	smov.u32 s16  }
0x148: {  	[tilespmem:s1+$0xC800] =	vst v6;
	v0 =	vmul.f32 $8.000000000e+00, v2;
	v2 =	vld [tilespmem:s1+$0xC870]  }
0x149: {  	[tilespmem:s1+$0xC810] =	vst v1;
	v1 =	vmul.f32 $8.000000000e+00, v3;
	v3 =	vld [tilespmem:s1+$0xC880]  }
0x14a: {  	[tilespmem:s1+$0xC820] =	vst v0;
	v0 =	vmul.f32 $8.000000000e+00, v4;
	v4 =	vld [tilespmem:s1+$0xC890]  }
.Ltmp7:
0x14b: {  	[tilespmem:s1+$0xC830] =	vst v1;
	v6 =	vmul.f32 $8.000000000e+00, v7;
	v1 =	vld [tilespmem:s1+$0xC8A0];
	(pc) =	sbr.rel @p0 .LBB2_16-.Ltmp7, $4  }
0x14c: {  	[tilespmem:s1+$0xC840] =	vst v0;
	v5 =	vmul.f32 $8.000000000e+00, v5;
	v0 =	vld [tilespmem:s1+$0xC8B0]  }
0x14d: {  	[tilespmem:s1+$0xC850] =	vst v6;
	v7 =	vmul.f32 $8.000000000e+00, v2;
	v2 =	vld [tilespmem:s1+$0xC8C0]  }
0x14e: {  	[tilespmem:s1+$0xC860] =	vst v5;
	v6 =	vmul.f32 $8.000000000e+00, v3;
	v3 =	vld [tilespmem:s1+$0xC8D0]  }
0x14f: {  	s0 =	sadd.s32 $0x400, s0;
	[tilespmem:s1+$0xC870] =	vst v7;
	v5 =	vmul.f32 $8.000000000e+00, v4;
	v4 =	vld [tilespmem:s1+$0xC8E0]  }
0x150: {  	[tilespmem:s1+$0xC880] =	vst v6;
	v1 =	vmul.f32 $8.000000000e+00, v1;
	v6 =	vld [tilespmem:s1+$0xC8F0]  }
0x151: {  	[tilespmem:s1+$0xC890] =	vst v5;
	v0 =	vmul.f32 $8.000000000e+00, v0  }
0x152: {  	[tilespmem:s1+$0xC8A0] =	vst v1;
	v1 =	vmul.f32 $8.000000000e+00, v2  }
0x153: {  	[tilespmem:s1+$0xC8B0] =	vst v0;
	v0 =	vmul.f32 $8.000000000e+00, v3  }
0x154: {  	[tilespmem:s1+$0xC8C0] =	vst v1;
	v1 =	vmul.f32 $8.000000000e+00, v4  }
0x155: {  	[tilespmem:s1+$0xC8D0] =	vst v0;
	v0 =	vmul.f32 $8.000000000e+00, v6  }
0x156: {  	[tilespmem:s1+$0xC8E0] =	vst v1  }
0x157: {  	s0 =	simm.s32 $0x0;
	[tilespmem:s1+$0xC8F0] =	vst v0  }
0x158: {  	[hbm4b:s9+s0] =	stream.linear.scatter [tilespmem:s17], [sflag:$0x7], $0x3200, $0x38;
	[tilespmem:$0x12C00] =	vst v63  }
0x159: {  	_ =	swait.ge [sflag:s23], $0x3200  }
0x15a: {  	[sflag:s23] =	ssyncset.done $0x0  }
0x15b: {  	s1 =	simm.s32 $0x0;
	[sflag:s23] =	ssyncadd.s32 $0xFFFFCE00  }
0x15c: {  	v0 =	vld [tilespmem:s1+$0xFA00]  }
0x15d: {  	v1 =	vld [tilespmem:s1+$0xFA10]  }
0x15e: {  	v2 =	vld [tilespmem:s1+$0xFA20]  }
0x15f: {  	v3 =	vld [tilespmem:s1+$0xFA30]  }
0x160: {  	v4 =	vld [tilespmem:s1+$0xFA40]  }
0x161: {  	v5 =	vld [tilespmem:s1+$0xFA50];
	v0 =	vmul.f32 $8.000000000e+00, v0  }
0x162: {  	v6 =	vld [tilespmem:s1+$0xFA60];
	v1 =	vmul.f32 $8.000000000e+00, v1  }
0x163: {  	v7 =	vld [tilespmem:s1+$0xFA70];
	[tilespmem:s1+$0xFA00] =	vst v0;
	v0 =	vmul.f32 $8.000000000e+00, v2  }
0x164: {  	v8 =	vld [tilespmem:s1+$0xFA80];
	[tilespmem:s1+$0xFA10] =	vst v1;
	v1 =	vmul.f32 $8.000000000e+00, v3  }
0x165: {  	v9 =	vld [tilespmem:s1+$0xFA90];
	[tilespmem:s1+$0xFA20] =	vst v0;
	v0 =	vmul.f32 $8.000000000e+00, v4  }
0x166: {  	v2 =	vmul.f32 $8.000000000e+00, v5;
	[tilespmem:s1+$0xFA30] =	vst v1;
	v1 =	vld [tilespmem:s1+$0xFAA0]  }
0x167: {  	v3 =	vmul.f32 $8.000000000e+00, v6;
	[tilespmem:s1+$0xFA40] =	vst v0;
	v0 =	vld [tilespmem:s1+$0xFAB0]  }
0x168: {  	[tilespmem:s1+$0xFA50] =	vst v2;
	v2 =	vld [tilespmem:s1+$0xFAC0];
	v4 =	vmul.f32 $8.000000000e+00, v7  }
0x169: {  	v6 =	vmul.f32 $8.000000000e+00, v8;
	[tilespmem:s1+$0xFA60] =	vst v3;
	v3 =	vld [tilespmem:s1+$0xFAD0]  }
0x16a: {  	s0 =	simm.s32 $0x400;
	v5 =	vmul.f32 $8.000000000e+00, v9;
	[tilespmem:s1+$0xFA70] =	vst v4;
	v4 =	vld [tilespmem:s1+$0xFAE0]  }
.LBB2_18:
0x16b: {  	s16 =	sshra.s32 s0, $0x2;
	p0 =	sne.s32 s0, $0xC400;
	[tilespmem:s1+$0xFA80] =	vst v6;
	v1 =	vmul.f32 $8.000000000e+00, v1;
	v6 =	vld [tilespmem:s1+$0xFAF0]  }
0x16c: {  	v7 =	vld [tilespmem:s16+$0xFA00];
	[tilespmem:s1+$0xFA90] =	vst v5;
	v0 =	vmul.f32 $8.000000000e+00, v0  }
0x16d: {  	v5 =	vld [tilespmem:s16+$0xFA10];
	[tilespmem:s1+$0xFAA0] =	vst v1;
	v1 =	vmul.f32 $8.000000000e+00, v2  }
0x16e: {  	v2 =	vld [tilespmem:s16+$0xFA20];
	[tilespmem:s1+$0xFAB0] =	vst v0;
	v0 =	vmul.f32 $8.000000000e+00, v3  }
0x16f: {  	v3 =	vld [tilespmem:s16+$0xFA30];
	[tilespmem:s1+$0xFAC0] =	vst v1;
	v1 =	vmul.f32 $8.000000000e+00, v4  }
0x170: {  	v4 =	vld [tilespmem:s16+$0xFA40];
	[tilespmem:s1+$0xFAD0] =	vst v0;
	v0 =	vmul.f32 $8.000000000e+00, v6  }
0x171: {  	v6 =	vmul.f32 $8.000000000e+00, v7;
	v7 =	vld [tilespmem:s16+$0xFA50];
	[tilespmem:s1+$0xFAE0] =	vst v1  }
0x172: {  	v1 =	vmul.f32 $8.000000000e+00, v5;
	v5 =	vld [tilespmem:s16+$0xFA60];
	[tilespmem:s1+$0xFAF0] =	vst v0;
	s1 =	smov.u32 s16  }
0x173: {  	[tilespmem:s1+$0xFA00] =	vst v6;
	v0 =	vmul.f32 $8.000000000e+00, v2;
	v2 =	vld [tilespmem:s1+$0xFA70]  }
0x174: {  	[tilespmem:s1+$0xFA10] =	vst v1;
	v1 =	vmul.f32 $8.000000000e+00, v3;
	v3 =	vld [tilespmem:s1+$0xFA80]  }
0x175: {  	[tilespmem:s1+$0xFA20] =	vst v0;
	v0 =	vmul.f32 $8.000000000e+00, v4;
	v4 =	vld [tilespmem:s1+$0xFA90]  }
.Ltmp8:
0x176: {  	[tilespmem:s1+$0xFA30] =	vst v1;
	v6 =	vmul.f32 $8.000000000e+00, v7;
	v1 =	vld [tilespmem:s1+$0xFAA0];
	(pc) =	sbr.rel @p0 .LBB2_18-.Ltmp8, $4  }
0x177: {  	[tilespmem:s1+$0xFA40] =	vst v0;
	v5 =	vmul.f32 $8.000000000e+00, v5;
	v0 =	vld [tilespmem:s1+$0xFAB0]  }
0x178: {  	[tilespmem:s1+$0xFA50] =	vst v6;
	v7 =	vmul.f32 $8.000000000e+00, v2;
	v2 =	vld [tilespmem:s1+$0xFAC0]  }
0x179: {  	[tilespmem:s1+$0xFA60] =	vst v5;
	v6 =	vmul.f32 $8.000000000e+00, v3;
	v3 =	vld [tilespmem:s1+$0xFAD0]  }
0x17a: {  	s0 =	sadd.s32 $0x400, s0;
	[tilespmem:s1+$0xFA70] =	vst v7;
	v5 =	vmul.f32 $8.000000000e+00, v4;
	v4 =	vld [tilespmem:s1+$0xFAE0]  }
0x17b: {  	[tilespmem:s1+$0xFA80] =	vst v6;
	v1 =	vmul.f32 $8.000000000e+00, v1;
	v59 =	vld [tilespmem:s1+$0xFAF0]  }
0x17c: {  	[tilespmem:s1+$0xFA90] =	vst v5;
	v0 =	vmul.f32 $8.000000000e+00, v0  }
0x17d: {  	[tilespmem:s1+$0xFAA0] =	vst v1;
	v60 =	vmul.f32 $8.000000000e+00, v2  }
0x17e: {  	[tilespmem:s1+$0xFAB0] =	vst v0;
	v61 =	vmul.f32 $8.000000000e+00, v3  }
0x17f: {  	[tilespmem:s1+$0xFAC0] =	vst v60;
	v62 =	vmul.f32 $8.000000000e+00, v4  }
0x180: {  	[tilespmem:s1+$0xFAD0] =	vst v61;
	v63 =	vmul.f32 $8.000000000e+00, v59  }
0x181: {  	[tilespmem:s1+$0xFAE0] =	vst v62  }
0x182: {  	[tilespmem:s1+$0xFAF0] =	vst v63  }
0x183: {  	[hbm4b:s10+s4] =	stream.linear.scatter [tilespmem:s19], [sflag:$0x8], $0x3200, $0x38;
	[tilespmem:$0x12C00] =	vst v63  }
0x184: {  	_ =	swait.ge [sflag:s24], $0x3200  }
0x185: {  	[sflag:s24] =	ssyncset.done $0x0  }
0x186: {  	[sflag:s24] =	ssyncadd.s32 $0xFFFFCE00  }
0x187: {  	_ =	swait.ge [sflag:s25], $0x3200  }
0x188: {  	[sflag:s25] =	ssyncset.done $0x0  }
0x189: {  	s29 =	sadd.s32 $0x1, s29;
	[sflag:s25] =	ssyncadd.s32 $0xFFFFCE00  }
0x18a: {  	p0 =	sne.s32 s29, s11;
	_ =	swait.ge [sflag:s26], $0x3200  }
.Ltmp9:
0x18b: {  	[sflag:s26] =	ssyncset.done $0x0;
	(pc) =	sbr.rel @p0 .LBB2_1-.Ltmp9, $4  }
0x18c: {  	[sflag:s26] =	ssyncadd.s32 $0xFFFFCE00  }
0x18d: {  	_ =	swait.ge [sflag:s28], $0x3200  }
0x18e: {  	[sflag:s28] =	ssyncset.done $0x0  }
0x18f: {  	[sflag:s28] =	ssyncadd.s32 $0xFFFFCE00  }
0x190: {  	_ =	sfence.sel $0x180000  }
0x191: {  	[bflag:$0x0] =	sbarrier.arrive $0xFFFF  }
0x192: {  	_ =	strace $0x90000047  }
0x193: {  	s0 =	stileid.u32;
	[bflag:$0x2] =	sbarrier.arrive $0xFFFF  }
0x194: {  	p0 =	sne.s32 s0, $0x0;
	s0 =	rddreg [dreg:$0x2]  }
0x195: {  	s0 =	sadd.s32 @!p0 $0x100000, s0  }
0x196: {  	[sflag:s0] =	ssyncadd.tile.s32 @!p0 $0x1;
	_ =	shalt  }
.Lfunc_end2:
_tile_overlayer_lowered:
.L_overlay_start_2:
0x197: {  	(tag) =	ssettag $0x2  }
0x198: {  	s0 =	rddreg [dreg:$0x0];
	s2 =	stileid.u32  }
0x199: {  	s1 =	rddreg [dreg:$0x1];
	p0 =	sne.s32 s2, $0x0  }
0x19a: {  	s3 =	rddreg [dreg:$0x2];
	[bflag:$0x3] =	sbarrier.arrive $0xFFFF;
	s2 =	simm.s32 @!p0 $0x1C09  }
0x19b: {  	[timem:s3], [sflag:s2] =	dma.local @!p0 [hbm:s0], s1  }
0x19c: {  	s0 =	simm.s32 @!p0 $0x9  }
0x19d: {  	_ =	swait.ge @!p0 [sflag:s0], s1  }
0x19e: {  	s1 =	ssub.s32 @!p0 $0x0, s1;
	[sflag:s0] =	ssyncset.done @!p0 $0x0  }
0x19f: {  	[sflag:s0] =	ssyncadd.s32 @!p0 s1  }
0x1a0: {  	[bflag:$0x3] =	sbarrier.arrive $0xFFFF  }
0x1a1: {  	_ =	shalt  }

// kernel: sparse-core-data-format-call.cloned.1.call-start
scs
called_computation_lowered:
.L_overlay_start_0:
0x0: {  	s2 =	sld [smem:$0x3FD9]  }
0x1: {  	s3 =	sld [smem:$0x3FFE];
	_ =	sdelay $0x1  }
0x2: {  	s1 =	srdreg.scid  }
0x3: {  	s0 =	sand.u32 $0x1, s1  }
0x4: {  	s18 =	sshll.u32 s0, $0xA;
	s2 =	sadd.s32 s3, s2  }
0x5: {  	s2 =	sadd.s32 s2, s18  }
0x6: {  	[smem:$0x3FC6] =	sst s2  }
0x7: {  	_ = 	snop  }
0x8: {  	s2 =	sld [smem:$0x3FD0];
	(tm) =	ssettm $0x1  }
0x9: {  	s19 =	sld [smem:$0x3FFB];
	_ =	sdelay $0x3  }
0xa: {  	_ =	strace s19  }
0xb: {  	s3 =	sld [smem:$0x3FFC];
	_ =	sdelay $0x3  }
0xc: {  	_ =	strace s3  }
0xd: {  	s3 =	sld [smem:$0x3FFD];
	_ =	sdelay $0x3  }
0xe: {  	_ =	strace s3  }
0xf: {  	_ =	strace $0x8FFFFFFF  }
0x10: {  	s20 =	sld [smem:$0x3FDB];
	_ =	sdelay $0x1  }
0x11: {  	s4 =	simm.s32 $_scs_section_size  }
0x12: {  	s5 =	simm.s32 $_size__tile_overlayer_lowered;
	s6 =	simm.s32 $_tile_overlayer_lowered  }
0x13: {  	s23 =	simm.s32 $0x1BFF;
	s22 =	sshll.u32 s6, $0x1;
	s3 =	sadd.s32 s4, s20  }
0x14: {  	s7 =	simm.s32 $0x0;
	s21 =	sshll.u32 s5, $0x1;
	s5 =	sadd.s32 s22, s3  }
0x15: {  	[timem:s7], [sflag:s23] =	dma.local [hbm:s5], s21  }
0x16: {  	_ =	swait.ge [sflag:s23], s21  }
0x17: {  	s4 =	ssub.s32 $0x0, s21;
	[sflag:s23] =	ssyncset.done $0x0  }
0x18: {  	[sflag:s23] =	ssyncadd.s32 s4;
	_ =	sdelay $0x1  }
0x19: {  	s24 =	simm.s32 $0x1B8B  }
0x1a: {  	_ =	swait.ge [sflag:s24], $0x1  }
0x1b: {  	[sflag:s24] =	ssyncset.done $0x0  }
0x1c: {  	s26 =	simm.s32 $0x1B8E;
	s25 =	sld [smem:$0x3FFE];
	[sflag:s24] =	ssyncadd.s32 $0xFFFFFFFF  }
0x1d: {  	s27 =	simm.s32 $execute0_lowered;
	[smem:$0x3FD2] =	sst s26  }
0x1e: {  	s5 =	sshll.u32 s27, $0x1;
	_ =	strace $0x80000049;
	[dreg:$0x1] =	wrdreg $0xFFFFFFFF  }
0x1f: {  	s28 =	simm.s32 $_size_execute0_lowered;
	s3 =	sadd.s32 s3, s5;
	[dreg:$0x0] =	wrdreg $0x0  }
0x20: {  	s5 =	sshll.u32 s28, $0x1;
	[dreg:$0x2] =	wrdreg s3  }
0x21: {  	[dreg:$0x3] =	wrdreg s5  }
0x22: {  	[dreg:$0x4] =	wrdreg $0xC0  }
0x23: {  	_ =	task [dreg:s7], $0x5FFFF  }
0x24: {  	[dreg:$0x1] =	wrdreg $0xFFFFFFFF  }
0x25: {  	[dreg:$0x0] =	wrdreg $0x60  }
0x26: {  	[dreg:$0x2] =	wrdreg s25  }
0x27: {  	[dreg:$0x3] =	wrdreg s2  }
0x28: {  	[dreg:$0x4] =	wrdreg $0x9  }
0x29: {  	_ =	task.clear_ibuf [dreg:s7], $0x5FFFF;
	_ =	strace $0x90000049  }
0x2a: {  	s29 =	simm.s32 $0x9;
	_ =	strace $0x8000004B  }
0x2b: {  	_ =	swait.ge [sflag:s29], $0x1  }
0x2c: {  	[sflag:s29] =	ssyncadd.s32 $0xFFFFFFFF  }
0x2d: {  	_ =	strace $0x9000004B  }
0x2e: {  	_ =	sfence  }
0x2f: {  	s30 =	sld [smem:$0x0];
	_ =	sdelay $0x2  }
0x30: {  	s31 =	sshll.u32 s1, $0xD;
	s1 =	sshrl.u32 s1, $0x2  }
0x31: {  	s3 =	sand.u32 $0x4000, s31;
	s1 =	sadd.s32 s1, s30  }
0x32: {  	s0 =	sor.u32 s3, s0;
	s1 =	sshll.u32 s1, $0x11  }
0x33: {  	s0 =	sor.u32 s1, s0  }
0x34: {  	s0 =	sadd.s32 $0x8F2B, s0  }
0x35: {  	[sflag:s0] =	ssyncadd.remote.s32 $0x1  }
0x36: {  	_ =	sfence.sel $0xFFFF  }
0x37: {  	[dreg:$0x0] =	wrdreg $0xFFFFFFFF;
	(pc) =	sbr.abs _section_cstart, $3  }
0x38: {  	[dreg:$0x1] =	wrdreg $0xFFFFFFFF  }
0x39: {  	_ =	task.clear_ibuf [dreg:s7], $0x2FFFF;
	_ =	strace $0x9FFFFFFF  }
0x3a: {  	(tm) =	ssettm $0x7FFFFFFF  }
0x3b: {  	_ =	shalt  }
tec
execute0_lowered:
.L_overlay_start_1:
0x0: {  	(tag) =	ssettag $0x1  }
0x1: {  	s0 =	srdreg.scid  }
0x2: {  	s1 =	sshll.u32 s0, $0x4  }
0x3: {  	s0 =	stileid.u32;
	s1 =	sand.u32 $0x10, s1  }
0x4: {  	s1 =	sor.u32 s0, s1  }
0x5: {  	s6 =	rddreg [dreg:$0x0];
	s4 =	simm.s32 $0x1;
	s2 =	sshll.u32 s1, $0x7  }
0x6: {  	s7 =	simm.s32 $0x2;
	s12 =	simm.s32 $0x0;
	s1 =	ssub.s32 $0x1000, s2  }
0x7: {  	s8 =	simm.s32 $0x8000;
	s13 =	simm.s32 $0x0;
	s3 =	sand.u32 $0xF80, s1  }
0x8: {  	s9 =	simm.s32 $0x0;
	s5 =	sshrl.u32 s1, $0xC;
	p0 =	sne.s32 s3, $0x0  }
.Ltmp0:
0x9: {  	s1 =	rddreg [dreg:$0x2];
	s4 =	simm.s32 @!p0 $0x0;
	(pc) =	sbr.rel .LBB1_1-.Ltmp0, $4  }
0xa: {  	s11 =	simm.s32 $0x0;
	s3 =	rddreg [dreg:$0x1];
	s5 =	sadd.s32 s4, s5  }
0xb: {  	_ =	strace $0x8000004A;
	s4 =	simm.s32 $0x1;
	s5 =	smul.u32 $0xC8, s5  }
0xc: {  	s6 =	sadd.s32 $0xA00, s6;
	s10 =	smov.u32 s2;
	[sflag:s4] =	ssyncpa.u1 $0x0  }
0xd: {  	p0 =	por $0x0, $0x0;
	[sflag:s7] =	ssyncpa.u1 $0x0;
	s7 =	sor.u32 $0x1, s5  }
.LBB1_4:
0xe: {  	s16 =	sshll.u32 s13, $0x3;
	s17 =	sand.u32 $0x78, s13  }
0xf: {  	s30 =	sand.u32 $0x7E00, s13;
	s12 =	sshll.u32 s12, $0xF;
	s16 =	sand.u32 $0xC00, s16  }
0x10: {  	[tilespmem:s15+$0x810 ss:$0x81] =	vst.msk $0xffff, v2;
	s31 =	sand.u32 $0x7, s13;
	s16 =	sor.u32 s17, s16;
	s17 =	sadd.s32 s3, s30  }
0x11: {  	[tilespmem:s15+$0x1020 ss:$0x81] =	vst.msk $0xffff, v0;
	s13 =	sshll.u32 s31, $0x12;
	s12 =	sadd.s32 s12, s17;
	s16 =	sshrl.u32 s16, $0x3  }
0x12: {  	[tilespmem:s15+$0x0 ss:$0x81] =	vst.msk $0xffff, v1;
	s13 =	sor.u32 $0x400, s13;
	s12 =	sadd.s32 s16, s12  }
0x13: {  	[hbm4b:s12+s13] =	stream.strided.scatter [tilespmem:s14], [sflag:$0x2], $0x2000, s8, s13, $0x20;
	[tilespmem:$0x8080] =	vst v63  }
.LBB1_5:
0x14: {  	s14 =	sadd.s32 $0x1, s9  }
0x15: {  	s12 =	sadd.s32 $0x1000, s10;
	s16 =	smov.u32 s10;
	p2 =	sgt.s32 s14, $0xC7  }
0x16: {  	s16 =	smov.u32 @p2 s12  }
0x17: {  	s14 =	simm.s32 @p2 $0x0;
	p2 =	sgt.s32 s16, $0xFFF  }
0x18: {  	s16 =	smov.u32 @p2 s2;
	p2 =	sne.s32 s11, s7  }
.Ltmp1:
0x19: {  	p1 =	slt.u32 s11, $0x2;
	(pc) =	sbr.rel @!p2 .LBB1_6-.Ltmp1, $4  }
0x1a: {  	s15 =	simm.s32 @!p1 $0x2  }
0x1b: {  	s13 =	smov.u32 s10;
	p0 =	por !p0, !p0;
	_ =	swait.ge @!p1 [sflag:s15], $0x2000  }
0x1c: {  	s12 =	smov.u32 s9;
	[sflag:s15] =	ssyncset.done @!p1 $0x0;
	s9 =	smov.u32 s14  }
0x1d: {  	s11 =	sadd.s32 $0x1, s11;
	[sflag:s15] =	ssyncadd.s32 @!p1 $0xFFFFE000;
	s10 =	smov.u32 s16  }
.LBB1_1:
0x1e: {  	p1 =	sge.u32 s11, s5  }
0x1f: {  	s14 =	sand.u32 @!p1 $0x1FFFFFF, s9  }
0x20: {  	s15 =	smulhi.u32 @!p1 $0x147AE15, s14;
	_ =	sdelay $0x1  }
0x21: {  	s15 =	smul.u32 @!p1 $0xC8, s15  }
0x22: {  	s16 =	sxor.u32 @!p1 $0xFFFFFFFF, s11;
	s17 =	smul.u32 @!p1 $0xC80, s10  }
0x23: {  	s31 =	sadd.s32 $0xFFFFFFFF, s11;
	s16 =	sshll.u32 @!p1 s16, $0xD;
	s14 =	ssub.s32 @!p1 s14, s15  }
0x24: {  	s15 =	sand.u32 @!p1 $0x2000, s16;
	s16 =	sadd.s32 @!p1 s6, s17;
	s14 =	sshll.u32 @!p1 s14, $0x4  }
0x25: {  	s17 =	simm.s32 @!p1 $0x6400;
	s14 =	sadd.s32 @!p1 s14, s16;
	s16 =	simm.s32 @!p1 $0x40  }
0x26: {  	[tilespmem:s15], [sflag:$0x1] =	stream.strided.gather @!p1 [hbm4b:s14+s16], $0x2000, s17, s16, $0x38;
	[tilespmem:$0x8080] =	vst v63  }
0x27: {  	p1 =	sge.u32 s31, s5  }
.Ltmp2:
0x28: {  	_ = 	snop;
	(pc) =	sbr.rel @p1 .LBB1_5-.Ltmp2, $1  }
0x29: {  	_ =	sdelay $0x3  }
0x2a: {  	s14 =	simm.s32 $0x1  }
0x2b: {  	_ =	swait.ge [sflag:s4], $0x2000;
	s14 =	simm.s32 @!p0 $0x0  }
0x2c: {  	[sflag:s4] =	ssyncset.done $0x0;
	s15 =	sshll.u32 s14, $0xD  }
0x2d: {  	[sflag:s4] =	ssyncadd.s32 $0xFFFFE000;
	s18 =	sor.u32 $0x20, s15  }
0x2e: {  	s14 =	smul.u32 $0x8100, s14;
	v3 =	vld [tilespmem:s18+$0x10]  }
0x2f: {  	s30 =	sand.u32 $0x1, s11;
	v2 =	vld [tilespmem:s18+$0xFFFFFFF0]  }
0x30: {  	s15 =	smul.u32 $0x8100, s30;
	s14 =	sshrl.u32 s14, $0x2;
	v0 =	vld [tilespmem:s18+$0x0]  }
0x31: {  	v1 =	vld [tilespmem:s18+$0xFFFFFFE0];
	s16 =	sor.u32 $0x4000, s14  }
0x32: {  	s31 =	sshrl.u32 s15, $0x2;
	s15 =	sadd.s32 $0x0, s16  }
0x33: {  	s17 =	simm.s32 $0x4;
	s18 =	sadd.s32 $0x40, s18;
	s14 =	sor.u32 $0x4000, s31;
	[tilespmem:s15+$0x1830 ss:$0x81] =	vst.msk $0xffff, v3  }
.LBB1_3:
0x34: {  	v3 =	vld [tilespmem:s18+$0x10];
	p1 =	sne.s32 s17, $0x1FC;
	[tilespmem:s15+$0x810 ss:$0x81] =	vst.msk $0xffff, v2;
	s19 =	smov.u32 s17;
	s17 =	sadd.s32 $0x4, s17  }
.Ltmp3:
0x35: {  	v2 =	vld [tilespmem:s18+$0xFFFFFFF0];
	[tilespmem:s15+$0x1020 ss:$0x81] =	vst.msk $0xffff, v0;
	(pc) =	sbr.rel @p1 .LBB1_3-.Ltmp3, $4  }
0x36: {  	v0 =	vld [tilespmem:s18+$0x0];
	[tilespmem:s15+$0x0 ss:$0x81] =	vst.msk $0xffff, v1  }
0x37: {  	s15 =	sshra.s32 s19, $0x2;
	v1 =	vld [tilespmem:s18+$0xFFFFFFE0]  }
0x38: {  	s15 =	sadd.s32 s15, s16  }
0x39: {  	s18 =	sadd.s32 $0x40, s18;
	[tilespmem:s15+$0x1830 ss:$0x81] =	vst.msk $0xffff, v3  }
.Ltmp4:
0x3a: {  	_ = 	snop;
	(pc) =	sbr.rel .LBB1_4-.Ltmp4, $1  }
0x3b: {  	_ =	sdelay $0x3  }
.LBB1_6:
0x3c: {  	_ =	sfence.sel $0x180000  }
0x3d: {  	s2 =	simm.s32 $0x1;
	[bflag:$0x0] =	sbarrier.arrive $0xFFFF  }
0x3e: {  	s31 =	simm.s32 $0x2;
	[sflag:s2] =	ssyncpa.u1 $0x1  }
0x3f: {  	[sflag:s31] =	ssyncpa.u1 $0x1  }
0x40: {  	p0 =	sne.s32 s0, $0x0;
	_ =	strace $0x9000004A  }
0x41: {  	s0 =	sadd.s32 @!p0 $0x100000, s1;
	[bflag:$0x2] =	sbarrier.arrive $0xFFFF  }
0x42: {  	[sflag:s0] =	ssyncadd.tile.s32 @!p0 $0x1;
	_ =	shalt  }
.Lfunc_end1:
_tile_overlayer_lowered:
.L_overlay_start_2:
0x43: {  	(tag) =	ssettag $0x2  }
0x44: {  	s0 =	rddreg [dreg:$0x0];
	s2 =	stileid.u32  }
0x45: {  	s1 =	rddreg [dreg:$0x1];
	p0 =	sne.s32 s2, $0x0  }
0x46: {  	s3 =	rddreg [dreg:$0x2];
	[bflag:$0x3] =	sbarrier.arrive $0xFFFF;
	s2 =	simm.s32 @!p0 $0x1C01  }
0x47: {  	[timem:s3], [sflag:s2] =	dma.local @!p0 [hbm:s0], s1  }
0x48: {  	s0 =	simm.s32 @!p0 $0x1  }
0x49: {  	_ =	swait.ge @!p0 [sflag:s0], s1  }
0x4a: {  	s1 =	ssub.s32 @!p0 $0x0, s1;
	[sflag:s0] =	ssyncset.done @!p0 $0x0  }
0x4b: {  	[sflag:s0] =	ssyncadd.s32 @!p0 s1  }
0x4c: {  	[bflag:$0x3] =	sbarrier.arrive $0xFFFF  }
0x4d: {  	_ =	shalt  }

</sc_bundles>
